<compile_context>
chip_gen: v7x
topology: tpu7x:2x2x1
jax: 0.10.2.dev20260603
libtpu: 0.0.44.dev20260713+nightly
codegen_flags: <defaults>
</compile_context>

<pallas_src>
import functools

import jax
import jax.numpy as jnp
from jax import lax
from jax.experimental import pallas as pl
from jax.experimental.pallas import tpu as pltpu
from jax.experimental.pallas import tpu_sc as plsc

D = 128
NC, NS = 2, 16
NW = NC * NS
CHUNK = 80


def _silu(x):
    return x * (1.0 / (1.0 + jnp.exp(-x)))



def _pq_body(x_ref, ws_ref, wr_ref, p_ref, q_ref):
    x = x_ref[...]
    p_ref[...] = jnp.dot(x, ws_ref[...], preferred_element_type=jnp.float32)
    q_ref[...] = jnp.dot(x, wr_ref[...], preferred_element_type=jnp.float32)


def _compute_pq(x_nodes, Ws, Wr, nb):
    n = x_nodes.shape[0]
    return pl.pallas_call(
        _pq_body,
        grid=(n // nb,),
        in_specs=[
            pl.BlockSpec((nb, D), lambda i: (i, 0)),
            pl.BlockSpec((D, D), lambda i: (0, 0)),
            pl.BlockSpec((D, D), lambda i: (0, 0)),
        ],
        out_specs=[
            pl.BlockSpec((nb, D), lambda i: (i, 0)),
            pl.BlockSpec((nb, D), lambda i: (i, 0)),
        ],
        out_shape=[jax.ShapeDtypeStruct((n, D), jnp.float32)] * 2,
    )(x_nodes, Ws, Wr)


def _edge_body(g_ref, xe_ref, we_ref, b1_ref, w2_ref, b2_ref, m_ref):
    pre = (g_ref[...]
           + jnp.dot(xe_ref[...], we_ref[...], preferred_element_type=jnp.float32)
           + b1_ref[...])
    h = _silu(pre)
    m_ref[...] = _silu(
        jnp.dot(h, w2_ref[...], preferred_element_type=jnp.float32) + b2_ref[...])


def _edge_mlp(G, x_edges, We, b1, W2, b2, eb):
    e, de = x_edges.shape
    return pl.pallas_call(
        _edge_body,
        grid=(e // eb,),
        in_specs=[
            pl.BlockSpec((eb, D), lambda i: (i, 0)),
            pl.BlockSpec((eb, de), lambda i: (i, 0)),
            pl.BlockSpec((de, D), lambda i: (0, 0)),
            pl.BlockSpec((1, D), lambda i: (0, 0)),
            pl.BlockSpec((D, D), lambda i: (0, 0)),
            pl.BlockSpec((1, D), lambda i: (0, 0)),
        ],
        out_specs=pl.BlockSpec((eb, D), lambda i: (i, 0)),
        out_shape=jax.ShapeDtypeStruct((e, D), jnp.float32),
    )(G, x_edges, We, b1, W2, b2)


def _node_body(x_ref, a_ref, w1x_ref, w1a_ref, b1_ref, w2_ref, b2_ref, o_ref):
    a = a_ref[0] + a_ref[1]
    u = _silu(jnp.dot(x_ref[...], w1x_ref[...], preferred_element_type=jnp.float32)
              + jnp.dot(a, w1a_ref[...], preferred_element_type=jnp.float32)
              + b1_ref[...])
    o_ref[...] = (jnp.dot(u, w2_ref[...], preferred_element_type=jnp.float32)
                  + b2_ref[...])


def _node_net(x_nodes, A, W1x, W1a, b1, W2, b2, nb):
    n = x_nodes.shape[0]
    return pl.pallas_call(
        _node_body,
        grid=(n // nb,),
        in_specs=[
            pl.BlockSpec((nb, D), lambda i: (i, 0)),
            pl.BlockSpec((NC, nb, D), lambda i: (0, i, 0)),
            pl.BlockSpec((D, D), lambda i: (0, 0)),
            pl.BlockSpec((D, D), lambda i: (0, 0)),
            pl.BlockSpec((1, D), lambda i: (0, 0)),
            pl.BlockSpec((D, D), lambda i: (0, 0)),
            pl.BlockSpec((1, D), lambda i: (0, 0)),
        ],
        out_specs=pl.BlockSpec((nb, D), lambda i: (i, 0)),
        out_shape=jax.ShapeDtypeStruct((n, D), jnp.float32),
    )(x_nodes, A, W1x, W1a, b1, W2, b2)



def _sc_gather(P, Q, sender3d, receiver3d):
    nchunk = sender3d.shape[1]
    epw = nchunk * CHUNK
    n_edges = NW * epw
    mesh = plsc.VectorSubcoreMesh(core_axis_name="c", subcore_axis_name="s",
                                  num_cores=NC, num_subcores=NS)

    @functools.partial(
        pl.kernel,
        out_type=jax.ShapeDtypeStruct((n_edges, D), jnp.float32),
        mesh=mesh,
        scratch_types=[
            pltpu.VMEM((nchunk, CHUNK), jnp.int32),
            pltpu.VMEM((nchunk, CHUNK), jnp.int32),
            pltpu.VMEM((2, CHUNK, D), jnp.float32),
            pltpu.VMEM((2, CHUNK, D), jnp.float32),
            pltpu.VMEM((2, CHUNK, D), jnp.float32),
            pltpu.SemaphoreType.DMA, pltpu.SemaphoreType.DMA,
            pltpu.SemaphoreType.DMA, pltpu.SemaphoreType.DMA,
            pltpu.SemaphoreType.DMA, pltpu.SemaphoreType.DMA,
        ],
    )
    def k(p_hbm, q_hbm, s_hbm, r_hbm, out_hbm,
          idxs, idxr, bufp, bufq, obuf, sp0, sp1, sq0, sq1, so0, so1):
        sp, sq, so = (sp0, sp1), (sq0, sq1), (so0, so1)
        wid = lax.axis_index("s") * NC + lax.axis_index("c")
        base = wid * epw

        pltpu.sync_copy(s_hbm.at[wid], idxs)
        pltpu.sync_copy(r_hbm.at[wid], idxr)

        def issue(c, b):
            pltpu.async_copy(p_hbm.at[idxs.at[c]], bufp.at[b], sp[b])
            pltpu.async_copy(q_hbm.at[idxr.at[c]], bufq.at[b], sq[b])

        def process(c, b, wait_prev_write):
            pltpu.make_async_copy(p_hbm.at[idxs.at[c]], bufp.at[b], sp[b]).wait()
            pltpu.make_async_copy(q_hbm.at[idxr.at[c]], bufq.at[b], sq[b]).wait()

            @pl.when(wait_prev_write)
            def _():
                pltpu.make_async_copy(
                    obuf.at[b], out_hbm.at[pl.ds(base, CHUNK)], so[b]).wait()

            def add_row(e, cc):
                for j in range(D // 16):
                    sl = pl.ds(j * 16, 16)
                    obuf[b, e, sl] = bufp[b, e, sl] + bufq[b, e, sl]
                return cc

            lax.fori_loop(0, CHUNK, add_row, 0, unroll=2)
            off = base + c * CHUNK
            pltpu.async_copy(obuf.at[b], out_hbm.at[pl.ds(off, CHUNK)], so[b])

        issue(0, 0)
        issue(1, 1)

        def pair_body(c2, carry):
            c0 = 2 * c2
            process(c0, 0, c2 > 0)
            issue(c0 + 2, 0)
            process(c0 + 1, 1, c2 > 0)

            @pl.when(c0 + 3 < nchunk)
            def _():
                issue(c0 + 3, 1)

            return carry

        lax.fori_loop(0, (nchunk - 1) // 2, pair_body, 0)
        process(nchunk - 1, 0, True)
        pltpu.make_async_copy(obuf.at[0], out_hbm.at[pl.ds(base, CHUNK)], so0).wait()
        pltpu.make_async_copy(obuf.at[1], out_hbm.at[pl.ds(base, CHUNK)], so1).wait()

    return k(P, Q, sender3d, receiver3d)


def _sc_scatter(M, receiver3d, n_nodes):
    nchunk = receiver3d.shape[1]
    epw = nchunk * CHUNK
    rows_per_sub = (n_nodes // NS) // 8 * 8
    tail_off = NS * rows_per_sub
    tail_rows = n_nodes - tail_off
    zr = 16
    mesh = plsc.VectorSubcoreMesh(core_axis_name="c", subcore_axis_name="s",
                                  num_cores=NC, num_subcores=NS)

    @functools.partial(
        pl.kernel,
        out_type=jax.ShapeDtypeStruct((NC, n_nodes, D), jnp.float32),
        mesh=mesh,
        scratch_types=[
            pltpu.VMEM((4, CHUNK), jnp.int32),
            pltpu.VMEM((4, CHUNK, D), jnp.float32),
            pltpu.VMEM((zr, D), jnp.float32),
            pltpu.VMEM_SHARED((n_nodes, D), jnp.float32),
            pltpu.SemaphoreType.DMA, pltpu.SemaphoreType.DMA,
            pltpu.SemaphoreType.DMA, pltpu.SemaphoreType.DMA,
            pltpu.SemaphoreType.DMA, pltpu.SemaphoreType.DMA,
            pltpu.SemaphoreType.DMA, pltpu.SemaphoreType.DMA,
        ],
    )
    def k(m_hbm, r_hbm, out_hbm, idx, bufm, zbuf, acc,
          sf0, sf1, sf2, sf3, ss0, ss1, ss2, ss3):
        sf = (sf0, sf1, sf2, sf3)
        ss = (ss0, ss1, ss2, ss3)
        cid = lax.axis_index("c")
        sid = lax.axis_index("s")
        wid = sid * NC + cid

        zero = jnp.zeros((16,), jnp.float32)

        def zrow(e, cc):
            for j in range(D // 16):
                zbuf[e, pl.ds(j * 16, 16)] = zero
            return cc

        lax.fori_loop(0, zr, zrow, 0)

        def zcopy(kk, cc):
            pltpu.sync_copy(zbuf, acc.at[pl.ds(sid * rows_per_sub + kk * zr, zr)])
            return cc

        lax.fori_loop(0, rows_per_sub // zr, zcopy, 0)

        @pl.when(sid == NS - 1)
        def _():
            pltpu.sync_copy(zbuf, acc.at[pl.ds(tail_off, tail_rows)])

        plsc.subcore_barrier()

        base = wid * epw

        def fill(c, b):
            off = base + c * CHUNK
            pltpu.async_copy(r_hbm.at[wid, c], idx.at[b], sf[b])
            pltpu.async_copy(m_hbm.at[pl.ds(off, CHUNK)], bufm.at[b], sf[b])

        def wait_fill(c, b):
            off = base + c * CHUNK
            pltpu.make_async_copy(r_hbm.at[wid, c], idx.at[b], sf[b]).wait()
            pltpu.make_async_copy(m_hbm.at[pl.ds(off, CHUNK)], bufm.at[b], sf[b]).wait()

        def wait_scat(b):
            pltpu.make_async_copy(bufm.at[b], acc.at[idx.at[b]], ss[b]).wait()

        fill(0, 0)
        fill(1, 1)

        def ring_body(g4, carry):
            for kk in range(4):
                g = 4 * g4 + kk
                b = kk
                b2 = (kk + 2) % 4

                @pl.when(g < nchunk)
                def _():
                    wait_fill(g, b)
                    pltpu.async_copy(bufm.at[b], acc.at[idx.at[b]], ss[b], add=True)

                @pl.when((g >= 2) & (g - 2 < nchunk))
                def _():
                    wait_scat(b2)

                @pl.when(g + 2 < nchunk)
                def _():
                    fill(g + 2, b2)

            return carry

        lax.fori_loop(0, (nchunk + 3) // 4, ring_body, 0)
        plsc.subcore_barrier()
        pltpu.sync_copy(acc.at[pl.ds(sid * rows_per_sub, rows_per_sub)],
                        out_hbm.at[cid, pl.ds(sid * rows_per_sub, rows_per_sub)])

        @pl.when(sid == NS - 1)
        def _():
            pltpu.sync_copy(acc.at[pl.ds(tail_off, tail_rows)],
                            out_hbm.at[cid, pl.ds(tail_off, tail_rows)])

    return k(M, receiver3d)



def kernel(x_nodes, x_edges, edge_index, We1, be1, We2, be2, Wn1, bn1, Wn2, bn2):
    n_nodes = x_nodes.shape[0]
    n_edges = edge_index.shape[1]
    nchunk = n_edges // NW // CHUNK
    sender = edge_index[0].astype(jnp.int32)
    receiver = edge_index[1].astype(jnp.int32)
    sender3 = sender.reshape(NW, nchunk, CHUNK)
    receiver3 = receiver.reshape(NW, nchunk, CHUNK)
    Ws, Wr, We = We1[:D], We1[D:2 * D], We1[2 * D:]
    b1e = be1.reshape(1, D)
    b2e = be2.reshape(1, D)
    b1n = bn1.reshape(1, D)
    b2n = bn2.reshape(1, D)

    P, Q = _compute_pq(x_nodes, Ws, Wr, nb=2000)
    G = _sc_gather(P, Q, sender3, receiver3)
    M = _edge_mlp(G, x_edges, We, b1e, We2, b2e, eb=2000)
    A = _sc_scatter(M, receiver3, n_nodes)
    return _node_net(x_nodes, A, Wn1[:D], Wn1[D:], b1n, Wn2, b2n, nb=2000)

# --- scband reference (transcript-rebuilt; emitter-appended) ---
"""Pipeline reference for scband-gnnlayer-28217935135265 (READ-ONLY COPY).

The authoritative reference and input builder live on the scoring server;
editing this copy changes nothing except your own understanding.
"""

import jax, jax.numpy as jnp
import numpy as np

N_NODES = 10000
N_EDGES = 320000
D_NODE = 128
D_EDGE = 16


def _glorot(key, fan_in, fan_out):
    lim = np.sqrt(6.0 / (fan_in + fan_out))
    return jax.random.uniform(key, (fan_in, fan_out), dtype=jnp.float32, minval=-lim, maxval=lim)


def setup_inputs(seed: int = 0) -> dict:
    key = jax.random.key(seed)
    ks = jax.random.split(key, 12)
    x_nodes = jax.random.normal(ks[0], (N_NODES, D_NODE), dtype=jnp.float32)
    x_edges = jax.random.normal(ks[1], (N_EDGES, D_EDGE), dtype=jnp.float32)
    edge_index = jax.random.randint(ks[2], (2, N_EDGES), 0, N_NODES, dtype=jnp.int64 if jax.config.jax_enable_x64 else jnp.int32)
    # edge_net: Linear(2*D_NODE + D_EDGE -> D_NODE), SiLU, Linear(D_NODE -> D_NODE), SiLU
    We1 = _glorot(ks[3], 2 * D_NODE + D_EDGE, D_NODE)
    be1 = jnp.zeros((D_NODE,), dtype=jnp.float32)
    We2 = _glorot(ks[4], D_NODE, D_NODE)
    be2 = jnp.zeros((D_NODE,), dtype=jnp.float32)
    # node_net: Linear(2*D_NODE -> D_NODE), SiLU, Linear(D_NODE -> D_NODE)
    Wn1 = _glorot(ks[5], 2 * D_NODE, D_NODE)
    bn1 = jnp.zeros((D_NODE,), dtype=jnp.float32)
    Wn2 = _glorot(ks[6], D_NODE, D_NODE)
    bn2 = jnp.zeros((D_NODE,), dtype=jnp.float32)
    return {"x_nodes": x_nodes, "x_edges": x_edges, "edge_index": edge_index,
            "We1": We1, "be1": be1, "We2": We2, "be2": be2,
            "Wn1": Wn1, "bn1": bn1, "Wn2": Wn2, "bn2": bn2}


def reference(x_nodes, x_edges, edge_index, We1, be1, We2, be2, Wn1, bn1, Wn2, bn2):
    sender = edge_index[0]
    receiver = edge_index[1]
    # gather endpoint features and concat with edge features
    state = jnp.concatenate([x_nodes[sender], x_nodes[receiver], x_edges], axis=1)
    # edge_net
    h = jax.nn.silu(state @ We1 + be1)
    message = jax.nn.silu(h @ We2 + be2)
    # scatter-add aggregation into receiver nodes
    num_nodes = x_nodes.shape[0]
    aggr = jnp.zeros((num_nodes, message.shape[1]), dtype=message.dtype).at[receiver].add(message)
    # node_net
    u = jax.nn.silu(jnp.concatenate([x_nodes, aggr], axis=1) @ Wn1 + bn1)
    update = u @ Wn2 + bn2
    return update

if __name__ == "__main__":
    import jax
    _d = setup_inputs()
    print(jax.jit(kernel)(*tuple(_d.values())))

</pallas_src>

<mosaic_0001>
#map = affine_map<(d0, d1) -> (0, 0)>
#map1 = affine_map<(d0, d1) -> (0, 0, 0)>
module attributes {stable_mosaic.version = 14 : i64} {
  func.func @k(%arg0: i32, %arg1: i32, %arg2: memref<10000x128xf32, #tpu.memory_space<hbm>>, %arg3: memref<10000x128xf32, #tpu.memory_space<hbm>>, %arg4: memref<32x125x80xi32, #tpu.memory_space<hbm>>, %arg5: memref<32x125x80xi32, #tpu.memory_space<hbm>>, %arg6: memref<320000x128xf32, #tpu.memory_space<hbm>>, %arg7: memref<125x80xi32, #tpu.memory_space<vmem>>, %arg8: memref<125x80xi32, #tpu.memory_space<vmem>>, %arg9: memref<2x80x128xf32, #tpu.memory_space<vmem>>, %arg10: memref<2x80x128xf32, #tpu.memory_space<vmem>>, %arg11: memref<2x80x128xf32, #tpu.memory_space<vmem>>, %arg12: memref<!tpu.dma_semaphore, #tpu.memory_space<semaphore_mem>>, %arg13: memref<!tpu.dma_semaphore, #tpu.memory_space<semaphore_mem>>, %arg14: memref<!tpu.dma_semaphore, #tpu.memory_space<semaphore_mem>>, %arg15: memref<!tpu.dma_semaphore, #tpu.memory_space<semaphore_mem>>, %arg16: memref<!tpu.dma_semaphore, #tpu.memory_space<semaphore_mem>>, %arg17: memref<!tpu.dma_semaphore, #tpu.memory_space<semaphore_mem>>) attributes {dimension_semantics = [#tpu.dimension_semantics<core_parallel>, #tpu.dimension_semantics<subcore_parallel>], iteration_bounds = array<i64: 2, 16>, scalar_prefetch = 0 : i64, scratch_operands = 11 : i64, tpu.core_type = #tpu.core_type<sc_vector_subcore>, window_params = [{transform_indices = #map}, {transform_indices = #map}, {transform_indices = #map1}, {transform_indices = #map1}, {transform_indices = #map}]} {
    %mul3A = arith.constant 2 : i32
    %mul3A_0 = arith.muli %arg1, %mul3A : i32
    %add3A = arith.addi %mul3A_0, %arg0 : i32
    %mul3A_1 = arith.constant 10000 : i32
    %mul3A_2 = arith.muli %add3A, %mul3A_1 : i32
    "tpu.region"() ({
      %run_scoped3A = tpu.sem_alloc : memref<!tpu.dma_semaphore, #tpu.memory_space<semaphore_mem>>
      %dma_start3A_138 = arith.constant 0 : i32
      %dma_start3A_139 = arith.constant 0 : i32
      %dma_start3A_140 = tpu.memref_slice %arg4[%add3A, %dma_start3A_138, %dma_start3A_139] : memref<32x125x80xi32, #tpu.memory_space<hbm>> -> memref<1x125x80xi32, #tpu.memory_space<hbm>>
      %dma_start3A_141 = tpu.memref_squeeze %dma_start3A_140 : memref<1x125x80xi32, #tpu.memory_space<hbm>> -> memref<125x80xi32, #tpu.memory_space<hbm>>
      %dma_start3A_142 = arith.constant 0 : i32
      %dma_start3A_143 = arith.constant 0 : i32
      %dma_start3A_144 = tpu.memref_slice %arg4[%add3A, %dma_start3A_142, %dma_start3A_143] : memref<32x125x80xi32, #tpu.memory_space<hbm>> -> memref<1x125x80xi32, #tpu.memory_space<hbm>>
      %dma_start3A_145 = tpu.memref_squeeze %dma_start3A_144 : memref<1x125x80xi32, #tpu.memory_space<hbm>> -> memref<125x80xi32, #tpu.memory_space<hbm>>
      tpu.enqueue_dma source(%dma_start3A_145 : memref<125x80xi32, #tpu.memory_space<hbm>>) target(%arg7 : memref<125x80xi32, #tpu.memory_space<vmem>>) target_semaphore(%run_scoped3A : memref<!tpu.dma_semaphore, #tpu.memory_space<semaphore_mem>>)
      %dma_wait3A_146 = arith.constant 0 : i32
      %dma_wait3A_147 = arith.constant 0 : i32
      %dma_wait3A_148 = tpu.memref_slice %arg4[%add3A, %dma_wait3A_146, %dma_wait3A_147] : memref<32x125x80xi32, #tpu.memory_space<hbm>> -> memref<1x125x80xi32, #tpu.memory_space<hbm>>
      %dma_wait3A_149 = tpu.memref_squeeze %dma_wait3A_148 : memref<1x125x80xi32, #tpu.memory_space<hbm>> -> memref<125x80xi32, #tpu.memory_space<hbm>>
      %dma_wait3A_150 = arith.constant 0 : i32
      %dma_wait3A_151 = arith.constant 0 : i32
      %dma_wait3A_152 = tpu.memref_slice %arg4[%add3A, %dma_wait3A_150, %dma_wait3A_151] : memref<32x125x80xi32, #tpu.memory_space<hbm>> -> memref<1x125x80xi32, #tpu.memory_space<hbm>>
      %dma_wait3A_153 = tpu.memref_squeeze %dma_wait3A_152 : memref<1x125x80xi32, #tpu.memory_space<hbm>> -> memref<125x80xi32, #tpu.memory_space<hbm>>
      tpu.wait_dma2 semaphore(%run_scoped3A : memref<!tpu.dma_semaphore, #tpu.memory_space<semaphore_mem>>) src(%dma_wait3A_153 : memref<125x80xi32, #tpu.memory_space<hbm>>) dst(%arg7 : memref<125x80xi32, #tpu.memory_space<vmem>>)
      tpu.yield
    }) : () -> ()
    "tpu.region"() ({
      %run_scoped3A = tpu.sem_alloc : memref<!tpu.dma_semaphore, #tpu.memory_space<semaphore_mem>>
      %dma_start3A_138 = arith.constant 0 : i32
      %dma_start3A_139 = arith.constant 0 : i32
      %dma_start3A_140 = tpu.memref_slice %arg5[%add3A, %dma_start3A_138, %dma_start3A_139] : memref<32x125x80xi32, #tpu.memory_space<hbm>> -> memref<1x125x80xi32, #tpu.memory_space<hbm>>
      %dma_start3A_141 = tpu.memref_squeeze %dma_start3A_140 : memref<1x125x80xi32, #tpu.memory_space<hbm>> -> memref<125x80xi32, #tpu.memory_space<hbm>>
      %dma_start3A_142 = arith.constant 0 : i32
      %dma_start3A_143 = arith.constant 0 : i32
      %dma_start3A_144 = tpu.memref_slice %arg5[%add3A, %dma_start3A_142, %dma_start3A_143] : memref<32x125x80xi32, #tpu.memory_space<hbm>> -> memref<1x125x80xi32, #tpu.memory_space<hbm>>
      %dma_start3A_145 = tpu.memref_squeeze %dma_start3A_144 : memref<1x125x80xi32, #tpu.memory_space<hbm>> -> memref<125x80xi32, #tpu.memory_space<hbm>>
      tpu.enqueue_dma source(%dma_start3A_145 : memref<125x80xi32, #tpu.memory_space<hbm>>) target(%arg8 : memref<125x80xi32, #tpu.memory_space<vmem>>) target_semaphore(%run_scoped3A : memref<!tpu.dma_semaphore, #tpu.memory_space<semaphore_mem>>)
      %dma_wait3A_146 = arith.constant 0 : i32
      %dma_wait3A_147 = arith.constant 0 : i32
      %dma_wait3A_148 = tpu.memref_slice %arg5[%add3A, %dma_wait3A_146, %dma_wait3A_147] : memref<32x125x80xi32, #tpu.memory_space<hbm>> -> memref<1x125x80xi32, #tpu.memory_space<hbm>>
      %dma_wait3A_149 = tpu.memref_squeeze %dma_wait3A_148 : memref<1x125x80xi32, #tpu.memory_space<hbm>> -> memref<125x80xi32, #tpu.memory_space<hbm>>
      %dma_wait3A_150 = arith.constant 0 : i32
      %dma_wait3A_151 = arith.constant 0 : i32
      %dma_wait3A_152 = tpu.memref_slice %arg5[%add3A, %dma_wait3A_150, %dma_wait3A_151] : memref<32x125x80xi32, #tpu.memory_space<hbm>> -> memref<1x125x80xi32, #tpu.memory_space<hbm>>
      %dma_wait3A_153 = tpu.memref_squeeze %dma_wait3A_152 : memref<1x125x80xi32, #tpu.memory_space<hbm>> -> memref<125x80xi32, #tpu.memory_space<hbm>>
      tpu.wait_dma2 semaphore(%run_scoped3A : memref<!tpu.dma_semaphore, #tpu.memory_space<semaphore_mem>>) src(%dma_wait3A_153 : memref<125x80xi32, #tpu.memory_space<hbm>>) dst(%arg8 : memref<125x80xi32, #tpu.memory_space<vmem>>)
      tpu.yield
    }) : () -> ()
    %dma_start3A = arith.constant 0 : i32
    %dma_start3A_3 = arith.constant 0 : i32
    %dma_start3A_4 = arith.constant 0 : i32
    %dma_start3A_5 = arith.constant 0 : i32
    %dma_start3A_6 = tpu.memref_slice %arg9[%dma_start3A_3, %dma_start3A_4, %dma_start3A_5] : memref<2x80x128xf32, #tpu.memory_space<vmem>> -> memref<1x80x128xf32, #tpu.memory_space<vmem>>
    %dma_start3A_7 = tpu.memref_squeeze %dma_start3A_6 : memref<1x80x128xf32, #tpu.memory_space<vmem>> -> memref<80x128xf32, #tpu.memory_space<vmem>>
    %dma_start3A_8 = arith.constant 0 : i32
    %dma_start3A_9 = tpu.memref_slice %arg7[%dma_start3A, %dma_start3A_8] : memref<125x80xi32, #tpu.memory_space<vmem>> -> memref<1x80xi32, #tpu.memory_space<vmem>>
    %dma_start3A_10 = tpu.memref_squeeze %dma_start3A_9 : memref<1x80xi32, #tpu.memory_space<vmem>> -> memref<80xi32, #tpu.memory_space<vmem>>
    %dma_start3A_11 = arith.constant 0 : i32
    %dma_start3A_12 = arith.constant 0 : i32
    %dma_start3A_13 = tpu.memref_slice %arg2[%dma_start3A_11, %dma_start3A_12] : memref<10000x128xf32, #tpu.memory_space<hbm>> -> memref<10000x128xf32, #tpu.memory_space<hbm>>
    tpu.enqueue_indirect_dma source(%dma_start3A_13 : memref<10000x128xf32, #tpu.memory_space<hbm>>) target(%dma_start3A_7 : memref<80x128xf32, #tpu.memory_space<vmem>>) offsets(%dma_start3A_10 : memref<80xi32, #tpu.memory_space<vmem>>) semaphore(%arg12 : memref<!tpu.dma_semaphore, #tpu.memory_space<semaphore_mem>>)
    %dma_start3A_14 = arith.constant 0 : i32
    %dma_start3A_15 = arith.constant 0 : i32
    %dma_start3A_16 = arith.constant 0 : i32
    %dma_start3A_17 = arith.constant 0 : i32
    %dma_start3A_18 = tpu.memref_slice %arg10[%dma_start3A_15, %dma_start3A_16, %dma_start3A_17] : memref<2x80x128xf32, #tpu.memory_space<vmem>> -> memref<1x80x128xf32, #tpu.memory_space<vmem>>
    %dma_start3A_19 = tpu.memref_squeeze %dma_start3A_18 : memref<1x80x128xf32, #tpu.memory_space<vmem>> -> memref<80x128xf32, #tpu.memory_space<vmem>>
    %dma_start3A_20 = arith.constant 0 : i32
    %dma_start3A_21 = tpu.memref_slice %arg8[%dma_start3A_14, %dma_start3A_20] : memref<125x80xi32, #tpu.memory_space<vmem>> -> memref<1x80xi32, #tpu.memory_space<vmem>>
    %dma_start3A_22 = tpu.memref_squeeze %dma_start3A_21 : memref<1x80xi32, #tpu.memory_space<vmem>> -> memref<80xi32, #tpu.memory_space<vmem>>
    %dma_start3A_23 = arith.constant 0 : i32
    %dma_start3A_24 = arith.constant 0 : i32
    %dma_start3A_25 = tpu.memref_slice %arg3[%dma_start3A_23, %dma_start3A_24] : memref<10000x128xf32, #tpu.memory_space<hbm>> -> memref<10000x128xf32, #tpu.memory_space<hbm>>
    tpu.enqueue_indirect_dma source(%dma_start3A_25 : memref<10000x128xf32, #tpu.memory_space<hbm>>) target(%dma_start3A_19 : memref<80x128xf32, #tpu.memory_space<vmem>>) offsets(%dma_start3A_22 : memref<80xi32, #tpu.memory_space<vmem>>) semaphore(%arg14 : memref<!tpu.dma_semaphore, #tpu.memory_space<semaphore_mem>>)
    %dma_start3A_26 = arith.constant 1 : i32
    %dma_start3A_27 = arith.constant 1 : i32
    %dma_start3A_28 = arith.constant 0 : i32
    %dma_start3A_29 = arith.constant 0 : i32
    %dma_start3A_30 = tpu.memref_slice %arg9[%dma_start3A_27, %dma_start3A_28, %dma_start3A_29] : memref<2x80x128xf32, #tpu.memory_space<vmem>> -> memref<1x80x128xf32, #tpu.memory_space<vmem>>
    %dma_start3A_31 = tpu.memref_squeeze %dma_start3A_30 : memref<1x80x128xf32, #tpu.memory_space<vmem>> -> memref<80x128xf32, #tpu.memory_space<vmem>>
    %dma_start3A_32 = arith.constant 0 : i32
    %dma_start3A_33 = tpu.memref_slice %arg7[%dma_start3A_26, %dma_start3A_32] : memref<125x80xi32, #tpu.memory_space<vmem>> -> memref<1x80xi32, #tpu.memory_space<vmem>>
    %dma_start3A_34 = tpu.memref_squeeze %dma_start3A_33 : memref<1x80xi32, #tpu.memory_space<vmem>> -> memref<80xi32, #tpu.memory_space<vmem>>
    %dma_start3A_35 = arith.constant 0 : i32
    %dma_start3A_36 = arith.constant 0 : i32
    %dma_start3A_37 = tpu.memref_slice %arg2[%dma_start3A_35, %dma_start3A_36] : memref<10000x128xf32, #tpu.memory_space<hbm>> -> memref<10000x128xf32, #tpu.memory_space<hbm>>
    tpu.enqueue_indirect_dma source(%dma_start3A_37 : memref<10000x128xf32, #tpu.memory_space<hbm>>) target(%dma_start3A_31 : memref<80x128xf32, #tpu.memory_space<vmem>>) offsets(%dma_start3A_34 : memref<80xi32, #tpu.memory_space<vmem>>) semaphore(%arg13 : memref<!tpu.dma_semaphore, #tpu.memory_space<semaphore_mem>>)
    %dma_start3A_38 = arith.constant 1 : i32
    %dma_start3A_39 = arith.constant 1 : i32
    %dma_start3A_40 = arith.constant 0 : i32
    %dma_start3A_41 = arith.constant 0 : i32
    %dma_start3A_42 = tpu.memref_slice %arg10[%dma_start3A_39, %dma_start3A_40, %dma_start3A_41] : memref<2x80x128xf32, #tpu.memory_space<vmem>> -> memref<1x80x128xf32, #tpu.memory_space<vmem>>
    %dma_start3A_43 = tpu.memref_squeeze %dma_start3A_42 : memref<1x80x128xf32, #tpu.memory_space<vmem>> -> memref<80x128xf32, #tpu.memory_space<vmem>>
    %dma_start3A_44 = arith.constant 0 : i32
    %dma_start3A_45 = tpu.memref_slice %arg8[%dma_start3A_38, %dma_start3A_44] : memref<125x80xi32, #tpu.memory_space<vmem>> -> memref<1x80xi32, #tpu.memory_space<vmem>>
    %dma_start3A_46 = tpu.memref_squeeze %dma_start3A_45 : memref<1x80xi32, #tpu.memory_space<vmem>> -> memref<80xi32, #tpu.memory_space<vmem>>
    %dma_start3A_47 = arith.constant 0 : i32
    %dma_start3A_48 = arith.constant 0 : i32
    %dma_start3A_49 = tpu.memref_slice %arg3[%dma_start3A_47, %dma_start3A_48] : memref<10000x128xf32, #tpu.memory_space<hbm>> -> memref<10000x128xf32, #tpu.memory_space<hbm>>
    tpu.enqueue_indirect_dma source(%dma_start3A_49 : memref<10000x128xf32, #tpu.memory_space<hbm>>) target(%dma_start3A_43 : memref<80x128xf32, #tpu.memory_space<vmem>>) offsets(%dma_start3A_46 : memref<80xi32, #tpu.memory_space<vmem>>) semaphore(%arg15 : memref<!tpu.dma_semaphore, #tpu.memory_space<semaphore_mem>>)
    %scan3A = arith.constant 0 : i32
    %scan3A_50 = arith.constant 0 : i32
    %scan3A_51 = arith.constant 62 : i32
    %scan3A_52 = arith.addi %scan3A_50, %scan3A_51 : i32
    %scan3A_53 = arith.constant 1 : i32
    scf.for %scan3A_138 = %scan3A_50 to %scan3A_52 step %scan3A_53  : i32 {
      %mul3A_139 = arith.constant 2 : i32
      %mul3A_140 = arith.muli %mul3A_139, %scan3A_138 : i32
      %gt3A = arith.constant 0 : i32
      %gt3A_141 = arith.cmpi sgt, %scan3A_138, %gt3A : i32
      %dma_wait3A_142 = arith.constant 0 : i32
      %dma_wait3A_143 = arith.constant 0 : i32
      %dma_wait3A_144 = arith.constant 0 : i32
      %dma_wait3A_145 = tpu.memref_slice %arg9[%dma_wait3A_142, %dma_wait3A_143, %dma_wait3A_144] : memref<2x80x128xf32, #tpu.memory_space<vmem>> -> memref<1x80x128xf32, #tpu.memory_space<vmem>>
      %dma_wait3A_146 = tpu.memref_squeeze %dma_wait3A_145 : memref<1x80x128xf32, #tpu.memory_space<vmem>> -> memref<80x128xf32, #tpu.memory_space<vmem>>
      %dma_wait3A_147 = arith.constant 0 : i32
      %dma_wait3A_148 = tpu.memref_slice %arg7[%mul3A_140, %dma_wait3A_147] : memref<125x80xi32, #tpu.memory_space<vmem>> -> memref<1x80xi32, #tpu.memory_space<vmem>>
      %dma_wait3A_149 = tpu.memref_squeeze %dma_wait3A_148 : memref<1x80xi32, #tpu.memory_space<vmem>> -> memref<80xi32, #tpu.memory_space<vmem>>
      %dma_wait3A_150 = arith.constant 0 : i32
      %dma_wait3A_151 = arith.constant 0 : i32
      %dma_wait3A_152 = tpu.memref_slice %arg2[%dma_wait3A_150, %dma_wait3A_151] : memref<10000x128xf32, #tpu.memory_space<hbm>> -> memref<10000x128xf32, #tpu.memory_space<hbm>>
      tpu.wait_indirect_dma semaphore(%arg12 : memref<!tpu.dma_semaphore, #tpu.memory_space<semaphore_mem>>) src(%dma_wait3A_152 : memref<10000x128xf32, #tpu.memory_space<hbm>>) dst(%dma_wait3A_146 : memref<80x128xf32, #tpu.memory_space<vmem>>)
      %dma_wait3A_153 = arith.constant 0 : i32
      %dma_wait3A_154 = arith.constant 0 : i32
      %dma_wait3A_155 = arith.constant 0 : i32
      %dma_wait3A_156 = tpu.memref_slice %arg10[%dma_wait3A_153, %dma_wait3A_154, %dma_wait3A_155] : memref<2x80x128xf32, #tpu.memory_space<vmem>> -> memref<1x80x128xf32, #tpu.memory_space<vmem>>
      %dma_wait3A_157 = tpu.memref_squeeze %dma_wait3A_156 : memref<1x80x128xf32, #tpu.memory_space<vmem>> -> memref<80x128xf32, #tpu.memory_space<vmem>>
      %dma_wait3A_158 = arith.constant 0 : i32
      %dma_wait3A_159 = tpu.memref_slice %arg8[%mul3A_140, %dma_wait3A_158] : memref<125x80xi32, #tpu.memory_space<vmem>> -> memref<1x80xi32, #tpu.memory_space<vmem>>
      %dma_wait3A_160 = tpu.memref_squeeze %dma_wait3A_159 : memref<1x80xi32, #tpu.memory_space<vmem>> -> memref<80xi32, #tpu.memory_space<vmem>>
      %dma_wait3A_161 = arith.constant 0 : i32
      %dma_wait3A_162 = arith.constant 0 : i32
      %dma_wait3A_163 = tpu.memref_slice %arg3[%dma_wait3A_161, %dma_wait3A_162] : memref<10000x128xf32, #tpu.memory_space<hbm>> -> memref<10000x128xf32, #tpu.memory_space<hbm>>
      tpu.wait_indirect_dma semaphore(%arg14 : memref<!tpu.dma_semaphore, #tpu.memory_space<semaphore_mem>>) src(%dma_wait3A_163 : memref<10000x128xf32, #tpu.memory_space<hbm>>) dst(%dma_wait3A_157 : memref<80x128xf32, #tpu.memory_space<vmem>>)
      %convert_element_type3A = arith.extui %gt3A_141 : i1 to i32
      %cond3A = arith.constant 0 : i32
      %cond3A_164 = arith.cmpi ne, %convert_element_type3A, %cond3A : i32
      scf.if %cond3A_164 {
        %dma_wait3A_268 = arith.constant 0 : i32
        %dma_wait3A_269 = arith.constant 0 : i32
        %dma_wait3A_270 = arith.constant 0 : i32
        %dma_wait3A_271 = tpu.memref_slice %arg11[%dma_wait3A_268, %dma_wait3A_269, %dma_wait3A_270] : memref<2x80x128xf32, #tpu.memory_space<vmem>> -> memref<1x80x128xf32, #tpu.memory_space<vmem>>
        %dma_wait3A_272 = tpu.memref_squeeze %dma_wait3A_271 : memref<1x80x128xf32, #tpu.memory_space<vmem>> -> memref<80x128xf32, #tpu.memory_space<vmem>>
        %dma_wait3A_273 = arith.constant 0 : i32
        %dma_wait3A_274 = tpu.memref_slice %arg6[%mul3A_2, %dma_wait3A_273] : memref<320000x128xf32, #tpu.memory_space<hbm>> -> memref<80x128xf32, #tpu.memory_space<hbm>>
        %dma_wait3A_275 = arith.constant 0 : i32
        %dma_wait3A_276 = tpu.memref_slice %arg6[%mul3A_2, %dma_wait3A_275] : memref<320000x128xf32, #tpu.memory_space<hbm>> -> memref<80x128xf32, #tpu.memory_space<hbm>>
        %dma_wait3A_277 = arith.constant 0 : i32
        %dma_wait3A_278 = arith.constant 0 : i32
        %dma_wait3A_279 = tpu.memref_slice %arg11[%dma_wait3A_268, %dma_wait3A_277, %dma_wait3A_278] : memref<2x80x128xf32, #tpu.memory_space<vmem>> -> memref<1x80x128xf32, #tpu.memory_space<vmem>>
        %dma_wait3A_280 = tpu.memref_squeeze %dma_wait3A_279 : memref<1x80x128xf32, #tpu.memory_space<vmem>> -> memref<80x128xf32, #tpu.memory_space<vmem>>
        tpu.wait_dma2 semaphore(%arg16 : memref<!tpu.dma_semaphore, #tpu.memory_space<semaphore_mem>>) src(%dma_wait3A_280 : memref<80x128xf32, #tpu.memory_space<vmem>>) dst(%dma_wait3A_276 : memref<80x128xf32, #tpu.memory_space<hbm>>)
      } else {
      }
      %scan3A_165 = arith.constant 0 : i32
      %scan3A_166 = arith.constant 0 : i32
      %scan3A_167 = arith.constant 80 : i32
      %scan3A_168 = arith.addi %scan3A_166, %scan3A_167 : i32
      %scan3A_169 = arith.constant 2 : i32
      scf.for %scan3A_268 = %scan3A_166 to %scan3A_168 step %scan3A_169  : i32 {
        %get3A = arith.constant 0 : i32
        %get3A_269 = arith.index_cast %get3A : i32 to index
        %get3A_270 = arith.index_cast %scan3A_268 : i32 to index
        %get3A_271 = arith.constant 0 : index
        %get3A_272 = tpu.vector_load %arg9[%get3A_269, %get3A_270, %get3A_271] {strides = array<i32>} : memref<2x80x128xf32, #tpu.memory_space<vmem>>, vector<1x1x16xf32>,
        %get3A_273 = vector.shape_cast %get3A_272 : vector<1x1x16xf32> to vector<16xf32>
        %get3A_274 = arith.constant 0 : i32
        %get3A_275 = arith.index_cast %get3A_274 : i32 to index
        %get3A_276 = arith.index_cast %scan3A_268 : i32 to index
        %get3A_277 = arith.constant 0 : index
        %get3A_278 = tpu.vector_load %arg10[%get3A_275, %get3A_276, %get3A_277] {strides = array<i32>} : memref<2x80x128xf32, #tpu.memory_space<vmem>>, vector<1x1x16xf32>,
        %get3A_279 = vector.shape_cast %get3A_278 : vector<1x1x16xf32> to vector<16xf32>
        %add3A_280 = arith.addf %get3A_273, %get3A_279 : vector<16xf32>
        %swap3A = arith.constant 0 : i32
        %swap3A_281 = arith.index_cast %swap3A : i32 to index
        %swap3A_282 = arith.index_cast %scan3A_268 : i32 to index
        %swap3A_283 = arith.constant 0 : index
        %swap3A_284 = tpu.vector_load %arg11[%swap3A_281, %swap3A_282, %swap3A_283] {strides = array<i32>} : memref<2x80x128xf32, #tpu.memory_space<vmem>>, vector<1x1x16xf32>,
        %swap3A_285 = vector.shape_cast %swap3A_284 : vector<1x1x16xf32> to vector<16xf32>
        %swap3A_286 = vector.shape_cast %add3A_280 : vector<16xf32> to vector<1x1x16xf32>
        tpu.vector_store %arg11[%swap3A_281, %swap3A_282, %swap3A_283], %swap3A_286 {strides = array<i32>} : memref<2x80x128xf32, #tpu.memory_space<vmem>>, vector<1x1x16xf32>,
        %get3A_287 = arith.constant 0 : i32
        %get3A_288 = arith.index_cast %get3A_287 : i32 to index
        %get3A_289 = arith.index_cast %scan3A_268 : i32 to index
        %get3A_290 = arith.constant 16 : index
        %get3A_291 = tpu.vector_load %arg9[%get3A_288, %get3A_289, %get3A_290] {strides = array<i32>} : memref<2x80x128xf32, #tpu.memory_space<vmem>>, vector<1x1x16xf32>,
        %get3A_292 = vector.shape_cast %get3A_291 : vector<1x1x16xf32> to vector<16xf32>
        %get3A_293 = arith.constant 0 : i32
        %get3A_294 = arith.index_cast %get3A_293 : i32 to index
        %get3A_295 = arith.index_cast %scan3A_268 : i32 to index
        %get3A_296 = arith.constant 16 : index
        %get3A_297 = tpu.vector_load %arg10[%get3A_294, %get3A_295, %get3A_296] {strides = array<i32>} : memref<2x80x128xf32, #tpu.memory_space<vmem>>, vector<1x1x16xf32>,
        %get3A_298 = vector.shape_cast %get3A_297 : vector<1x1x16xf32> to vector<16xf32>
        %add3A_299 = arith.addf %get3A_292, %get3A_298 : vector<16xf32>
        %swap3A_300 = arith.constant 0 : i32
        %swap3A_301 = arith.index_cast %swap3A_300 : i32 to index
        %swap3A_302 = arith.index_cast %scan3A_268 : i32 to index
        %swap3A_303 = arith.constant 16 : index
        %swap3A_304 = tpu.vector_load %arg11[%swap3A_301, %swap3A_302, %swap3A_303] {strides = array<i32>} : memref<2x80x128xf32, #tpu.memory_space<vmem>>, vector<1x1x16xf32>,
        %swap3A_305 = vector.shape_cast %swap3A_304 : vector<1x1x16xf32> to vector<16xf32>
        %swap3A_306 = vector.shape_cast %add3A_299 : vector<16xf32> to vector<1x1x16xf32>
        tpu.vector_store %arg11[%swap3A_301, %swap3A_302, %swap3A_303], %swap3A_306 {strides = array<i32>} : memref<2x80x128xf32, #tpu.memory_space<vmem>>, vector<1x1x16xf32>,
        %get3A_307 = arith.constant 0 : i32
        %get3A_308 = arith.index_cast %get3A_307 : i32 to index
        %get3A_309 = arith.index_cast %scan3A_268 : i32 to index
        %get3A_310 = arith.constant 32 : index
        %get3A_311 = tpu.vector_load %arg9[%get3A_308, %get3A_309, %get3A_310] {strides = array<i32>} : memref<2x80x128xf32, #tpu.memory_space<vmem>>, vector<1x1x16xf32>,
        %get3A_312 = vector.shape_cast %get3A_311 : vector<1x1x16xf32> to vector<16xf32>
        %get3A_313 = arith.constant 0 : i32
        %get3A_314 = arith.index_cast %get3A_313 : i32 to index
        %get3A_315 = arith.index_cast %scan3A_268 : i32 to index
        %get3A_316 = arith.constant 32 : index
        %get3A_317 = tpu.vector_load %arg10[%get3A_314, %get3A_315, %get3A_316] {strides = array<i32>} : memref<2x80x128xf32, #tpu.memory_space<vmem>>, vector<1x1x16xf32>,
        %get3A_318 = vector.shape_cast %get3A_317 : vector<1x1x16xf32> to vector<16xf32>
        %add3A_319 = arith.addf %get3A_312, %get3A_318 : vector<16xf32>
        %swap3A_320 = arith.constant 0 : i32
        %swap3A_321 = arith.index_cast %swap3A_320 : i32 to index
        %swap3A_322 = arith.index_cast %scan3A_268 : i32 to index
        %swap3A_323 = arith.constant 32 : index
        %swap3A_324 = tpu.vector_load %arg11[%swap3A_321, %swap3A_322, %swap3A_323] {strides = array<i32>} : memref<2x80x128xf32, #tpu.memory_space<vmem>>, vector<1x1x16xf32>,
        %swap3A_325 = vector.shape_cast %swap3A_324 : vector<1x1x16xf32> to vector<16xf32>
        %swap3A_326 = vector.shape_cast %add3A_319 : vector<16xf32> to vector<1x1x16xf32>
        tpu.vector_store %arg11[%swap3A_321, %swap3A_322, %swap3A_323], %swap3A_326 {strides = array<i32>} : memref<2x80x128xf32, #tpu.memory_space<vmem>>, vector<1x1x16xf32>,
        %get3A_327 = arith.constant 0 : i32
        %get3A_328 = arith.index_cast %get3A_327 : i32 to index
        %get3A_329 = arith.index_cast %scan3A_268 : i32 to index
        %get3A_330 = arith.constant 48 : index
        %get3A_331 = tpu.vector_load %arg9[%get3A_328, %get3A_329, %get3A_330] {strides = array<i32>} : memref<2x80x128xf32, #tpu.memory_space<vmem>>, vector<1x1x16xf32>,
        %get3A_332 = vector.shape_cast %get3A_331 : vector<1x1x16xf32> to vector<16xf32>
        %get3A_333 = arith.constant 0 : i32
        %get3A_334 = arith.index_cast %get3A_333 : i32 to index
        %get3A_335 = arith.index_cast %scan3A_268 : i32 to index
        %get3A_336 = arith.constant 48 : index
        %get3A_337 = tpu.vector_load %arg10[%get3A_334, %get3A_335, %get3A_336] {strides = array<i32>} : memref<2x80x128xf32, #tpu.memory_space<vmem>>, vector<1x1x16xf32>,
        %get3A_338 = vector.shape_cast %get3A_337 : vector<1x1x16xf32> to vector<16xf32>
        %add3A_339 = arith.addf %get3A_332, %get3A_338 : vector<16xf32>
        %swap3A_340 = arith.constant 0 : i32
        %swap3A_341 = arith.index_cast %swap3A_340 : i32 to index
        %swap3A_342 = arith.index_cast %scan3A_268 : i32 to index
        %swap3A_343 = arith.constant 48 : index
        %swap3A_344 = tpu.vector_load %arg11[%swap3A_341, %swap3A_342, %swap3A_343] {strides = array<i32>} : memref<2x80x128xf32, #tpu.memory_space<vmem>>, vector<1x1x16xf32>,
        %swap3A_345 = vector.shape_cast %swap3A_344 : vector<1x1x16xf32> to vector<16xf32>
        %swap3A_346 = vector.shape_cast %add3A_339 : vector<16xf32> to vector<1x1x16xf32>
        tpu.vector_store %arg11[%swap3A_341, %swap3A_342, %swap3A_343], %swap3A_346 {strides = array<i32>} : memref<2x80x128xf32, #tpu.memory_space<vmem>>, vector<1x1x16xf32>,
        %get3A_347 = arith.constant 0 : i32
        %get3A_348 = arith.index_cast %get3A_347 : i32 to index
        %get3A_349 = arith.index_cast %scan3A_268 : i32 to index
        %get3A_350 = arith.constant 64 : index
        %get3A_351 = tpu.vector_load %arg9[%get3A_348, %get3A_349, %get3A_350] {strides = array<i32>} : memref<2x80x128xf32, #tpu.memory_space<vmem>>, vector<1x1x16xf32>,
        %get3A_352 = vector.shape_cast %get3A_351 : vector<1x1x16xf32> to vector<16xf32>
        %get3A_353 = arith.constant 0 : i32
        %get3A_354 = arith.index_cast %get3A_353 : i32 to index
        %get3A_355 = arith.index_cast %scan3A_268 : i32 to index
        %get3A_356 = arith.constant 64 : index
        %get3A_357 = tpu.vector_load %arg10[%get3A_354, %get3A_355, %get3A_356] {strides = array<i32>} : memref<2x80x128xf32, #tpu.memory_space<vmem>>, vector<1x1x16xf32>,
        %get3A_358 = vector.shape_cast %get3A_357 : vector<1x1x16xf32> to vector<16xf32>
        %add3A_359 = arith.addf %get3A_352, %get3A_358 : vector<16xf32>
        %swap3A_360 = arith.constant 0 : i32
        %swap3A_361 = arith.index_cast %swap3A_360 : i32 to index
        %swap3A_362 = arith.index_cast %scan3A_268 : i32 to index
        %swap3A_363 = arith.constant 64 : index
        %swap3A_364 = tpu.vector_load %arg11[%swap3A_361, %swap3A_362, %swap3A_363] {strides = array<i32>} : memref<2x80x128xf32, #tpu.memory_space<vmem>>, vector<1x1x16xf32>,
        %swap3A_365 = vector.shape_cast %swap3A_364 : vector<1x1x16xf32> to vector<16xf32>
        %swap3A_366 = vector.shape_cast %add3A_359 : vector<16xf32> to vector<1x1x16xf32>
        tpu.vector_store %arg11[%swap3A_361, %swap3A_362, %swap3A_363], %swap3A_366 {strides = array<i32>} : memref<2x80x128xf32, #tpu.memory_space<vmem>>, vector<1x1x16xf32>,
        %get3A_367 = arith.constant 0 : i32
        %get3A_368 = arith.index_cast %get3A_367 : i32 to index
        %get3A_369 = arith.index_cast %scan3A_268 : i32 to index
        %get3A_370 = arith.constant 80 : index
        %get3A_371 = tpu.vector_load %arg9[%get3A_368, %get3A_369, %get3A_370] {strides = array<i32>} : memref<2x80x128xf32, #tpu.memory_space<vmem>>, vector<1x1x16xf32>,
        %get3A_372 = vector.shape_cast %get3A_371 : vector<1x1x16xf32> to vector<16xf32>
        %get3A_373 = arith.constant 0 : i32
        %get3A_374 = arith.index_cast %get3A_373 : i32 to index
        %get3A_375 = arith.index_cast %scan3A_268 : i32 to index
        %get3A_376 = arith.constant 80 : index
        %get3A_377 = tpu.vector_load %arg10[%get3A_374, %get3A_375, %get3A_376] {strides = array<i32>} : memref<2x80x128xf32, #tpu.memory_space<vmem>>, vector<1x1x16xf32>,
        %get3A_378 = vector.shape_cast %get3A_377 : vector<1x1x16xf32> to vector<16xf32>
        %add3A_379 = arith.addf %get3A_372, %get3A_378 : vector<16xf32>
        %swap3A_380 = arith.constant 0 : i32
        %swap3A_381 = arith.index_cast %swap3A_380 : i32 to index
        %swap3A_382 = arith.index_cast %scan3A_268 : i32 to index
        %swap3A_383 = arith.constant 80 : index
        %swap3A_384 = tpu.vector_load %arg11[%swap3A_381, %swap3A_382, %swap3A_383] {strides = array<i32>} : memref<2x80x128xf32, #tpu.memory_space<vmem>>, vector<1x1x16xf32>,
        %swap3A_385 = vector.shape_cast %swap3A_384 : vector<1x1x16xf32> to vector<16xf32>
        %swap3A_386 = vector.shape_cast %add3A_379 : vector<16xf32> to vector<1x1x16xf32>
        tpu.vector_store %arg11[%swap3A_381, %swap3A_382, %swap3A_383], %swap3A_386 {strides = array<i32>} : memref<2x80x128xf32, #tpu.memory_space<vmem>>, vector<1x1x16xf32>,
        %get3A_387 = arith.constant 0 : i32
        %get3A_388 = arith.index_cast %get3A_387 : i32 to index
        %get3A_389 = arith.index_cast %scan3A_268 : i32 to index
        %get3A_390 = arith.constant 96 : index
        %get3A_391 = tpu.vector_load %arg9[%get3A_388, %get3A_389, %get3A_390] {strides = array<i32>} : memref<2x80x128xf32, #tpu.memory_space<vmem>>, vector<1x1x16xf32>,
        %get3A_392 = vector.shape_cast %get3A_391 : vector<1x1x16xf32> to vector<16xf32>
        %get3A_393 = arith.constant 0 : i32
        %get3A_394 = arith.index_cast %get3A_393 : i32 to index
        %get3A_395 = arith.index_cast %scan3A_268 : i32 to index
        %get3A_396 = arith.constant 96 : index
        %get3A_397 = tpu.vector_load %arg10[%get3A_394, %get3A_395, %get3A_396] {strides = array<i32>} : memref<2x80x128xf32, #tpu.memory_space<vmem>>, vector<1x1x16xf32>,
        %get3A_398 = vector.shape_cast %get3A_397 : vector<1x1x16xf32> to vector<16xf32>
        %add3A_399 = arith.addf %get3A_392, %get3A_398 : vector<16xf32>
        %swap3A_400 = arith.constant 0 : i32
        %swap3A_401 = arith.index_cast %swap3A_400 : i32 to index
        %swap3A_402 = arith.index_cast %scan3A_268 : i32 to index
        %swap3A_403 = arith.constant 96 : index
        %swap3A_404 = tpu.vector_load %arg11[%swap3A_401, %swap3A_402, %swap3A_403] {strides = array<i32>} : memref<2x80x128xf32, #tpu.memory_space<vmem>>, vector<1x1x16xf32>,
        %swap3A_405 = vector.shape_cast %swap3A_404 : vector<1x1x16xf32> to vector<16xf32>
        %swap3A_406 = vector.shape_cast %add3A_399 : vector<16xf32> to vector<1x1x16xf32>
        tpu.vector_store %arg11[%swap3A_401, %swap3A_402, %swap3A_403], %swap3A_406 {strides = array<i32>} : memref<2x80x128xf32, #tpu.memory_space<vmem>>, vector<1x1x16xf32>,
        %get3A_407 = arith.constant 0 : i32
        %get3A_408 = arith.index_cast %get3A_407 : i32 to index
        %get3A_409 = arith.index_cast %scan3A_268 : i32 to index
        %get3A_410 = arith.constant 112 : index
        %get3A_411 = tpu.vector_load %arg9[%get3A_408, %get3A_409, %get3A_410] {strides = array<i32>} : memref<2x80x128xf32, #tpu.memory_space<vmem>>, vector<1x1x16xf32>,
        %get3A_412 = vector.shape_cast %get3A_411 : vector<1x1x16xf32> to vector<16xf32>
        %get3A_413 = arith.constant 0 : i32
        %get3A_414 = arith.index_cast %get3A_413 : i32 to index
        %get3A_415 = arith.index_cast %scan3A_268 : i32 to index
        %get3A_416 = arith.constant 112 : index
        %get3A_417 = tpu.vector_load %arg10[%get3A_414, %get3A_415, %get3A_416] {strides = array<i32>} : memref<2x80x128xf32, #tpu.memory_space<vmem>>, vector<1x1x16xf32>,
        %get3A_418 = vector.shape_cast %get3A_417 : vector<1x1x16xf32> to vector<16xf32>
        %add3A_419 = arith.addf %get3A_412, %get3A_418 : vector<16xf32>
        %swap3A_420 = arith.constant 0 : i32
        %swap3A_421 = arith.index_cast %swap3A_420 : i32 to index
        %swap3A_422 = arith.index_cast %scan3A_268 : i32 to index
        %swap3A_423 = arith.constant 112 : index
        %swap3A_424 = tpu.vector_load %arg11[%swap3A_421, %swap3A_422, %swap3A_423] {strides = array<i32>} : memref<2x80x128xf32, #tpu.memory_space<vmem>>, vector<1x1x16xf32>,
        %swap3A_425 = vector.shape_cast %swap3A_424 : vector<1x1x16xf32> to vector<16xf32>
        %swap3A_426 = vector.shape_cast %add3A_419 : vector<16xf32> to vector<1x1x16xf32>
        tpu.vector_store %arg11[%swap3A_421, %swap3A_422, %swap3A_423], %swap3A_426 {strides = array<i32>} : memref<2x80x128xf32, #tpu.memory_space<vmem>>, vector<1x1x16xf32>,
        %scan3A_427 = arith.constant 1 : i32
        %scan3A_428 = arith.addi %scan3A_268, %scan3A_427 : i32
        %get3A_429 = arith.constant 0 : i32
        %get3A_430 = arith.index_cast %get3A_429 : i32 to index
        %get3A_431 = arith.index_cast %scan3A_428 : i32 to index
        %get3A_432 = arith.constant 0 : index
        %get3A_433 = tpu.vector_load %arg9[%get3A_430, %get3A_431, %get3A_432] {strides = array<i32>} : memref<2x80x128xf32, #tpu.memory_space<vmem>>, vector<1x1x16xf32>,
        %get3A_434 = vector.shape_cast %get3A_433 : vector<1x1x16xf32> to vector<16xf32>
        %get3A_435 = arith.constant 0 : i32
        %get3A_436 = arith.index_cast %get3A_435 : i32 to index
        %get3A_437 = arith.index_cast %scan3A_428 : i32 to index
        %get3A_438 = arith.constant 0 : index
        %get3A_439 = tpu.vector_load %arg10[%get3A_436, %get3A_437, %get3A_438] {strides = array<i32>} : memref<2x80x128xf32, #tpu.memory_space<vmem>>, vector<1x1x16xf32>,
        %get3A_440 = vector.shape_cast %get3A_439 : vector<1x1x16xf32> to vector<16xf32>
        %add3A_441 = arith.addf %get3A_434, %get3A_440 : vector<16xf32>
        %swap3A_442 = arith.constant 0 : i32
        %swap3A_443 = arith.index_cast %swap3A_442 : i32 to index
        %swap3A_444 = arith.index_cast %scan3A_428 : i32 to index
        %swap3A_445 = arith.constant 0 : index
        %swap3A_446 = tpu.vector_load %arg11[%swap3A_443, %swap3A_444, %swap3A_445] {strides = array<i32>} : memref<2x80x128xf32, #tpu.memory_space<vmem>>, vector<1x1x16xf32>,
        %swap3A_447 = vector.shape_cast %swap3A_446 : vector<1x1x16xf32> to vector<16xf32>
        %swap3A_448 = vector.shape_cast %add3A_441 : vector<16xf32> to vector<1x1x16xf32>
        tpu.vector_store %arg11[%swap3A_443, %swap3A_444, %swap3A_445], %swap3A_448 {strides = array<i32>} : memref<2x80x128xf32, #tpu.memory_space<vmem>>, vector<1x1x16xf32>,
        %get3A_449 = arith.constant 0 : i32
        %get3A_450 = arith.index_cast %get3A_449 : i32 to index
        %get3A_451 = arith.index_cast %scan3A_428 : i32 to index
        %get3A_452 = arith.constant 16 : index
        %get3A_453 = tpu.vector_load %arg9[%get3A_450, %get3A_451, %get3A_452] {strides = array<i32>} : memref<2x80x128xf32, #tpu.memory_space<vmem>>, vector<1x1x16xf32>,
        %get3A_454 = vector.shape_cast %get3A_453 : vector<1x1x16xf32> to vector<16xf32>
        %get3A_455 = arith.constant 0 : i32
        %get3A_456 = arith.index_cast %get3A_455 : i32 to index
        %get3A_457 = arith.index_cast %scan3A_428 : i32 to index
        %get3A_458 = arith.constant 16 : index
        %get3A_459 = tpu.vector_load %arg10[%get3A_456, %get3A_457, %get3A_458] {strides = array<i32>} : memref<2x80x128xf32, #tpu.memory_space<vmem>>, vector<1x1x16xf32>,
        %get3A_460 = vector.shape_cast %get3A_459 : vector<1x1x16xf32> to vector<16xf32>
        %add3A_461 = arith.addf %get3A_454, %get3A_460 : vector<16xf32>
        %swap3A_462 = arith.constant 0 : i32
        %swap3A_463 = arith.index_cast %swap3A_462 : i32 to index
        %swap3A_464 = arith.index_cast %scan3A_428 : i32 to index
        %swap3A_465 = arith.constant 16 : index
        %swap3A_466 = tpu.vector_load %arg11[%swap3A_463, %swap3A_464, %swap3A_465] {strides = array<i32>} : memref<2x80x128xf32, #tpu.memory_space<vmem>>, vector<1x1x16xf32>,
        %swap3A_467 = vector.shape_cast %swap3A_466 : vector<1x1x16xf32> to vector<16xf32>
        %swap3A_468 = vector.shape_cast %add3A_461 : vector<16xf32> to vector<1x1x16xf32>
        tpu.vector_store %arg11[%swap3A_463, %swap3A_464, %swap3A_465], %swap3A_468 {strides = array<i32>} : memref<2x80x128xf32, #tpu.memory_space<vmem>>, vector<1x1x16xf32>,
        %get3A_469 = arith.constant 0 : i32
        %get3A_470 = arith.index_cast %get3A_469 : i32 to index
        %get3A_471 = arith.index_cast %scan3A_428 : i32 to index
        %get3A_472 = arith.constant 32 : index
        %get3A_473 = tpu.vector_load %arg9[%get3A_470, %get3A_471, %get3A_472] {strides = array<i32>} : memref<2x80x128xf32, #tpu.memory_space<vmem>>, vector<1x1x16xf32>,
        %get3A_474 = vector.shape_cast %get3A_473 : vector<1x1x16xf32> to vector<16xf32>
        %get3A_475 = arith.constant 0 : i32
        %get3A_476 = arith.index_cast %get3A_475 : i32 to index
        %get3A_477 = arith.index_cast %scan3A_428 : i32 to index
        %get3A_478 = arith.constant 32 : index
        %get3A_479 = tpu.vector_load %arg10[%get3A_476, %get3A_477, %get3A_478] {strides = array<i32>} : memref<2x80x128xf32, #tpu.memory_space<vmem>>, vector<1x1x16xf32>,
        %get3A_480 = vector.shape_cast %get3A_479 : vector<1x1x16xf32> to vector<16xf32>
        %add3A_481 = arith.addf %get3A_474, %get3A_480 : vector<16xf32>
        %swap3A_482 = arith.constant 0 : i32
        %swap3A_483 = arith.index_cast %swap3A_482 : i32 to index
        %swap3A_484 = arith.index_cast %scan3A_428 : i32 to index
        %swap3A_485 = arith.constant 32 : index
        %swap3A_486 = tpu.vector_load %arg11[%swap3A_483, %swap3A_484, %swap3A_485] {strides = array<i32>} : memref<2x80x128xf32, #tpu.memory_space<vmem>>, vector<1x1x16xf32>,
        %swap3A_487 = vector.shape_cast %swap3A_486 : vector<1x1x16xf32> to vector<16xf32>
        %swap3A_488 = vector.shape_cast %add3A_481 : vector<16xf32> to vector<1x1x16xf32>
        tpu.vector_store %arg11[%swap3A_483, %swap3A_484, %swap3A_485], %swap3A_488 {strides = array<i32>} : memref<2x80x128xf32, #tpu.memory_space<vmem>>, vector<1x1x16xf32>,
        %get3A_489 = arith.constant 0 : i32
        %get3A_490 = arith.index_cast %get3A_489 : i32 to index
        %get3A_491 = arith.index_cast %scan3A_428 : i32 to index
        %get3A_492 = arith.constant 48 : index
        %get3A_493 = tpu.vector_load %arg9[%get3A_490, %get3A_491, %get3A_492] {strides = array<i32>} : memref<2x80x128xf32, #tpu.memory_space<vmem>>, vector<1x1x16xf32>,
        %get3A_494 = vector.shape_cast %get3A_493 : vector<1x1x16xf32> to vector<16xf32>
        %get3A_495 = arith.constant 0 : i32
        %get3A_496 = arith.index_cast %get3A_495 : i32 to index
        %get3A_497 = arith.index_cast %scan3A_428 : i32 to index
        %get3A_498 = arith.constant 48 : index
        %get3A_499 = tpu.vector_load %arg10[%get3A_496, %get3A_497, %get3A_498] {strides = array<i32>} : memref<2x80x128xf32, #tpu.memory_space<vmem>>, vector<1x1x16xf32>,
        %get3A_500 = vector.shape_cast %get3A_499 : vector<1x1x16xf32> to vector<16xf32>
        %add3A_501 = arith.addf %get3A_494, %get3A_500 : vector<16xf32>
        %swap3A_502 = arith.constant 0 : i32
        %swap3A_503 = arith.index_cast %swap3A_502 : i32 to index
        %swap3A_504 = arith.index_cast %scan3A_428 : i32 to index
        %swap3A_505 = arith.constant 48 : index
        %swap3A_506 = tpu.vector_load %arg11[%swap3A_503, %swap3A_504, %swap3A_505] {strides = array<i32>} : memref<2x80x128xf32, #tpu.memory_space<vmem>>, vector<1x1x16xf32>,
        %swap3A_507 = vector.shape_cast %swap3A_506 : vector<1x1x16xf32> to vector<16xf32>
        %swap3A_508 = vector.shape_cast %add3A_501 : vector<16xf32> to vector<1x1x16xf32>
        tpu.vector_store %arg11[%swap3A_503, %swap3A_504, %swap3A_505], %swap3A_508 {strides = array<i32>} : memref<2x80x128xf32, #tpu.memory_space<vmem>>, vector<1x1x16xf32>,
        %get3A_509 = arith.constant 0 : i32
        %get3A_510 = arith.index_cast %get3A_509 : i32 to index
        %get3A_511 = arith.index_cast %scan3A_428 : i32 to index
        %get3A_512 = arith.constant 64 : index
        %get3A_513 = tpu.vector_load %arg9[%get3A_510, %get3A_511, %get3A_512] {strides = array<i32>} : memref<2x80x128xf32, #tpu.memory_space<vmem>>, vector<1x1x16xf32>,
        %get3A_514 = vector.shape_cast %get3A_513 : vector<1x1x16xf32> to vector<16xf32>
        %get3A_515 = arith.constant 0 : i32
        %get3A_516 = arith.index_cast %get3A_515 : i32 to index
        %get3A_517 = arith.index_cast %scan3A_428 : i32 to index
        %get3A_518 = arith.constant 64 : index
        %get3A_519 = tpu.vector_load %arg10[%get3A_516, %get3A_517, %get3A_518] {strides = array<i32>} : memref<2x80x128xf32, #tpu.memory_space<vmem>>, vector<1x1x16xf32>,
        %get3A_520 = vector.shape_cast %get3A_519 : vector<1x1x16xf32> to vector<16xf32>
        %add3A_521 = arith.addf %get3A_514, %get3A_520 : vector<16xf32>
        %swap3A_522 = arith.constant 0 : i32
        %swap3A_523 = arith.index_cast %swap3A_522 : i32 to index
        %swap3A_524 = arith.index_cast %scan3A_428 : i32 to index
        %swap3A_525 = arith.constant 64 : index
        %swap3A_526 = tpu.vector_load %arg11[%swap3A_523, %swap3A_524, %swap3A_525] {strides = array<i32>} : memref<2x80x128xf32, #tpu.memory_space<vmem>>, vector<1x1x16xf32>,
        %swap3A_527 = vector.shape_cast %swap3A_526 : vector<1x1x16xf32> to vector<16xf32>
        %swap3A_528 = vector.shape_cast %add3A_521 : vector<16xf32> to vector<1x1x16xf32>
        tpu.vector_store %arg11[%swap3A_523, %swap3A_524, %swap3A_525], %swap3A_528 {strides = array<i32>} : memref<2x80x128xf32, #tpu.memory_space<vmem>>, vector<1x1x16xf32>,
        %get3A_529 = arith.constant 0 : i32
        %get3A_530 = arith.index_cast %get3A_529 : i32 to index
        %get3A_531 = arith.index_cast %scan3A_428 : i32 to index
        %get3A_532 = arith.constant 80 : index
        %get3A_533 = tpu.vector_load %arg9[%get3A_530, %get3A_531, %get3A_532] {strides = array<i32>} : memref<2x80x128xf32, #tpu.memory_space<vmem>>, vector<1x1x16xf32>,
        %get3A_534 = vector.shape_cast %get3A_533 : vector<1x1x16xf32> to vector<16xf32>
        %get3A_535 = arith.constant 0 : i32
        %get3A_536 = arith.index_cast %get3A_535 : i32 to index
        %get3A_537 = arith.index_cast %scan3A_428 : i32 to index
        %get3A_538 = arith.constant 80 : index
        %get3A_539 = tpu.vector_load %arg10[%get3A_536, %get3A_537, %get3A_538] {strides = array<i32>} : memref<2x80x128xf32, #tpu.memory_space<vmem>>, vector<1x1x16xf32>,
        %get3A_540 = vector.shape_cast %get3A_539 : vector<1x1x16xf32> to vector<16xf32>
        %add3A_541 = arith.addf %get3A_534, %get3A_540 : vector<16xf32>
        %swap3A_542 = arith.constant 0 : i32
        %swap3A_543 = arith.index_cast %swap3A_542 : i32 to index
        %swap3A_544 = arith.index_cast %scan3A_428 : i32 to index
        %swap3A_545 = arith.constant 80 : index
        %swap3A_546 = tpu.vector_load %arg11[%swap3A_543, %swap3A_544, %swap3A_545] {strides = array<i32>} : memref<2x80x128xf32, #tpu.memory_space<vmem>>, vector<1x1x16xf32>,
        %swap3A_547 = vector.shape_cast %swap3A_546 : vector<1x1x16xf32> to vector<16xf32>
        %swap3A_548 = vector.shape_cast %add3A_541 : vector<16xf32> to vector<1x1x16xf32>
        tpu.vector_store %arg11[%swap3A_543, %swap3A_544, %swap3A_545], %swap3A_548 {strides = array<i32>} : memref<2x80x128xf32, #tpu.memory_space<vmem>>, vector<1x1x16xf32>,
        %get3A_549 = arith.constant 0 : i32
        %get3A_550 = arith.index_cast %get3A_549 : i32 to index
        %get3A_551 = arith.index_cast %scan3A_428 : i32 to index
        %get3A_552 = arith.constant 96 : index
        %get3A_553 = tpu.vector_load %arg9[%get3A_550, %get3A_551, %get3A_552] {strides = array<i32>} : memref<2x80x128xf32, #tpu.memory_space<vmem>>, vector<1x1x16xf32>,
        %get3A_554 = vector.shape_cast %get3A_553 : vector<1x1x16xf32> to vector<16xf32>
        %get3A_555 = arith.constant 0 : i32
        %get3A_556 = arith.index_cast %get3A_555 : i32 to index
        %get3A_557 = arith.index_cast %scan3A_428 : i32 to index
        %get3A_558 = arith.constant 96 : index
        %get3A_559 = tpu.vector_load %arg10[%get3A_556, %get3A_557, %get3A_558] {strides = array<i32>} : memref<2x80x128xf32, #tpu.memory_space<vmem>>, vector<1x1x16xf32>,
        %get3A_560 = vector.shape_cast %get3A_559 : vector<1x1x16xf32> to vector<16xf32>
        %add3A_561 = arith.addf %get3A_554, %get3A_560 : vector<16xf32>
        %swap3A_562 = arith.constant 0 : i32
        %swap3A_563 = arith.index_cast %swap3A_562 : i32 to index
        %swap3A_564 = arith.index_cast %scan3A_428 : i32 to index
        %swap3A_565 = arith.constant 96 : index
        %swap3A_566 = tpu.vector_load %arg11[%swap3A_563, %swap3A_564, %swap3A_565] {strides = array<i32>} : memref<2x80x128xf32, #tpu.memory_space<vmem>>, vector<1x1x16xf32>,
        %swap3A_567 = vector.shape_cast %swap3A_566 : vector<1x1x16xf32> to vector<16xf32>
        %swap3A_568 = vector.shape_cast %add3A_561 : vector<16xf32> to vector<1x1x16xf32>
        tpu.vector_store %arg11[%swap3A_563, %swap3A_564, %swap3A_565], %swap3A_568 {strides = array<i32>} : memref<2x80x128xf32, #tpu.memory_space<vmem>>, vector<1x1x16xf32>,
        %get3A_569 = arith.constant 0 : i32
        %get3A_570 = arith.index_cast %get3A_569 : i32 to index
        %get3A_571 = arith.index_cast %scan3A_428 : i32 to index
        %get3A_572 = arith.constant 112 : index
        %get3A_573 = tpu.vector_load %arg9[%get3A_570, %get3A_571, %get3A_572] {strides = array<i32>} : memref<2x80x128xf32, #tpu.memory_space<vmem>>, vector<1x1x16xf32>,
        %get3A_574 = vector.shape_cast %get3A_573 : vector<1x1x16xf32> to vector<16xf32>
        %get3A_575 = arith.constant 0 : i32
        %get3A_576 = arith.index_cast %get3A_575 : i32 to index
        %get3A_577 = arith.index_cast %scan3A_428 : i32 to index
        %get3A_578 = arith.constant 112 : index
        %get3A_579 = tpu.vector_load %arg10[%get3A_576, %get3A_577, %get3A_578] {strides = array<i32>} : memref<2x80x128xf32, #tpu.memory_space<vmem>>, vector<1x1x16xf32>,
        %get3A_580 = vector.shape_cast %get3A_579 : vector<1x1x16xf32> to vector<16xf32>
        %add3A_581 = arith.addf %get3A_574, %get3A_580 : vector<16xf32>
        %swap3A_582 = arith.constant 0 : i32
        %swap3A_583 = arith.index_cast %swap3A_582 : i32 to index
        %swap3A_584 = arith.index_cast %scan3A_428 : i32 to index
        %swap3A_585 = arith.constant 112 : index
        %swap3A_586 = tpu.vector_load %arg11[%swap3A_583, %swap3A_584, %swap3A_585] {strides = array<i32>} : memref<2x80x128xf32, #tpu.memory_space<vmem>>, vector<1x1x16xf32>,
        %swap3A_587 = vector.shape_cast %swap3A_586 : vector<1x1x16xf32> to vector<16xf32>
        %swap3A_588 = vector.shape_cast %add3A_581 : vector<16xf32> to vector<1x1x16xf32>
        tpu.vector_store %arg11[%swap3A_583, %swap3A_584, %swap3A_585], %swap3A_588 {strides = array<i32>} : memref<2x80x128xf32, #tpu.memory_space<vmem>>, vector<1x1x16xf32>,
      }
      %scan3A_170 = arith.constant 80 : i32
      %mul3A_171 = arith.constant 80 : i32
      %mul3A_172 = arith.muli %mul3A_140, %mul3A_171 : i32
      %add3A_173 = arith.addi %mul3A_2, %mul3A_172 : i32
      %dma_start3A_174 = arith.constant 0 : i32
      %dma_start3A_175 = arith.constant 0 : i32
      %dma_start3A_176 = arith.constant 0 : i32
      %dma_start3A_177 = tpu.memref_slice %arg11[%dma_start3A_174, %dma_start3A_175, %dma_start3A_176] : memref<2x80x128xf32, #tpu.memory_space<vmem>> -> memref<1x80x128xf32, #tpu.memory_space<vmem>>
      %dma_start3A_178 = tpu.memref_squeeze %dma_start3A_177 : memref<1x80x128xf32, #tpu.memory_space<vmem>> -> memref<80x128xf32, #tpu.memory_space<vmem>>
      %dma_start3A_179 = arith.constant 0 : i32
      %dma_start3A_180 = tpu.memref_slice %arg6[%add3A_173, %dma_start3A_179] : memref<320000x128xf32, #tpu.memory_space<hbm>> -> memref<80x128xf32, #tpu.memory_space<hbm>>
      %dma_start3A_181 = arith.constant 0 : i32
      %dma_start3A_182 = tpu.memref_slice %arg6[%add3A_173, %dma_start3A_181] : memref<320000x128xf32, #tpu.memory_space<hbm>> -> memref<80x128xf32, #tpu.memory_space<hbm>>
      %dma_start3A_183 = arith.constant 0 : i32
      %dma_start3A_184 = arith.constant 0 : i32
      %dma_start3A_185 = tpu.memref_slice %arg11[%dma_start3A_174, %dma_start3A_183, %dma_start3A_184] : memref<2x80x128xf32, #tpu.memory_space<vmem>> -> memref<1x80x128xf32, #tpu.memory_space<vmem>>
      %dma_start3A_186 = tpu.memref_squeeze %dma_start3A_185 : memref<1x80x128xf32, #tpu.memory_space<vmem>> -> memref<80x128xf32, #tpu.memory_space<vmem>>
      tpu.enqueue_dma source(%dma_start3A_186 : memref<80x128xf32, #tpu.memory_space<vmem>>) target(%dma_start3A_182 : memref<80x128xf32, #tpu.memory_space<hbm>>) target_semaphore(%arg16 : memref<!tpu.dma_semaphore, #tpu.memory_space<semaphore_mem>>)
      %add3A_187 = arith.constant 2 : i32
      %add3A_188 = arith.addi %mul3A_140, %add3A_187 : i32
      %dma_start3A_189 = arith.constant 0 : i32
      %dma_start3A_190 = arith.constant 0 : i32
      %dma_start3A_191 = arith.constant 0 : i32
      %dma_start3A_192 = tpu.memref_slice %arg9[%dma_start3A_189, %dma_start3A_190, %dma_start3A_191] : memref<2x80x128xf32, #tpu.memory_space<vmem>> -> memref<1x80x128xf32, #tpu.memory_space<vmem>>
      %dma_start3A_193 = tpu.memref_squeeze %dma_start3A_192 : memref<1x80x128xf32, #tpu.memory_space<vmem>> -> memref<80x128xf32, #tpu.memory_space<vmem>>
      %dma_start3A_194 = arith.constant 0 : i32
      %dma_start3A_195 = tpu.memref_slice %arg7[%add3A_188, %dma_start3A_194] : memref<125x80xi32, #tpu.memory_space<vmem>> -> memref<1x80xi32, #tpu.memory_space<vmem>>
      %dma_start3A_196 = tpu.memref_squeeze %dma_start3A_195 : memref<1x80xi32, #tpu.memory_space<vmem>> -> memref<80xi32, #tpu.memory_space<vmem>>
      %dma_start3A_197 = arith.constant 0 : i32
      %dma_start3A_198 = arith.constant 0 : i32
      %dma_start3A_199 = tpu.memref_slice %arg2[%dma_start3A_197, %dma_start3A_198] : memref<10000x128xf32, #tpu.memory_space<hbm>> -> memref<10000x128xf32, #tpu.memory_space<hbm>>
      tpu.enqueue_indirect_dma source(%dma_start3A_199 : memref<10000x128xf32, #tpu.memory_space<hbm>>) target(%dma_start3A_193 : memref<80x128xf32, #tpu.memory_space<vmem>>) offsets(%dma_start3A_196 : memref<80xi32, #tpu.memory_space<vmem>>) semaphore(%arg12 : memref<!tpu.dma_semaphore, #tpu.memory_space<semaphore_mem>>)
      %dma_start3A_200 = arith.constant 0 : i32
      %dma_start3A_201 = arith.constant 0 : i32
      %dma_start3A_202 = arith.constant 0 : i32
      %dma_start3A_203 = tpu.memref_slice %arg10[%dma_start3A_200, %dma_start3A_201, %dma_start3A_202] : memref<2x80x128xf32, #tpu.memory_space<vmem>> -> memref<1x80x128xf32, #tpu.memory_space<vmem>>
      %dma_start3A_204 = tpu.memref_squeeze %dma_start3A_203 : memref<1x80x128xf32, #tpu.memory_space<vmem>> -> memref<80x128xf32, #tpu.memory_space<vmem>>
      %dma_start3A_205 = arith.constant 0 : i32
      %dma_start3A_206 = tpu.memref_slice %arg8[%add3A_188, %dma_start3A_205] : memref<125x80xi32, #tpu.memory_space<vmem>> -> memref<1x80xi32, #tpu.memory_space<vmem>>
      %dma_start3A_207 = tpu.memref_squeeze %dma_start3A_206 : memref<1x80xi32, #tpu.memory_space<vmem>> -> memref<80xi32, #tpu.memory_space<vmem>>
      %dma_start3A_208 = arith.constant 0 : i32
      %dma_start3A_209 = arith.constant 0 : i32
      %dma_start3A_210 = tpu.memref_slice %arg3[%dma_start3A_208, %dma_start3A_209] : memref<10000x128xf32, #tpu.memory_space<hbm>> -> memref<10000x128xf32, #tpu.memory_space<hbm>>
      tpu.enqueue_indirect_dma source(%dma_start3A_210 : memref<10000x128xf32, #tpu.memory_space<hbm>>) target(%dma_start3A_204 : memref<80x128xf32, #tpu.memory_space<vmem>>) offsets(%dma_start3A_207 : memref<80xi32, #tpu.memory_space<vmem>>) semaphore(%arg14 : memref<!tpu.dma_semaphore, #tpu.memory_space<semaphore_mem>>)
      %add3A_211 = arith.constant 1 : i32
      %add3A_212 = arith.addi %mul3A_140, %add3A_211 : i32
      %gt3A_213 = arith.constant 0 : i32
      %gt3A_214 = arith.cmpi sgt, %scan3A_138, %gt3A_213 : i32
      %dma_wait3A_215 = arith.constant 1 : i32
      %dma_wait3A_216 = arith.constant 0 : i32
      %dma_wait3A_217 = arith.constant 0 : i32
      %dma_wait3A_218 = tpu.memref_slice %arg9[%dma_wait3A_215, %dma_wait3A_216, %dma_wait3A_217] : memref<2x80x128xf32, #tpu.memory_space<vmem>> -> memref<1x80x128xf32, #tpu.memory_space<vmem>>
      %dma_wait3A_219 = tpu.memref_squeeze %dma_wait3A_218 : memref<1x80x128xf32, #tpu.memory_space<vmem>> -> memref<80x128xf32, #tpu.memory_space<vmem>>
      %dma_wait3A_220 = arith.constant 0 : i32
      %dma_wait3A_221 = tpu.memref_slice %arg7[%add3A_212, %dma_wait3A_220] : memref<125x80xi32, #tpu.memory_space<vmem>> -> memref<1x80xi32, #tpu.memory_space<vmem>>
      %dma_wait3A_222 = tpu.memref_squeeze %dma_wait3A_221 : memref<1x80xi32, #tpu.memory_space<vmem>> -> memref<80xi32, #tpu.memory_space<vmem>>
      %dma_wait3A_223 = arith.constant 0 : i32
      %dma_wait3A_224 = arith.constant 0 : i32
      %dma_wait3A_225 = tpu.memref_slice %arg2[%dma_wait3A_223, %dma_wait3A_224] : memref<10000x128xf32, #tpu.memory_space<hbm>> -> memref<10000x128xf32, #tpu.memory_space<hbm>>
      tpu.wait_indirect_dma semaphore(%arg13 : memref<!tpu.dma_semaphore, #tpu.memory_space<semaphore_mem>>) src(%dma_wait3A_225 : memref<10000x128xf32, #tpu.memory_space<hbm>>) dst(%dma_wait3A_219 : memref<80x128xf32, #tpu.memory_space<vmem>>)
      %dma_wait3A_226 = arith.constant 1 : i32
      %dma_wait3A_227 = arith.constant 0 : i32
      %dma_wait3A_228 = arith.constant 0 : i32
      %dma_wait3A_229 = tpu.memref_slice %arg10[%dma_wait3A_226, %dma_wait3A_227, %dma_wait3A_228] : memref<2x80x128xf32, #tpu.memory_space<vmem>> -> memref<1x80x128xf32, #tpu.memory_space<vmem>>
      %dma_wait3A_230 = tpu.memref_squeeze %dma_wait3A_229 : memref<1x80x128xf32, #tpu.memory_space<vmem>> -> memref<80x128xf32, #tpu.memory_space<vmem>>
      %dma_wait3A_231 = arith.constant 0 : i32
      %dma_wait3A_232 = tpu.memref_slice %arg8[%add3A_212, %dma_wait3A_231] : memref<125x80xi32, #tpu.memory_space<vmem>> -> memref<1x80xi32, #tpu.memory_space<vmem>>
      %dma_wait3A_233 = tpu.memref_squeeze %dma_wait3A_232 : memref<1x80xi32, #tpu.memory_space<vmem>> -> memref<80xi32, #tpu.memory_space<vmem>>
      %dma_wait3A_234 = arith.constant 0 : i32
      %dma_wait3A_235 = arith.constant 0 : i32
      %dma_wait3A_236 = tpu.memref_slice %arg3[%dma_wait3A_234, %dma_wait3A_235] : memref<10000x128xf32, #tpu.memory_space<hbm>> -> memref<10000x128xf32, #tpu.memory_space<hbm>>
      tpu.wait_indirect_dma semaphore(%arg15 : memref<!tpu.dma_semaphore, #tpu.memory_space<semaphore_mem>>) src(%dma_wait3A_236 : memref<10000x128xf32, #tpu.memory_space<hbm>>) dst(%dma_wait3A_230 : memref<80x128xf32, #tpu.memory_space<vmem>>)
      %convert_element_type3A_237 = arith.extui %gt3A_214 : i1 to i32
      %cond3A_238 = arith.constant 0 : i32
      %cond3A_239 = arith.cmpi ne, %convert_element_type3A_237, %cond3A_238 : i32
      scf.if %cond3A_239 {
        %dma_wait3A_268 = arith.constant 1 : i32
        %dma_wait3A_269 = arith.constant 0 : i32
        %dma_wait3A_270 = arith.constant 0 : i32
        %dma_wait3A_271 = tpu.memref_slice %arg11[%dma_wait3A_268, %dma_wait3A_269, %dma_wait3A_270] : memref<2x80x128xf32, #tpu.memory_space<vmem>> -> memref<1x80x128xf32, #tpu.memory_space<vmem>>
        %dma_wait3A_272 = tpu.memref_squeeze %dma_wait3A_271 : memref<1x80x128xf32, #tpu.memory_space<vmem>> -> memref<80x128xf32, #tpu.memory_space<vmem>>
        %dma_wait3A_273 = arith.constant 0 : i32
        %dma_wait3A_274 = tpu.memref_slice %arg6[%mul3A_2, %dma_wait3A_273] : memref<320000x128xf32, #tpu.memory_space<hbm>> -> memref<80x128xf32, #tpu.memory_space<hbm>>
        %dma_wait3A_275 = arith.constant 0 : i32
        %dma_wait3A_276 = tpu.memref_slice %arg6[%mul3A_2, %dma_wait3A_275] : memref<320000x128xf32, #tpu.memory_space<hbm>> -> memref<80x128xf32, #tpu.memory_space<hbm>>
        %dma_wait3A_277 = arith.constant 0 : i32
        %dma_wait3A_278 = arith.constant 0 : i32
        %dma_wait3A_279 = tpu.memref_slice %arg11[%dma_wait3A_268, %dma_wait3A_277, %dma_wait3A_278] : memref<2x80x128xf32, #tpu.memory_space<vmem>> -> memref<1x80x128xf32, #tpu.memory_space<vmem>>
        %dma_wait3A_280 = tpu.memref_squeeze %dma_wait3A_279 : memref<1x80x128xf32, #tpu.memory_space<vmem>> -> memref<80x128xf32, #tpu.memory_space<vmem>>
        tpu.wait_dma2 semaphore(%arg17 : memref<!tpu.dma_semaphore, #tpu.memory_space<semaphore_mem>>) src(%dma_wait3A_280 : memref<80x128xf32, #tpu.memory_space<vmem>>) dst(%dma_wait3A_276 : memref<80x128xf32, #tpu.memory_space<hbm>>)
      } else {
      }
      %scan3A_240 = arith.constant 0 : i32
      %scan3A_241 = arith.constant 0 : i32
      %scan3A_242 = arith.constant 80 : i32
      %scan3A_243 = arith.addi %scan3A_241, %scan3A_242 : i32
      %scan3A_244 = arith.constant 2 : i32
      scf.for %scan3A_268 = %scan3A_241 to %scan3A_243 step %scan3A_244  : i32 {
        %get3A = arith.constant 1 : i32
        %get3A_269 = arith.index_cast %get3A : i32 to index
        %get3A_270 = arith.index_cast %scan3A_268 : i32 to index
        %get3A_271 = arith.constant 0 : index
        %get3A_272 = tpu.vector_load %arg9[%get3A_269, %get3A_270, %get3A_271] {strides = array<i32>} : memref<2x80x128xf32, #tpu.memory_space<vmem>>, vector<1x1x16xf32>,
        %get3A_273 = vector.shape_cast %get3A_272 : vector<1x1x16xf32> to vector<16xf32>
        %get3A_274 = arith.constant 1 : i32
        %get3A_275 = arith.index_cast %get3A_274 : i32 to index
        %get3A_276 = arith.index_cast %scan3A_268 : i32 to index
        %get3A_277 = arith.constant 0 : index
        %get3A_278 = tpu.vector_load %arg10[%get3A_275, %get3A_276, %get3A_277] {strides = array<i32>} : memref<2x80x128xf32, #tpu.memory_space<vmem>>, vector<1x1x16xf32>,
        %get3A_279 = vector.shape_cast %get3A_278 : vector<1x1x16xf32> to vector<16xf32>
        %add3A_280 = arith.addf %get3A_273, %get3A_279 : vector<16xf32>
        %swap3A = arith.constant 1 : i32
        %swap3A_281 = arith.index_cast %swap3A : i32 to index
        %swap3A_282 = arith.index_cast %scan3A_268 : i32 to index
        %swap3A_283 = arith.constant 0 : index
        %swap3A_284 = tpu.vector_load %arg11[%swap3A_281, %swap3A_282, %swap3A_283] {strides = array<i32>} : memref<2x80x128xf32, #tpu.memory_space<vmem>>, vector<1x1x16xf32>,
        %swap3A_285 = vector.shape_cast %swap3A_284 : vector<1x1x16xf32> to vector<16xf32>
        %swap3A_286 = vector.shape_cast %add3A_280 : vector<16xf32> to vector<1x1x16xf32>
        tpu.vector_store %arg11[%swap3A_281, %swap3A_282, %swap3A_283], %swap3A_286 {strides = array<i32>} : memref<2x80x128xf32, #tpu.memory_space<vmem>>, vector<1x1x16xf32>,
        %get3A_287 = arith.constant 1 : i32
        %get3A_288 = arith.index_cast %get3A_287 : i32 to index
        %get3A_289 = arith.index_cast %scan3A_268 : i32 to index
        %get3A_290 = arith.constant 16 : index
        %get3A_291 = tpu.vector_load %arg9[%get3A_288, %get3A_289, %get3A_290] {strides = array<i32>} : memref<2x80x128xf32, #tpu.memory_space<vmem>>, vector<1x1x16xf32>,
        %get3A_292 = vector.shape_cast %get3A_291 : vector<1x1x16xf32> to vector<16xf32>
        %get3A_293 = arith.constant 1 : i32
        %get3A_294 = arith.index_cast %get3A_293 : i32 to index
        %get3A_295 = arith.index_cast %scan3A_268 : i32 to index
        %get3A_296 = arith.constant 16 : index
        %get3A_297 = tpu.vector_load %arg10[%get3A_294, %get3A_295, %get3A_296] {strides = array<i32>} : memref<2x80x128xf32, #tpu.memory_space<vmem>>, vector<1x1x16xf32>,
        %get3A_298 = vector.shape_cast %get3A_297 : vector<1x1x16xf32> to vector<16xf32>
        %add3A_299 = arith.addf %get3A_292, %get3A_298 : vector<16xf32>
        %swap3A_300 = arith.constant 1 : i32
        %swap3A_301 = arith.index_cast %swap3A_300 : i32 to index
        %swap3A_302 = arith.index_cast %scan3A_268 : i32 to index
        %swap3A_303 = arith.constant 16 : index
        %swap3A_304 = tpu.vector_load %arg11[%swap3A_301, %swap3A_302, %swap3A_303] {strides = array<i32>} : memref<2x80x128xf32, #tpu.memory_space<vmem>>, vector<1x1x16xf32>,
        %swap3A_305 = vector.shape_cast %swap3A_304 : vector<1x1x16xf32> to vector<16xf32>
        %swap3A_306 = vector.shape_cast %add3A_299 : vector<16xf32> to vector<1x1x16xf32>
        tpu.vector_store %arg11[%swap3A_301, %swap3A_302, %swap3A_303], %swap3A_306 {strides = array<i32>} : memref<2x80x128xf32, #tpu.memory_space<vmem>>, vector<1x1x16xf32>,
        %get3A_307 = arith.constant 1 : i32
        %get3A_308 = arith.index_cast %get3A_307 : i32 to index
        %get3A_309 = arith.index_cast %scan3A_268 : i32 to index
        %get3A_310 = arith.constant 32 : index
        %get3A_311 = tpu.vector_load %arg9[%get3A_308, %get3A_309, %get3A_310] {strides = array<i32>} : memref<2x80x128xf32, #tpu.memory_space<vmem>>, vector<1x1x16xf32>,
        %get3A_312 = vector.shape_cast %get3A_311 : vector<1x1x16xf32> to vector<16xf32>
        %get3A_313 = arith.constant 1 : i32
        %get3A_314 = arith.index_cast %get3A_313 : i32 to index
        %get3A_315 = arith.index_cast %scan3A_268 : i32 to index
        %get3A_316 = arith.constant 32 : index
        %get3A_317 = tpu.vector_load %arg10[%get3A_314, %get3A_315, %get3A_316] {strides = array<i32>} : memref<2x80x128xf32, #tpu.memory_space<vmem>>, vector<1x1x16xf32>,
        %get3A_318 = vector.shape_cast %get3A_317 : vector<1x1x16xf32> to vector<16xf32>
        %add3A_319 = arith.addf %get3A_312, %get3A_318 : vector<16xf32>
        %swap3A_320 = arith.constant 1 : i32
        %swap3A_321 = arith.index_cast %swap3A_320 : i32 to index
        %swap3A_322 = arith.index_cast %scan3A_268 : i32 to index
        %swap3A_323 = arith.constant 32 : index
        %swap3A_324 = tpu.vector_load %arg11[%swap3A_321, %swap3A_322, %swap3A_323] {strides = array<i32>} : memref<2x80x128xf32, #tpu.memory_space<vmem>>, vector<1x1x16xf32>,
        %swap3A_325 = vector.shape_cast %swap3A_324 : vector<1x1x16xf32> to vector<16xf32>
        %swap3A_326 = vector.shape_cast %add3A_319 : vector<16xf32> to vector<1x1x16xf32>
        tpu.vector_store %arg11[%swap3A_321, %swap3A_322, %swap3A_323], %swap3A_326 {strides = array<i32>} : memref<2x80x128xf32, #tpu.memory_space<vmem>>, vector<1x1x16xf32>,
        %get3A_327 = arith.constant 1 : i32
        %get3A_328 = arith.index_cast %get3A_327 : i32 to index
        %get3A_329 = arith.index_cast %scan3A_268 : i32 to index
        %get3A_330 = arith.constant 48 : index
        %get3A_331 = tpu.vector_load %arg9[%get3A_328, %get3A_329, %get3A_330] {strides = array<i32>} : memref<2x80x128xf32, #tpu.memory_space<vmem>>, vector<1x1x16xf32>,
        %get3A_332 = vector.shape_cast %get3A_331 : vector<1x1x16xf32> to vector<16xf32>
        %get3A_333 = arith.constant 1 : i32
        %get3A_334 = arith.index_cast %get3A_333 : i32 to index
        %get3A_335 = arith.index_cast %scan3A_268 : i32 to index
        %get3A_336 = arith.constant 48 : index
        %get3A_337 = tpu.vector_load %arg10[%get3A_334, %get3A_335, %get3A_336] {strides = array<i32>} : memref<2x80x128xf32, #tpu.memory_space<vmem>>, vector<1x1x16xf32>,
        %get3A_338 = vector.shape_cast %get3A_337 : vector<1x1x16xf32> to vector<16xf32>
        %add3A_339 = arith.addf %get3A_332, %get3A_338 : vector<16xf32>
        %swap3A_340 = arith.constant 1 : i32
        %swap3A_341 = arith.index_cast %swap3A_340 : i32 to index
        %swap3A_342 = arith.index_cast %scan3A_268 : i32 to index
        %swap3A_343 = arith.constant 48 : index
        %swap3A_344 = tpu.vector_load %arg11[%swap3A_341, %swap3A_342, %swap3A_343] {strides = array<i32>} : memref<2x80x128xf32, #tpu.memory_space<vmem>>, vector<1x1x16xf32>,
        %swap3A_345 = vector.shape_cast %swap3A_344 : vector<1x1x16xf32> to vector<16xf32>
        %swap3A_346 = vector.shape_cast %add3A_339 : vector<16xf32> to vector<1x1x16xf32>
        tpu.vector_store %arg11[%swap3A_341, %swap3A_342, %swap3A_343], %swap3A_346 {strides = array<i32>} : memref<2x80x128xf32, #tpu.memory_space<vmem>>, vector<1x1x16xf32>,
        %get3A_347 = arith.constant 1 : i32
        %get3A_348 = arith.index_cast %get3A_347 : i32 to index
        %get3A_349 = arith.index_cast %scan3A_268 : i32 to index
        %get3A_350 = arith.constant 64 : index
        %get3A_351 = tpu.vector_load %arg9[%get3A_348, %get3A_349, %get3A_350] {strides = array<i32>} : memref<2x80x128xf32, #tpu.memory_space<vmem>>, vector<1x1x16xf32>,
        %get3A_352 = vector.shape_cast %get3A_351 : vector<1x1x16xf32> to vector<16xf32>
        %get3A_353 = arith.constant 1 : i32
        %get3A_354 = arith.index_cast %get3A_353 : i32 to index
        %get3A_355 = arith.index_cast %scan3A_268 : i32 to index
        %get3A_356 = arith.constant 64 : index
        %get3A_357 = tpu.vector_load %arg10[%get3A_354, %get3A_355, %get3A_356] {strides = array<i32>} : memref<2x80x128xf32, #tpu.memory_space<vmem>>, vector<1x1x16xf32>,
        %get3A_358 = vector.shape_cast %get3A_357 : vector<1x1x16xf32> to vector<16xf32>
        %add3A_359 = arith.addf %get3A_352, %get3A_358 : vector<16xf32>
        %swap3A_360 = arith.constant 1 : i32
        %swap3A_361 = arith.index_cast %swap3A_360 : i32 to index
        %swap3A_362 = arith.index_cast %scan3A_268 : i32 to index
        %swap3A_363 = arith.constant 64 : index
        %swap3A_364 = tpu.vector_load %arg11[%swap3A_361, %swap3A_362, %swap3A_363] {strides = array<i32>} : memref<2x80x128xf32, #tpu.memory_space<vmem>>, vector<1x1x16xf32>,
        %swap3A_365 = vector.shape_cast %swap3A_364 : vector<1x1x16xf32> to vector<16xf32>
        %swap3A_366 = vector.shape_cast %add3A_359 : vector<16xf32> to vector<1x1x16xf32>
        tpu.vector_store %arg11[%swap3A_361, %swap3A_362, %swap3A_363], %swap3A_366 {strides = array<i32>} : memref<2x80x128xf32, #tpu.memory_space<vmem>>, vector<1x1x16xf32>,
        %get3A_367 = arith.constant 1 : i32
        %get3A_368 = arith.index_cast %get3A_367 : i32 to index
        %get3A_369 = arith.index_cast %scan3A_268 : i32 to index
        %get3A_370 = arith.constant 80 : index
        %get3A_371 = tpu.vector_load %arg9[%get3A_368, %get3A_369, %get3A_370] {strides = array<i32>} : memref<2x80x128xf32, #tpu.memory_space<vmem>>, vector<1x1x16xf32>,
        %get3A_372 = vector.shape_cast %get3A_371 : vector<1x1x16xf32> to vector<16xf32>
        %get3A_373 = arith.constant 1 : i32
        %get3A_374 = arith.index_cast %get3A_373 : i32 to index
        %get3A_375 = arith.index_cast %scan3A_268 : i32 to index
        %get3A_376 = arith.constant 80 : index
        %get3A_377 = tpu.vector_load %arg10[%get3A_374, %get3A_375, %get3A_376] {strides = array<i32>} : memref<2x80x128xf32, #tpu.memory_space<vmem>>, vector<1x1x16xf32>,
        %get3A_378 = vector.shape_cast %get3A_377 : vector<1x1x16xf32> to vector<16xf32>
        %add3A_379 = arith.addf %get3A_372, %get3A_378 : vector<16xf32>
        %swap3A_380 = arith.constant 1 : i32
        %swap3A_381 = arith.index_cast %swap3A_380 : i32 to index
        %swap3A_382 = arith.index_cast %scan3A_268 : i32 to index
        %swap3A_383 = arith.constant 80 : index
        %swap3A_384 = tpu.vector_load %arg11[%swap3A_381, %swap3A_382, %swap3A_383] {strides = array<i32>} : memref<2x80x128xf32, #tpu.memory_space<vmem>>, vector<1x1x16xf32>,
        %swap3A_385 = vector.shape_cast %swap3A_384 : vector<1x1x16xf32> to vector<16xf32>
        %swap3A_386 = vector.shape_cast %add3A_379 : vector<16xf32> to vector<1x1x16xf32>
        tpu.vector_store %arg11[%swap3A_381, %swap3A_382, %swap3A_383], %swap3A_386 {strides = array<i32>} : memref<2x80x128xf32, #tpu.memory_space<vmem>>, vector<1x1x16xf32>,
        %get3A_387 = arith.constant 1 : i32
        %get3A_388 = arith.index_cast %get3A_387 : i32 to index
        %get3A_389 = arith.index_cast %scan3A_268 : i32 to index
        %get3A_390 = arith.constant 96 : index
        %get3A_391 = tpu.vector_load %arg9[%get3A_388, %get3A_389, %get3A_390] {strides = array<i32>} : memref<2x80x128xf32, #tpu.memory_space<vmem>>, vector<1x1x16xf32>,
        %get3A_392 = vector.shape_cast %get3A_391 : vector<1x1x16xf32> to vector<16xf32>
        %get3A_393 = arith.constant 1 : i32
        %get3A_394 = arith.index_cast %get3A_393 : i32 to index
        %get3A_395 = arith.index_cast %scan3A_268 : i32 to index
        %get3A_396 = arith.constant 96 : index
        %get3A_397 = tpu.vector_load %arg10[%get3A_394, %get3A_395, %get3A_396] {strides = array<i32>} : memref<2x80x128xf32, #tpu.memory_space<vmem>>, vector<1x1x16xf32>,
        %get3A_398 = vector.shape_cast %get3A_397 : vector<1x1x16xf32> to vector<16xf32>
        %add3A_399 = arith.addf %get3A_392, %get3A_398 : vector<16xf32>
        %swap3A_400 = arith.constant 1 : i32
        %swap3A_401 = arith.index_cast %swap3A_400 : i32 to index
        %swap3A_402 = arith.index_cast %scan3A_268 : i32 to index
        %swap3A_403 = arith.constant 96 : index
        %swap3A_404 = tpu.vector_load %arg11[%swap3A_401, %swap3A_402, %swap3A_403] {strides = array<i32>} : memref<2x80x128xf32, #tpu.memory_space<vmem>>, vector<1x1x16xf32>,
        %swap3A_405 = vector.shape_cast %swap3A_404 : vector<1x1x16xf32> to vector<16xf32>
        %swap3A_406 = vector.shape_cast %add3A_399 : vector<16xf32> to vector<1x1x16xf32>
        tpu.vector_store %arg11[%swap3A_401, %swap3A_402, %swap3A_403], %swap3A_406 {strides = array<i32>} : memref<2x80x128xf32, #tpu.memory_space<vmem>>, vector<1x1x16xf32>,
        %get3A_407 = arith.constant 1 : i32
        %get3A_408 = arith.index_cast %get3A_407 : i32 to index
        %get3A_409 = arith.index_cast %scan3A_268 : i32 to index
        %get3A_410 = arith.constant 112 : index
        %get3A_411 = tpu.vector_load %arg9[%get3A_408, %get3A_409, %get3A_410] {strides = array<i32>} : memref<2x80x128xf32, #tpu.memory_space<vmem>>, vector<1x1x16xf32>,
        %get3A_412 = vector.shape_cast %get3A_411 : vector<1x1x16xf32> to vector<16xf32>
        %get3A_413 = arith.constant 1 : i32
        %get3A_414 = arith.index_cast %get3A_413 : i32 to index
        %get3A_415 = arith.index_cast %scan3A_268 : i32 to index
        %get3A_416 = arith.constant 112 : index
        %get3A_417 = tpu.vector_load %arg10[%get3A_414, %get3A_415, %get3A_416] {strides = array<i32>} : memref<2x80x128xf32, #tpu.memory_space<vmem>>, vector<1x1x16xf32>,
        %get3A_418 = vector.shape_cast %get3A_417 : vector<1x1x16xf32> to vector<16xf32>
        %add3A_419 = arith.addf %get3A_412, %get3A_418 : vector<16xf32>
        %swap3A_420 = arith.constant 1 : i32
        %swap3A_421 = arith.index_cast %swap3A_420 : i32 to index
        %swap3A_422 = arith.index_cast %scan3A_268 : i32 to index
        %swap3A_423 = arith.constant 112 : index
        %swap3A_424 = tpu.vector_load %arg11[%swap3A_421, %swap3A_422, %swap3A_423] {strides = array<i32>} : memref<2x80x128xf32, #tpu.memory_space<vmem>>, vector<1x1x16xf32>,
        %swap3A_425 = vector.shape_cast %swap3A_424 : vector<1x1x16xf32> to vector<16xf32>
        %swap3A_426 = vector.shape_cast %add3A_419 : vector<16xf32> to vector<1x1x16xf32>
        tpu.vector_store %arg11[%swap3A_421, %swap3A_422, %swap3A_423], %swap3A_426 {strides = array<i32>} : memref<2x80x128xf32, #tpu.memory_space<vmem>>, vector<1x1x16xf32>,
        %scan3A_427 = arith.constant 1 : i32
        %scan3A_428 = arith.addi %scan3A_268, %scan3A_427 : i32
        %get3A_429 = arith.constant 1 : i32
        %get3A_430 = arith.index_cast %get3A_429 : i32 to index
        %get3A_431 = arith.index_cast %scan3A_428 : i32 to index
        %get3A_432 = arith.constant 0 : index
        %get3A_433 = tpu.vector_load %arg9[%get3A_430, %get3A_431, %get3A_432] {strides = array<i32>} : memref<2x80x128xf32, #tpu.memory_space<vmem>>, vector<1x1x16xf32>,
        %get3A_434 = vector.shape_cast %get3A_433 : vector<1x1x16xf32> to vector<16xf32>
        %get3A_435 = arith.constant 1 : i32
        %get3A_436 = arith.index_cast %get3A_435 : i32 to index
        %get3A_437 = arith.index_cast %scan3A_428 : i32 to index
        %get3A_438 = arith.constant 0 : index
        %get3A_439 = tpu.vector_load %arg10[%get3A_436, %get3A_437, %get3A_438] {strides = array<i32>} : memref<2x80x128xf32, #tpu.memory_space<vmem>>, vector<1x1x16xf32>,
        %get3A_440 = vector.shape_cast %get3A_439 : vector<1x1x16xf32> to vector<16xf32>
        %add3A_441 = arith.addf %get3A_434, %get3A_440 : vector<16xf32>
        %swap3A_442 = arith.constant 1 : i32
        %swap3A_443 = arith.index_cast %swap3A_442 : i32 to index
        %swap3A_444 = arith.index_cast %scan3A_428 : i32 to index
        %swap3A_445 = arith.constant 0 : index
        %swap3A_446 = tpu.vector_load %arg11[%swap3A_443, %swap3A_444, %swap3A_445] {strides = array<i32>} : memref<2x80x128xf32, #tpu.memory_space<vmem>>, vector<1x1x16xf32>,
        %swap3A_447 = vector.shape_cast %swap3A_446 : vector<1x1x16xf32> to vector<16xf32>
        %swap3A_448 = vector.shape_cast %add3A_441 : vector<16xf32> to vector<1x1x16xf32>
        tpu.vector_store %arg11[%swap3A_443, %swap3A_444, %swap3A_445], %swap3A_448 {strides = array<i32>} : memref<2x80x128xf32, #tpu.memory_space<vmem>>, vector<1x1x16xf32>,
        %get3A_449 = arith.constant 1 : i32
        %get3A_450 = arith.index_cast %get3A_449 : i32 to index
        %get3A_451 = arith.index_cast %scan3A_428 : i32 to index
        %get3A_452 = arith.constant 16 : index
        %get3A_453 = tpu.vector_load %arg9[%get3A_450, %get3A_451, %get3A_452] {strides = array<i32>} : memref<2x80x128xf32, #tpu.memory_space<vmem>>, vector<1x1x16xf32>,
        %get3A_454 = vector.shape_cast %get3A_453 : vector<1x1x16xf32> to vector<16xf32>
        %get3A_455 = arith.constant 1 : i32
        %get3A_456 = arith.index_cast %get3A_455 : i32 to index
        %get3A_457 = arith.index_cast %scan3A_428 : i32 to index
        %get3A_458 = arith.constant 16 : index
        %get3A_459 = tpu.vector_load %arg10[%get3A_456, %get3A_457, %get3A_458] {strides = array<i32>} : memref<2x80x128xf32, #tpu.memory_space<vmem>>, vector<1x1x16xf32>,
        %get3A_460 = vector.shape_cast %get3A_459 : vector<1x1x16xf32> to vector<16xf32>
        %add3A_461 = arith.addf %get3A_454, %get3A_460 : vector<16xf32>
        %swap3A_462 = arith.constant 1 : i32
        %swap3A_463 = arith.index_cast %swap3A_462 : i32 to index
        %swap3A_464 = arith.index_cast %scan3A_428 : i32 to index
        %swap3A_465 = arith.constant 16 : index
        %swap3A_466 = tpu.vector_load %arg11[%swap3A_463, %swap3A_464, %swap3A_465] {strides = array<i32>} : memref<2x80x128xf32, #tpu.memory_space<vmem>>, vector<1x1x16xf32>,
        %swap3A_467 = vector.shape_cast %swap3A_466 : vector<1x1x16xf32> to vector<16xf32>
        %swap3A_468 = vector.shape_cast %add3A_461 : vector<16xf32> to vector<1x1x16xf32>
        tpu.vector_store %arg11[%swap3A_463, %swap3A_464, %swap3A_465], %swap3A_468 {strides = array<i32>} : memref<2x80x128xf32, #tpu.memory_space<vmem>>, vector<1x1x16xf32>,
        %get3A_469 = arith.constant 1 : i32
        %get3A_470 = arith.index_cast %get3A_469 : i32 to index
        %get3A_471 = arith.index_cast %scan3A_428 : i32 to index
        %get3A_472 = arith.constant 32 : index
        %get3A_473 = tpu.vector_load %arg9[%get3A_470, %get3A_471, %get3A_472] {strides = array<i32>} : memref<2x80x128xf32, #tpu.memory_space<vmem>>, vector<1x1x16xf32>,
        %get3A_474 = vector.shape_cast %get3A_473 : vector<1x1x16xf32> to vector<16xf32>
        %get3A_475 = arith.constant 1 : i32
        %get3A_476 = arith.index_cast %get3A_475 : i32 to index
        %get3A_477 = arith.index_cast %scan3A_428 : i32 to index
        %get3A_478 = arith.constant 32 : index
        %get3A_479 = tpu.vector_load %arg10[%get3A_476, %get3A_477, %get3A_478] {strides = array<i32>} : memref<2x80x128xf32, #tpu.memory_space<vmem>>, vector<1x1x16xf32>,
        %get3A_480 = vector.shape_cast %get3A_479 : vector<1x1x16xf32> to vector<16xf32>
        %add3A_481 = arith.addf %get3A_474, %get3A_480 : vector<16xf32>
        %swap3A_482 = arith.constant 1 : i32
        %swap3A_483 = arith.index_cast %swap3A_482 : i32 to index
        %swap3A_484 = arith.index_cast %scan3A_428 : i32 to index
        %swap3A_485 = arith.constant 32 : index
        %swap3A_486 = tpu.vector_load %arg11[%swap3A_483, %swap3A_484, %swap3A_485] {strides = array<i32>} : memref<2x80x128xf32, #tpu.memory_space<vmem>>, vector<1x1x16xf32>,
        %swap3A_487 = vector.shape_cast %swap3A_486 : vector<1x1x16xf32> to vector<16xf32>
        %swap3A_488 = vector.shape_cast %add3A_481 : vector<16xf32> to vector<1x1x16xf32>
        tpu.vector_store %arg11[%swap3A_483, %swap3A_484, %swap3A_485], %swap3A_488 {strides = array<i32>} : memref<2x80x128xf32, #tpu.memory_space<vmem>>, vector<1x1x16xf32>,
        %get3A_489 = arith.constant 1 : i32
        %get3A_490 = arith.index_cast %get3A_489 : i32 to index
        %get3A_491 = arith.index_cast %scan3A_428 : i32 to index
        %get3A_492 = arith.constant 48 : index
        %get3A_493 = tpu.vector_load %arg9[%get3A_490, %get3A_491, %get3A_492] {strides = array<i32>} : memref<2x80x128xf32, #tpu.memory_space<vmem>>, vector<1x1x16xf32>,
        %get3A_494 = vector.shape_cast %get3A_493 : vector<1x1x16xf32> to vector<16xf32>
        %get3A_495 = arith.constant 1 : i32
        %get3A_496 = arith.index_cast %get3A_495 : i32 to index
        %get3A_497 = arith.index_cast %scan3A_428 : i32 to index
        %get3A_498 = arith.constant 48 : index
        %get3A_499 = tpu.vector_load %arg10[%get3A_496, %get3A_497, %get3A_498] {strides = array<i32>} : memref<2x80x128xf32, #tpu.memory_space<vmem>>, vector<1x1x16xf32>,
        %get3A_500 = vector.shape_cast %get3A_499 : vector<1x1x16xf32> to vector<16xf32>
        %add3A_501 = arith.addf %get3A_494, %get3A_500 : vector<16xf32>
        %swap3A_502 = arith.constant 1 : i32
        %swap3A_503 = arith.index_cast %swap3A_502 : i32 to index
        %swap3A_504 = arith.index_cast %scan3A_428 : i32 to index
        %swap3A_505 = arith.constant 48 : index
        %swap3A_506 = tpu.vector_load %arg11[%swap3A_503, %swap3A_504, %swap3A_505] {strides = array<i32>} : memref<2x80x128xf32, #tpu.memory_space<vmem>>, vector<1x1x16xf32>,
        %swap3A_507 = vector.shape_cast %swap3A_506 : vector<1x1x16xf32> to vector<16xf32>
        %swap3A_508 = vector.shape_cast %add3A_501 : vector<16xf32> to vector<1x1x16xf32>
        tpu.vector_store %arg11[%swap3A_503, %swap3A_504, %swap3A_505], %swap3A_508 {strides = array<i32>} : memref<2x80x128xf32, #tpu.memory_space<vmem>>, vector<1x1x16xf32>,
        %get3A_509 = arith.constant 1 : i32
        %get3A_510 = arith.index_cast %get3A_509 : i32 to index
        %get3A_511 = arith.index_cast %scan3A_428 : i32 to index
        %get3A_512 = arith.constant 64 : index
        %get3A_513 = tpu.vector_load %arg9[%get3A_510, %get3A_511, %get3A_512] {strides = array<i32>} : memref<2x80x128xf32, #tpu.memory_space<vmem>>, vector<1x1x16xf32>,
        %get3A_514 = vector.shape_cast %get3A_513 : vector<1x1x16xf32> to vector<16xf32>
        %get3A_515 = arith.constant 1 : i32
        %get3A_516 = arith.index_cast %get3A_515 : i32 to index
        %get3A_517 = arith.index_cast %scan3A_428 : i32 to index
        %get3A_518 = arith.constant 64 : index
        %get3A_519 = tpu.vector_load %arg10[%get3A_516, %get3A_517, %get3A_518] {strides = array<i32>} : memref<2x80x128xf32, #tpu.memory_space<vmem>>, vector<1x1x16xf32>,
        %get3A_520 = vector.shape_cast %get3A_519 : vector<1x1x16xf32> to vector<16xf32>
        %add3A_521 = arith.addf %get3A_514, %get3A_520 : vector<16xf32>
        %swap3A_522 = arith.constant 1 : i32
        %swap3A_523 = arith.index_cast %swap3A_522 : i32 to index
        %swap3A_524 = arith.index_cast %scan3A_428 : i32 to index
        %swap3A_525 = arith.constant 64 : index
        %swap3A_526 = tpu.vector_load %arg11[%swap3A_523, %swap3A_524, %swap3A_525] {strides = array<i32>} : memref<2x80x128xf32, #tpu.memory_space<vmem>>, vector<1x1x16xf32>,
        %swap3A_527 = vector.shape_cast %swap3A_526 : vector<1x1x16xf32> to vector<16xf32>
        %swap3A_528 = vector.shape_cast %add3A_521 : vector<16xf32> to vector<1x1x16xf32>
        tpu.vector_store %arg11[%swap3A_523, %swap3A_524, %swap3A_525], %swap3A_528 {strides = array<i32>} : memref<2x80x128xf32, #tpu.memory_space<vmem>>, vector<1x1x16xf32>,
        %get3A_529 = arith.constant 1 : i32
        %get3A_530 = arith.index_cast %get3A_529 : i32 to index
        %get3A_531 = arith.index_cast %scan3A_428 : i32 to index
        %get3A_532 = arith.constant 80 : index
        %get3A_533 = tpu.vector_load %arg9[%get3A_530, %get3A_531, %get3A_532] {strides = array<i32>} : memref<2x80x128xf32, #tpu.memory_space<vmem>>, vector<1x1x16xf32>,
        %get3A_534 = vector.shape_cast %get3A_533 : vector<1x1x16xf32> to vector<16xf32>
        %get3A_535 = arith.constant 1 : i32
        %get3A_536 = arith.index_cast %get3A_535 : i32 to index
        %get3A_537 = arith.index_cast %scan3A_428 : i32 to index
        %get3A_538 = arith.constant 80 : index
        %get3A_539 = tpu.vector_load %arg10[%get3A_536, %get3A_537, %get3A_538] {strides = array<i32>} : memref<2x80x128xf32, #tpu.memory_space<vmem>>, vector<1x1x16xf32>,
        %get3A_540 = vector.shape_cast %get3A_539 : vector<1x1x16xf32> to vector<16xf32>
        %add3A_541 = arith.addf %get3A_534, %get3A_540 : vector<16xf32>
        %swap3A_542 = arith.constant 1 : i32
        %swap3A_543 = arith.index_cast %swap3A_542 : i32 to index
        %swap3A_544 = arith.index_cast %scan3A_428 : i32 to index
        %swap3A_545 = arith.constant 80 : index
        %swap3A_546 = tpu.vector_load %arg11[%swap3A_543, %swap3A_544, %swap3A_545] {strides = array<i32>} : memref<2x80x128xf32, #tpu.memory_space<vmem>>, vector<1x1x16xf32>,
        %swap3A_547 = vector.shape_cast %swap3A_546 : vector<1x1x16xf32> to vector<16xf32>
        %swap3A_548 = vector.shape_cast %add3A_541 : vector<16xf32> to vector<1x1x16xf32>
        tpu.vector_store %arg11[%swap3A_543, %swap3A_544, %swap3A_545], %swap3A_548 {strides = array<i32>} : memref<2x80x128xf32, #tpu.memory_space<vmem>>, vector<1x1x16xf32>,
        %get3A_549 = arith.constant 1 : i32
        %get3A_550 = arith.index_cast %get3A_549 : i32 to index
        %get3A_551 = arith.index_cast %scan3A_428 : i32 to index
        %get3A_552 = arith.constant 96 : index
        %get3A_553 = tpu.vector_load %arg9[%get3A_550, %get3A_551, %get3A_552] {strides = array<i32>} : memref<2x80x128xf32, #tpu.memory_space<vmem>>, vector<1x1x16xf32>,
        %get3A_554 = vector.shape_cast %get3A_553 : vector<1x1x16xf32> to vector<16xf32>
        %get3A_555 = arith.constant 1 : i32
        %get3A_556 = arith.index_cast %get3A_555 : i32 to index
        %get3A_557 = arith.index_cast %scan3A_428 : i32 to index
        %get3A_558 = arith.constant 96 : index
        %get3A_559 = tpu.vector_load %arg10[%get3A_556, %get3A_557, %get3A_558] {strides = array<i32>} : memref<2x80x128xf32, #tpu.memory_space<vmem>>, vector<1x1x16xf32>,
        %get3A_560 = vector.shape_cast %get3A_559 : vector<1x1x16xf32> to vector<16xf32>
        %add3A_561 = arith.addf %get3A_554, %get3A_560 : vector<16xf32>
        %swap3A_562 = arith.constant 1 : i32
        %swap3A_563 = arith.index_cast %swap3A_562 : i32 to index
        %swap3A_564 = arith.index_cast %scan3A_428 : i32 to index
        %swap3A_565 = arith.constant 96 : index
        %swap3A_566 = tpu.vector_load %arg11[%swap3A_563, %swap3A_564, %swap3A_565] {strides = array<i32>} : memref<2x80x128xf32, #tpu.memory_space<vmem>>, vector<1x1x16xf32>,
        %swap3A_567 = vector.shape_cast %swap3A_566 : vector<1x1x16xf32> to vector<16xf32>
        %swap3A_568 = vector.shape_cast %add3A_561 : vector<16xf32> to vector<1x1x16xf32>
        tpu.vector_store %arg11[%swap3A_563, %swap3A_564, %swap3A_565], %swap3A_568 {strides = array<i32>} : memref<2x80x128xf32, #tpu.memory_space<vmem>>, vector<1x1x16xf32>,
        %get3A_569 = arith.constant 1 : i32
        %get3A_570 = arith.index_cast %get3A_569 : i32 to index
        %get3A_571 = arith.index_cast %scan3A_428 : i32 to index
        %get3A_572 = arith.constant 112 : index
        %get3A_573 = tpu.vector_load %arg9[%get3A_570, %get3A_571, %get3A_572] {strides = array<i32>} : memref<2x80x128xf32, #tpu.memory_space<vmem>>, vector<1x1x16xf32>,
        %get3A_574 = vector.shape_cast %get3A_573 : vector<1x1x16xf32> to vector<16xf32>
        %get3A_575 = arith.constant 1 : i32
        %get3A_576 = arith.index_cast %get3A_575 : i32 to index
        %get3A_577 = arith.index_cast %scan3A_428 : i32 to index
        %get3A_578 = arith.constant 112 : index
        %get3A_579 = tpu.vector_load %arg10[%get3A_576, %get3A_577, %get3A_578] {strides = array<i32>} : memref<2x80x128xf32, #tpu.memory_space<vmem>>, vector<1x1x16xf32>,
        %get3A_580 = vector.shape_cast %get3A_579 : vector<1x1x16xf32> to vector<16xf32>
        %add3A_581 = arith.addf %get3A_574, %get3A_580 : vector<16xf32>
        %swap3A_582 = arith.constant 1 : i32
        %swap3A_583 = arith.index_cast %swap3A_582 : i32 to index
        %swap3A_584 = arith.index_cast %scan3A_428 : i32 to index
        %swap3A_585 = arith.constant 112 : index
        %swap3A_586 = tpu.vector_load %arg11[%swap3A_583, %swap3A_584, %swap3A_585] {strides = array<i32>} : memref<2x80x128xf32, #tpu.memory_space<vmem>>, vector<1x1x16xf32>,
        %swap3A_587 = vector.shape_cast %swap3A_586 : vector<1x1x16xf32> to vector<16xf32>
        %swap3A_588 = vector.shape_cast %add3A_581 : vector<16xf32> to vector<1x1x16xf32>
        tpu.vector_store %arg11[%swap3A_583, %swap3A_584, %swap3A_585], %swap3A_588 {strides = array<i32>} : memref<2x80x128xf32, #tpu.memory_space<vmem>>, vector<1x1x16xf32>,
      }
      %scan3A_245 = arith.constant 80 : i32
      %mul3A_246 = arith.constant 80 : i32
      %mul3A_247 = arith.muli %add3A_212, %mul3A_246 : i32
      %add3A_248 = arith.addi %mul3A_2, %mul3A_247 : i32
      %dma_start3A_249 = arith.constant 1 : i32
      %dma_start3A_250 = arith.constant 0 : i32
      %dma_start3A_251 = arith.constant 0 : i32
      %dma_start3A_252 = tpu.memref_slice %arg11[%dma_start3A_249, %dma_start3A_250, %dma_start3A_251] : memref<2x80x128xf32, #tpu.memory_space<vmem>> -> memref<1x80x128xf32, #tpu.memory_space<vmem>>
      %dma_start3A_253 = tpu.memref_squeeze %dma_start3A_252 : memref<1x80x128xf32, #tpu.memory_space<vmem>> -> memref<80x128xf32, #tpu.memory_space<vmem>>
      %dma_start3A_254 = arith.constant 0 : i32
      %dma_start3A_255 = tpu.memref_slice %arg6[%add3A_248, %dma_start3A_254] : memref<320000x128xf32, #tpu.memory_space<hbm>> -> memref<80x128xf32, #tpu.memory_space<hbm>>
      %dma_start3A_256 = arith.constant 0 : i32
      %dma_start3A_257 = tpu.memref_slice %arg6[%add3A_248, %dma_start3A_256] : memref<320000x128xf32, #tpu.memory_space<hbm>> -> memref<80x128xf32, #tpu.memory_space<hbm>>
      %dma_start3A_258 = arith.constant 0 : i32
      %dma_start3A_259 = arith.constant 0 : i32
      %dma_start3A_260 = tpu.memref_slice %arg11[%dma_start3A_249, %dma_start3A_258, %dma_start3A_259] : memref<2x80x128xf32, #tpu.memory_space<vmem>> -> memref<1x80x128xf32, #tpu.memory_space<vmem>>
      %dma_start3A_261 = tpu.memref_squeeze %dma_start3A_260 : memref<1x80x128xf32, #tpu.memory_space<vmem>> -> memref<80x128xf32, #tpu.memory_space<vmem>>
      tpu.enqueue_dma source(%dma_start3A_261 : memref<80x128xf32, #tpu.memory_space<vmem>>) target(%dma_start3A_257 : memref<80x128xf32, #tpu.memory_space<hbm>>) target_semaphore(%arg17 : memref<!tpu.dma_semaphore, #tpu.memory_space<semaphore_mem>>)
      %add3A_262 = arith.constant 3 : i32
      %add3A_263 = arith.addi %mul3A_140, %add3A_262 : i32
      %lt3A = arith.constant 125 : i32
      %lt3A_264 = arith.cmpi slt, %add3A_263, %lt3A : i32
      %convert_element_type3A_265 = arith.extui %lt3A_264 : i1 to i32
      %cond3A_266 = arith.constant 0 : i32
      %cond3A_267 = arith.cmpi ne, %convert_element_type3A_265, %cond3A_266 : i32
      scf.if %cond3A_267 {
        %add3A_268 = arith.constant 3 : i32
        %add3A_269 = arith.addi %mul3A_140, %add3A_268 : i32
        %dma_start3A_270 = arith.constant 1 : i32
        %dma_start3A_271 = arith.constant 0 : i32
        %dma_start3A_272 = arith.constant 0 : i32
        %dma_start3A_273 = tpu.memref_slice %arg9[%dma_start3A_270, %dma_start3A_271, %dma_start3A_272] : memref<2x80x128xf32, #tpu.memory_space<vmem>> -> memref<1x80x128xf32, #tpu.memory_space<vmem>>
        %dma_start3A_274 = tpu.memref_squeeze %dma_start3A_273 : memref<1x80x128xf32, #tpu.memory_space<vmem>> -> memref<80x128xf32, #tpu.memory_space<vmem>>
        %dma_start3A_275 = arith.constant 0 : i32
        %dma_start3A_276 = tpu.memref_slice %arg7[%add3A_269, %dma_start3A_275] : memref<125x80xi32, #tpu.memory_space<vmem>> -> memref<1x80xi32, #tpu.memory_space<vmem>>
        %dma_start3A_277 = tpu.memref_squeeze %dma_start3A_276 : memref<1x80xi32, #tpu.memory_space<vmem>> -> memref<80xi32, #tpu.memory_space<vmem>>
        %dma_start3A_278 = arith.constant 0 : i32
        %dma_start3A_279 = arith.constant 0 : i32
        %dma_start3A_280 = tpu.memref_slice %arg2[%dma_start3A_278, %dma_start3A_279] : memref<10000x128xf32, #tpu.memory_space<hbm>> -> memref<10000x128xf32, #tpu.memory_space<hbm>>
        tpu.enqueue_indirect_dma source(%dma_start3A_280 : memref<10000x128xf32, #tpu.memory_space<hbm>>) target(%dma_start3A_274 : memref<80x128xf32, #tpu.memory_space<vmem>>) offsets(%dma_start3A_277 : memref<80xi32, #tpu.memory_space<vmem>>) semaphore(%arg13 : memref<!tpu.dma_semaphore, #tpu.memory_space<semaphore_mem>>)
        %dma_start3A_281 = arith.constant 1 : i32
        %dma_start3A_282 = arith.constant 0 : i32
        %dma_start3A_283 = arith.constant 0 : i32
        %dma_start3A_284 = tpu.memref_slice %arg10[%dma_start3A_281, %dma_start3A_282, %dma_start3A_283] : memref<2x80x128xf32, #tpu.memory_space<vmem>> -> memref<1x80x128xf32, #tpu.memory_space<vmem>>
        %dma_start3A_285 = tpu.memref_squeeze %dma_start3A_284 : memref<1x80x128xf32, #tpu.memory_space<vmem>> -> memref<80x128xf32, #tpu.memory_space<vmem>>
        %dma_start3A_286 = arith.constant 0 : i32
        %dma_start3A_287 = tpu.memref_slice %arg8[%add3A_269, %dma_start3A_286] : memref<125x80xi32, #tpu.memory_space<vmem>> -> memref<1x80xi32, #tpu.memory_space<vmem>>
        %dma_start3A_288 = tpu.memref_squeeze %dma_start3A_287 : memref<1x80xi32, #tpu.memory_space<vmem>> -> memref<80xi32, #tpu.memory_space<vmem>>
        %dma_start3A_289 = arith.constant 0 : i32
        %dma_start3A_290 = arith.constant 0 : i32
        %dma_start3A_291 = tpu.memref_slice %arg3[%dma_start3A_289, %dma_start3A_290] : memref<10000x128xf32, #tpu.memory_space<hbm>> -> memref<10000x128xf32, #tpu.memory_space<hbm>>
        tpu.enqueue_indirect_dma source(%dma_start3A_291 : memref<10000x128xf32, #tpu.memory_space<hbm>>) target(%dma_start3A_285 : memref<80x128xf32, #tpu.memory_space<vmem>>) offsets(%dma_start3A_288 : memref<80xi32, #tpu.memory_space<vmem>>) semaphore(%arg15 : memref<!tpu.dma_semaphore, #tpu.memory_space<semaphore_mem>>)
      } else {
      }
    }
    %scan3A_54 = arith.constant 62 : i32
    %dma_wait3A = arith.constant 124 : i32
    %dma_wait3A_55 = arith.constant 0 : i32
    %dma_wait3A_56 = arith.constant 0 : i32
    %dma_wait3A_57 = arith.constant 0 : i32
    %dma_wait3A_58 = tpu.memref_slice %arg9[%dma_wait3A_55, %dma_wait3A_56, %dma_wait3A_57] : memref<2x80x128xf32, #tpu.memory_space<vmem>> -> memref<1x80x128xf32, #tpu.memory_space<vmem>>
    %dma_wait3A_59 = tpu.memref_squeeze %dma_wait3A_58 : memref<1x80x128xf32, #tpu.memory_space<vmem>> -> memref<80x128xf32, #tpu.memory_space<vmem>>
    %dma_wait3A_60 = arith.constant 0 : i32
    %dma_wait3A_61 = tpu.memref_slice %arg7[%dma_wait3A, %dma_wait3A_60] : memref<125x80xi32, #tpu.memory_space<vmem>> -> memref<1x80xi32, #tpu.memory_space<vmem>>
    %dma_wait3A_62 = tpu.memref_squeeze %dma_wait3A_61 : memref<1x80xi32, #tpu.memory_space<vmem>> -> memref<80xi32, #tpu.memory_space<vmem>>
    %dma_wait3A_63 = arith.constant 0 : i32
    %dma_wait3A_64 = arith.constant 0 : i32
    %dma_wait3A_65 = tpu.memref_slice %arg2[%dma_wait3A_63, %dma_wait3A_64] : memref<10000x128xf32, #tpu.memory_space<hbm>> -> memref<10000x128xf32, #tpu.memory_space<hbm>>
    tpu.wait_indirect_dma semaphore(%arg12 : memref<!tpu.dma_semaphore, #tpu.memory_space<semaphore_mem>>) src(%dma_wait3A_65 : memref<10000x128xf32, #tpu.memory_space<hbm>>) dst(%dma_wait3A_59 : memref<80x128xf32, #tpu.memory_space<vmem>>)
    %dma_wait3A_66 = arith.constant 124 : i32
    %dma_wait3A_67 = arith.constant 0 : i32
    %dma_wait3A_68 = arith.constant 0 : i32
    %dma_wait3A_69 = arith.constant 0 : i32
    %dma_wait3A_70 = tpu.memref_slice %arg10[%dma_wait3A_67, %dma_wait3A_68, %dma_wait3A_69] : memref<2x80x128xf32, #tpu.memory_space<vmem>> -> memref<1x80x128xf32, #tpu.memory_space<vmem>>
    %dma_wait3A_71 = tpu.memref_squeeze %dma_wait3A_70 : memref<1x80x128xf32, #tpu.memory_space<vmem>> -> memref<80x128xf32, #tpu.memory_space<vmem>>
    %dma_wait3A_72 = arith.constant 0 : i32
    %dma_wait3A_73 = tpu.memref_slice %arg8[%dma_wait3A_66, %dma_wait3A_72] : memref<125x80xi32, #tpu.memory_space<vmem>> -> memref<1x80xi32, #tpu.memory_space<vmem>>
    %dma_wait3A_74 = tpu.memref_squeeze %dma_wait3A_73 : memref<1x80xi32, #tpu.memory_space<vmem>> -> memref<80xi32, #tpu.memory_space<vmem>>
    %dma_wait3A_75 = arith.constant 0 : i32
    %dma_wait3A_76 = arith.constant 0 : i32
    %dma_wait3A_77 = tpu.memref_slice %arg3[%dma_wait3A_75, %dma_wait3A_76] : memref<10000x128xf32, #tpu.memory_space<hbm>> -> memref<10000x128xf32, #tpu.memory_space<hbm>>
    tpu.wait_indirect_dma semaphore(%arg14 : memref<!tpu.dma_semaphore, #tpu.memory_space<semaphore_mem>>) src(%dma_wait3A_77 : memref<10000x128xf32, #tpu.memory_space<hbm>>) dst(%dma_wait3A_71 : memref<80x128xf32, #tpu.memory_space<vmem>>)
    %dma_wait3A_78 = arith.constant 0 : i32
    %dma_wait3A_79 = arith.constant 0 : i32
    %dma_wait3A_80 = arith.constant 0 : i32
    %dma_wait3A_81 = tpu.memref_slice %arg11[%dma_wait3A_78, %dma_wait3A_79, %dma_wait3A_80] : memref<2x80x128xf32, #tpu.memory_space<vmem>> -> memref<1x80x128xf32, #tpu.memory_space<vmem>>
    %dma_wait3A_82 = tpu.memref_squeeze %dma_wait3A_81 : memref<1x80x128xf32, #tpu.memory_space<vmem>> -> memref<80x128xf32, #tpu.memory_space<vmem>>
    %dma_wait3A_83 = arith.constant 0 : i32
    %dma_wait3A_84 = tpu.memref_slice %arg6[%mul3A_2, %dma_wait3A_83] : memref<320000x128xf32, #tpu.memory_space<hbm>> -> memref<80x128xf32, #tpu.memory_space<hbm>>
    %dma_wait3A_85 = arith.constant 0 : i32
    %dma_wait3A_86 = tpu.memref_slice %arg6[%mul3A_2, %dma_wait3A_85] : memref<320000x128xf32, #tpu.memory_space<hbm>> -> memref<80x128xf32, #tpu.memory_space<hbm>>
    %dma_wait3A_87 = arith.constant 0 : i32
    %dma_wait3A_88 = arith.constant 0 : i32
    %dma_wait3A_89 = tpu.memref_slice %arg11[%dma_wait3A_78, %dma_wait3A_87, %dma_wait3A_88] : memref<2x80x128xf32, #tpu.memory_space<vmem>> -> memref<1x80x128xf32, #tpu.memory_space<vmem>>
    %dma_wait3A_90 = tpu.memref_squeeze %dma_wait3A_89 : memref<1x80x128xf32, #tpu.memory_space<vmem>> -> memref<80x128xf32, #tpu.memory_space<vmem>>
    tpu.wait_dma2 semaphore(%arg16 : memref<!tpu.dma_semaphore, #tpu.memory_space<semaphore_mem>>) src(%dma_wait3A_90 : memref<80x128xf32, #tpu.memory_space<vmem>>) dst(%dma_wait3A_86 : memref<80x128xf32, #tpu.memory_space<hbm>>)
    %scan3A_91 = arith.constant 0 : i32
    %scan3A_92 = arith.constant 0 : i32
    %scan3A_93 = arith.constant 80 : i32
    %scan3A_94 = arith.addi %scan3A_92, %scan3A_93 : i32
    %scan3A_95 = arith.constant 2 : i32
    scf.for %scan3A_138 = %scan3A_92 to %scan3A_94 step %scan3A_95  : i32 {
      %get3A = arith.constant 0 : i32
      %get3A_139 = arith.index_cast %get3A : i32 to index
      %get3A_140 = arith.index_cast %scan3A_138 : i32 to index
      %get3A_141 = arith.constant 0 : index
      %get3A_142 = tpu.vector_load %arg9[%get3A_139, %get3A_140, %get3A_141] {strides = array<i32>} : memref<2x80x128xf32, #tpu.memory_space<vmem>>, vector<1x1x16xf32>,
      %get3A_143 = vector.shape_cast %get3A_142 : vector<1x1x16xf32> to vector<16xf32>
      %get3A_144 = arith.constant 0 : i32
      %get3A_145 = arith.index_cast %get3A_144 : i32 to index
      %get3A_146 = arith.index_cast %scan3A_138 : i32 to index
      %get3A_147 = arith.constant 0 : index
      %get3A_148 = tpu.vector_load %arg10[%get3A_145, %get3A_146, %get3A_147] {strides = array<i32>} : memref<2x80x128xf32, #tpu.memory_space<vmem>>, vector<1x1x16xf32>,
      %get3A_149 = vector.shape_cast %get3A_148 : vector<1x1x16xf32> to vector<16xf32>
      %add3A_150 = arith.addf %get3A_143, %get3A_149 : vector<16xf32>
      %swap3A = arith.constant 0 : i32
      %swap3A_151 = arith.index_cast %swap3A : i32 to index
      %swap3A_152 = arith.index_cast %scan3A_138 : i32 to index
      %swap3A_153 = arith.constant 0 : index
      %swap3A_154 = tpu.vector_load %arg11[%swap3A_151, %swap3A_152, %swap3A_153] {strides = array<i32>} : memref<2x80x128xf32, #tpu.memory_space<vmem>>, vector<1x1x16xf32>,
      %swap3A_155 = vector.shape_cast %swap3A_154 : vector<1x1x16xf32> to vector<16xf32>
      %swap3A_156 = vector.shape_cast %add3A_150 : vector<16xf32> to vector<1x1x16xf32>
      tpu.vector_store %arg11[%swap3A_151, %swap3A_152, %swap3A_153], %swap3A_156 {strides = array<i32>} : memref<2x80x128xf32, #tpu.memory_space<vmem>>, vector<1x1x16xf32>,
      %get3A_157 = arith.constant 0 : i32
      %get3A_158 = arith.index_cast %get3A_157 : i32 to index
      %get3A_159 = arith.index_cast %scan3A_138 : i32 to index
      %get3A_160 = arith.constant 16 : index
      %get3A_161 = tpu.vector_load %arg9[%get3A_158, %get3A_159, %get3A_160] {strides = array<i32>} : memref<2x80x128xf32, #tpu.memory_space<vmem>>, vector<1x1x16xf32>,
      %get3A_162 = vector.shape_cast %get3A_161 : vector<1x1x16xf32> to vector<16xf32>
      %get3A_163 = arith.constant 0 : i32
      %get3A_164 = arith.index_cast %get3A_163 : i32 to index
      %get3A_165 = arith.index_cast %scan3A_138 : i32 to index
      %get3A_166 = arith.constant 16 : index
      %get3A_167 = tpu.vector_load %arg10[%get3A_164, %get3A_165, %get3A_166] {strides = array<i32>} : memref<2x80x128xf32, #tpu.memory_space<vmem>>, vector<1x1x16xf32>,
      %get3A_168 = vector.shape_cast %get3A_167 : vector<1x1x16xf32> to vector<16xf32>
      %add3A_169 = arith.addf %get3A_162, %get3A_168 : vector<16xf32>
      %swap3A_170 = arith.constant 0 : i32
      %swap3A_171 = arith.index_cast %swap3A_170 : i32 to index
      %swap3A_172 = arith.index_cast %scan3A_138 : i32 to index
      %swap3A_173 = arith.constant 16 : index
      %swap3A_174 = tpu.vector_load %arg11[%swap3A_171, %swap3A_172, %swap3A_173] {strides = array<i32>} : memref<2x80x128xf32, #tpu.memory_space<vmem>>, vector<1x1x16xf32>,
      %swap3A_175 = vector.shape_cast %swap3A_174 : vector<1x1x16xf32> to vector<16xf32>
      %swap3A_176 = vector.shape_cast %add3A_169 : vector<16xf32> to vector<1x1x16xf32>
      tpu.vector_store %arg11[%swap3A_171, %swap3A_172, %swap3A_173], %swap3A_176 {strides = array<i32>} : memref<2x80x128xf32, #tpu.memory_space<vmem>>, vector<1x1x16xf32>,
      %get3A_177 = arith.constant 0 : i32
      %get3A_178 = arith.index_cast %get3A_177 : i32 to index
      %get3A_179 = arith.index_cast %scan3A_138 : i32 to index
      %get3A_180 = arith.constant 32 : index
      %get3A_181 = tpu.vector_load %arg9[%get3A_178, %get3A_179, %get3A_180] {strides = array<i32>} : memref<2x80x128xf32, #tpu.memory_space<vmem>>, vector<1x1x16xf32>,
      %get3A_182 = vector.shape_cast %get3A_181 : vector<1x1x16xf32> to vector<16xf32>
      %get3A_183 = arith.constant 0 : i32
      %get3A_184 = arith.index_cast %get3A_183 : i32 to index
      %get3A_185 = arith.index_cast %scan3A_138 : i32 to index
      %get3A_186 = arith.constant 32 : index
      %get3A_187 = tpu.vector_load %arg10[%get3A_184, %get3A_185, %get3A_186] {strides = array<i32>} : memref<2x80x128xf32, #tpu.memory_space<vmem>>, vector<1x1x16xf32>,
      %get3A_188 = vector.shape_cast %get3A_187 : vector<1x1x16xf32> to vector<16xf32>
      %add3A_189 = arith.addf %get3A_182, %get3A_188 : vector<16xf32>
      %swap3A_190 = arith.constant 0 : i32
      %swap3A_191 = arith.index_cast %swap3A_190 : i32 to index
      %swap3A_192 = arith.index_cast %scan3A_138 : i32 to index
      %swap3A_193 = arith.constant 32 : index
      %swap3A_194 = tpu.vector_load %arg11[%swap3A_191, %swap3A_192, %swap3A_193] {strides = array<i32>} : memref<2x80x128xf32, #tpu.memory_space<vmem>>, vector<1x1x16xf32>,
      %swap3A_195 = vector.shape_cast %swap3A_194 : vector<1x1x16xf32> to vector<16xf32>
      %swap3A_196 = vector.shape_cast %add3A_189 : vector<16xf32> to vector<1x1x16xf32>
      tpu.vector_store %arg11[%swap3A_191, %swap3A_192, %swap3A_193], %swap3A_196 {strides = array<i32>} : memref<2x80x128xf32, #tpu.memory_space<vmem>>, vector<1x1x16xf32>,
      %get3A_197 = arith.constant 0 : i32
      %get3A_198 = arith.index_cast %get3A_197 : i32 to index
      %get3A_199 = arith.index_cast %scan3A_138 : i32 to index
      %get3A_200 = arith.constant 48 : index
      %get3A_201 = tpu.vector_load %arg9[%get3A_198, %get3A_199, %get3A_200] {strides = array<i32>} : memref<2x80x128xf32, #tpu.memory_space<vmem>>, vector<1x1x16xf32>,
      %get3A_202 = vector.shape_cast %get3A_201 : vector<1x1x16xf32> to vector<16xf32>
      %get3A_203 = arith.constant 0 : i32
      %get3A_204 = arith.index_cast %get3A_203 : i32 to index
      %get3A_205 = arith.index_cast %scan3A_138 : i32 to index
      %get3A_206 = arith.constant 48 : index
      %get3A_207 = tpu.vector_load %arg10[%get3A_204, %get3A_205, %get3A_206] {strides = array<i32>} : memref<2x80x128xf32, #tpu.memory_space<vmem>>, vector<1x1x16xf32>,
      %get3A_208 = vector.shape_cast %get3A_207 : vector<1x1x16xf32> to vector<16xf32>
      %add3A_209 = arith.addf %get3A_202, %get3A_208 : vector<16xf32>
      %swap3A_210 = arith.constant 0 : i32
      %swap3A_211 = arith.index_cast %swap3A_210 : i32 to index
      %swap3A_212 = arith.index_cast %scan3A_138 : i32 to index
      %swap3A_213 = arith.constant 48 : index
      %swap3A_214 = tpu.vector_load %arg11[%swap3A_211, %swap3A_212, %swap3A_213] {strides = array<i32>} : memref<2x80x128xf32, #tpu.memory_space<vmem>>, vector<1x1x16xf32>,
      %swap3A_215 = vector.shape_cast %swap3A_214 : vector<1x1x16xf32> to vector<16xf32>
      %swap3A_216 = vector.shape_cast %add3A_209 : vector<16xf32> to vector<1x1x16xf32>
      tpu.vector_store %arg11[%swap3A_211, %swap3A_212, %swap3A_213], %swap3A_216 {strides = array<i32>} : memref<2x80x128xf32, #tpu.memory_space<vmem>>, vector<1x1x16xf32>,
      %get3A_217 = arith.constant 0 : i32
      %get3A_218 = arith.index_cast %get3A_217 : i32 to index
      %get3A_219 = arith.index_cast %scan3A_138 : i32 to index
      %get3A_220 = arith.constant 64 : index
      %get3A_221 = tpu.vector_load %arg9[%get3A_218, %get3A_219, %get3A_220] {strides = array<i32>} : memref<2x80x128xf32, #tpu.memory_space<vmem>>, vector<1x1x16xf32>,
      %get3A_222 = vector.shape_cast %get3A_221 : vector<1x1x16xf32> to vector<16xf32>
      %get3A_223 = arith.constant 0 : i32
      %get3A_224 = arith.index_cast %get3A_223 : i32 to index
      %get3A_225 = arith.index_cast %scan3A_138 : i32 to index
      %get3A_226 = arith.constant 64 : index
      %get3A_227 = tpu.vector_load %arg10[%get3A_224, %get3A_225, %get3A_226] {strides = array<i32>} : memref<2x80x128xf32, #tpu.memory_space<vmem>>, vector<1x1x16xf32>,
      %get3A_228 = vector.shape_cast %get3A_227 : vector<1x1x16xf32> to vector<16xf32>
      %add3A_229 = arith.addf %get3A_222, %get3A_228 : vector<16xf32>
      %swap3A_230 = arith.constant 0 : i32
      %swap3A_231 = arith.index_cast %swap3A_230 : i32 to index
      %swap3A_232 = arith.index_cast %scan3A_138 : i32 to index
      %swap3A_233 = arith.constant 64 : index
      %swap3A_234 = tpu.vector_load %arg11[%swap3A_231, %swap3A_232, %swap3A_233] {strides = array<i32>} : memref<2x80x128xf32, #tpu.memory_space<vmem>>, vector<1x1x16xf32>,
      %swap3A_235 = vector.shape_cast %swap3A_234 : vector<1x1x16xf32> to vector<16xf32>
      %swap3A_236 = vector.shape_cast %add3A_229 : vector<16xf32> to vector<1x1x16xf32>
      tpu.vector_store %arg11[%swap3A_231, %swap3A_232, %swap3A_233], %swap3A_236 {strides = array<i32>} : memref<2x80x128xf32, #tpu.memory_space<vmem>>, vector<1x1x16xf32>,
      %get3A_237 = arith.constant 0 : i32
      %get3A_238 = arith.index_cast %get3A_237 : i32 to index
      %get3A_239 = arith.index_cast %scan3A_138 : i32 to index
      %get3A_240 = arith.constant 80 : index
      %get3A_241 = tpu.vector_load %arg9[%get3A_238, %get3A_239, %get3A_240] {strides = array<i32>} : memref<2x80x128xf32, #tpu.memory_space<vmem>>, vector<1x1x16xf32>,
      %get3A_242 = vector.shape_cast %get3A_241 : vector<1x1x16xf32> to vector<16xf32>
      %get3A_243 = arith.constant 0 : i32
      %get3A_244 = arith.index_cast %get3A_243 : i32 to index
      %get3A_245 = arith.index_cast %scan3A_138 : i32 to index
      %get3A_246 = arith.constant 80 : index
      %get3A_247 = tpu.vector_load %arg10[%get3A_244, %get3A_245, %get3A_246] {strides = array<i32>} : memref<2x80x128xf32, #tpu.memory_space<vmem>>, vector<1x1x16xf32>,
      %get3A_248 = vector.shape_cast %get3A_247 : vector<1x1x16xf32> to vector<16xf32>
      %add3A_249 = arith.addf %get3A_242, %get3A_248 : vector<16xf32>
      %swap3A_250 = arith.constant 0 : i32
      %swap3A_251 = arith.index_cast %swap3A_250 : i32 to index
      %swap3A_252 = arith.index_cast %scan3A_138 : i32 to index
      %swap3A_253 = arith.constant 80 : index
      %swap3A_254 = tpu.vector_load %arg11[%swap3A_251, %swap3A_252, %swap3A_253] {strides = array<i32>} : memref<2x80x128xf32, #tpu.memory_space<vmem>>, vector<1x1x16xf32>,
      %swap3A_255 = vector.shape_cast %swap3A_254 : vector<1x1x16xf32> to vector<16xf32>
      %swap3A_256 = vector.shape_cast %add3A_249 : vector<16xf32> to vector<1x1x16xf32>
      tpu.vector_store %arg11[%swap3A_251, %swap3A_252, %swap3A_253], %swap3A_256 {strides = array<i32>} : memref<2x80x128xf32, #tpu.memory_space<vmem>>, vector<1x1x16xf32>,
      %get3A_257 = arith.constant 0 : i32
      %get3A_258 = arith.index_cast %get3A_257 : i32 to index
      %get3A_259 = arith.index_cast %scan3A_138 : i32 to index
      %get3A_260 = arith.constant 96 : index
      %get3A_261 = tpu.vector_load %arg9[%get3A_258, %get3A_259, %get3A_260] {strides = array<i32>} : memref<2x80x128xf32, #tpu.memory_space<vmem>>, vector<1x1x16xf32>,
      %get3A_262 = vector.shape_cast %get3A_261 : vector<1x1x16xf32> to vector<16xf32>
      %get3A_263 = arith.constant 0 : i32
      %get3A_264 = arith.index_cast %get3A_263 : i32 to index
      %get3A_265 = arith.index_cast %scan3A_138 : i32 to index
      %get3A_266 = arith.constant 96 : index
      %get3A_267 = tpu.vector_load %arg10[%get3A_264, %get3A_265, %get3A_266] {strides = array<i32>} : memref<2x80x128xf32, #tpu.memory_space<vmem>>, vector<1x1x16xf32>,
      %get3A_268 = vector.shape_cast %get3A_267 : vector<1x1x16xf32> to vector<16xf32>
      %add3A_269 = arith.addf %get3A_262, %get3A_268 : vector<16xf32>
      %swap3A_270 = arith.constant 0 : i32
      %swap3A_271 = arith.index_cast %swap3A_270 : i32 to index
      %swap3A_272 = arith.index_cast %scan3A_138 : i32 to index
      %swap3A_273 = arith.constant 96 : index
      %swap3A_274 = tpu.vector_load %arg11[%swap3A_271, %swap3A_272, %swap3A_273] {strides = array<i32>} : memref<2x80x128xf32, #tpu.memory_space<vmem>>, vector<1x1x16xf32>,
      %swap3A_275 = vector.shape_cast %swap3A_274 : vector<1x1x16xf32> to vector<16xf32>
      %swap3A_276 = vector.shape_cast %add3A_269 : vector<16xf32> to vector<1x1x16xf32>
      tpu.vector_store %arg11[%swap3A_271, %swap3A_272, %swap3A_273], %swap3A_276 {strides = array<i32>} : memref<2x80x128xf32, #tpu.memory_space<vmem>>, vector<1x1x16xf32>,
      %get3A_277 = arith.constant 0 : i32
      %get3A_278 = arith.index_cast %get3A_277 : i32 to index
      %get3A_279 = arith.index_cast %scan3A_138 : i32 to index
      %get3A_280 = arith.constant 112 : index
      %get3A_281 = tpu.vector_load %arg9[%get3A_278, %get3A_279, %get3A_280] {strides = array<i32>} : memref<2x80x128xf32, #tpu.memory_space<vmem>>, vector<1x1x16xf32>,
      %get3A_282 = vector.shape_cast %get3A_281 : vector<1x1x16xf32> to vector<16xf32>
      %get3A_283 = arith.constant 0 : i32
      %get3A_284 = arith.index_cast %get3A_283 : i32 to index
      %get3A_285 = arith.index_cast %scan3A_138 : i32 to index
      %get3A_286 = arith.constant 112 : index
      %get3A_287 = tpu.vector_load %arg10[%get3A_284, %get3A_285, %get3A_286] {strides = array<i32>} : memref<2x80x128xf32, #tpu.memory_space<vmem>>, vector<1x1x16xf32>,
      %get3A_288 = vector.shape_cast %get3A_287 : vector<1x1x16xf32> to vector<16xf32>
      %add3A_289 = arith.addf %get3A_282, %get3A_288 : vector<16xf32>
      %swap3A_290 = arith.constant 0 : i32
      %swap3A_291 = arith.index_cast %swap3A_290 : i32 to index
      %swap3A_292 = arith.index_cast %scan3A_138 : i32 to index
      %swap3A_293 = arith.constant 112 : index
      %swap3A_294 = tpu.vector_load %arg11[%swap3A_291, %swap3A_292, %swap3A_293] {strides = array<i32>} : memref<2x80x128xf32, #tpu.memory_space<vmem>>, vector<1x1x16xf32>,
      %swap3A_295 = vector.shape_cast %swap3A_294 : vector<1x1x16xf32> to vector<16xf32>
      %swap3A_296 = vector.shape_cast %add3A_289 : vector<16xf32> to vector<1x1x16xf32>
      tpu.vector_store %arg11[%swap3A_291, %swap3A_292, %swap3A_293], %swap3A_296 {strides = array<i32>} : memref<2x80x128xf32, #tpu.memory_space<vmem>>, vector<1x1x16xf32>,
      %scan3A_297 = arith.constant 1 : i32
      %scan3A_298 = arith.addi %scan3A_138, %scan3A_297 : i32
      %get3A_299 = arith.constant 0 : i32
      %get3A_300 = arith.index_cast %get3A_299 : i32 to index
      %get3A_301 = arith.index_cast %scan3A_298 : i32 to index
      %get3A_302 = arith.constant 0 : index
      %get3A_303 = tpu.vector_load %arg9[%get3A_300, %get3A_301, %get3A_302] {strides = array<i32>} : memref<2x80x128xf32, #tpu.memory_space<vmem>>, vector<1x1x16xf32>,
      %get3A_304 = vector.shape_cast %get3A_303 : vector<1x1x16xf32> to vector<16xf32>
      %get3A_305 = arith.constant 0 : i32
      %get3A_306 = arith.index_cast %get3A_305 : i32 to index
      %get3A_307 = arith.index_cast %scan3A_298 : i32 to index
      %get3A_308 = arith.constant 0 : index
      %get3A_309 = tpu.vector_load %arg10[%get3A_306, %get3A_307, %get3A_308] {strides = array<i32>} : memref<2x80x128xf32, #tpu.memory_space<vmem>>, vector<1x1x16xf32>,
      %get3A_310 = vector.shape_cast %get3A_309 : vector<1x1x16xf32> to vector<16xf32>
      %add3A_311 = arith.addf %get3A_304, %get3A_310 : vector<16xf32>
      %swap3A_312 = arith.constant 0 : i32
      %swap3A_313 = arith.index_cast %swap3A_312 : i32 to index
      %swap3A_314 = arith.index_cast %scan3A_298 : i32 to index
      %swap3A_315 = arith.constant 0 : index
      %swap3A_316 = tpu.vector_load %arg11[%swap3A_313, %swap3A_314, %swap3A_315] {strides = array<i32>} : memref<2x80x128xf32, #tpu.memory_space<vmem>>, vector<1x1x16xf32>,
      %swap3A_317 = vector.shape_cast %swap3A_316 : vector<1x1x16xf32> to vector<16xf32>
      %swap3A_318 = vector.shape_cast %add3A_311 : vector<16xf32> to vector<1x1x16xf32>
      tpu.vector_store %arg11[%swap3A_313, %swap3A_314, %swap3A_315], %swap3A_318 {strides = array<i32>} : memref<2x80x128xf32, #tpu.memory_space<vmem>>, vector<1x1x16xf32>,
      %get3A_319 = arith.constant 0 : i32
      %get3A_320 = arith.index_cast %get3A_319 : i32 to index
      %get3A_321 = arith.index_cast %scan3A_298 : i32 to index
      %get3A_322 = arith.constant 16 : index
      %get3A_323 = tpu.vector_load %arg9[%get3A_320, %get3A_321, %get3A_322] {strides = array<i32>} : memref<2x80x128xf32, #tpu.memory_space<vmem>>, vector<1x1x16xf32>,
      %get3A_324 = vector.shape_cast %get3A_323 : vector<1x1x16xf32> to vector<16xf32>
      %get3A_325 = arith.constant 0 : i32
      %get3A_326 = arith.index_cast %get3A_325 : i32 to index
      %get3A_327 = arith.index_cast %scan3A_298 : i32 to index
      %get3A_328 = arith.constant 16 : index
      %get3A_329 = tpu.vector_load %arg10[%get3A_326, %get3A_327, %get3A_328] {strides = array<i32>} : memref<2x80x128xf32, #tpu.memory_space<vmem>>, vector<1x1x16xf32>,
      %get3A_330 = vector.shape_cast %get3A_329 : vector<1x1x16xf32> to vector<16xf32>
      %add3A_331 = arith.addf %get3A_324, %get3A_330 : vector<16xf32>
      %swap3A_332 = arith.constant 0 : i32
      %swap3A_333 = arith.index_cast %swap3A_332 : i32 to index
      %swap3A_334 = arith.index_cast %scan3A_298 : i32 to index
      %swap3A_335 = arith.constant 16 : index
      %swap3A_336 = tpu.vector_load %arg11[%swap3A_333, %swap3A_334, %swap3A_335] {strides = array<i32>} : memref<2x80x128xf32, #tpu.memory_space<vmem>>, vector<1x1x16xf32>,
      %swap3A_337 = vector.shape_cast %swap3A_336 : vector<1x1x16xf32> to vector<16xf32>
      %swap3A_338 = vector.shape_cast %add3A_331 : vector<16xf32> to vector<1x1x16xf32>
      tpu.vector_store %arg11[%swap3A_333, %swap3A_334, %swap3A_335], %swap3A_338 {strides = array<i32>} : memref<2x80x128xf32, #tpu.memory_space<vmem>>, vector<1x1x16xf32>,
      %get3A_339 = arith.constant 0 : i32
      %get3A_340 = arith.index_cast %get3A_339 : i32 to index
      %get3A_341 = arith.index_cast %scan3A_298 : i32 to index
      %get3A_342 = arith.constant 32 : index
      %get3A_343 = tpu.vector_load %arg9[%get3A_340, %get3A_341, %get3A_342] {strides = array<i32>} : memref<2x80x128xf32, #tpu.memory_space<vmem>>, vector<1x1x16xf32>,
      %get3A_344 = vector.shape_cast %get3A_343 : vector<1x1x16xf32> to vector<16xf32>
      %get3A_345 = arith.constant 0 : i32
      %get3A_346 = arith.index_cast %get3A_345 : i32 to index
      %get3A_347 = arith.index_cast %scan3A_298 : i32 to index
      %get3A_348 = arith.constant 32 : index
      %get3A_349 = tpu.vector_load %arg10[%get3A_346, %get3A_347, %get3A_348] {strides = array<i32>} : memref<2x80x128xf32, #tpu.memory_space<vmem>>, vector<1x1x16xf32>,
      %get3A_350 = vector.shape_cast %get3A_349 : vector<1x1x16xf32> to vector<16xf32>
      %add3A_351 = arith.addf %get3A_344, %get3A_350 : vector<16xf32>
      %swap3A_352 = arith.constant 0 : i32
      %swap3A_353 = arith.index_cast %swap3A_352 : i32 to index
      %swap3A_354 = arith.index_cast %scan3A_298 : i32 to index
      %swap3A_355 = arith.constant 32 : index
      %swap3A_356 = tpu.vector_load %arg11[%swap3A_353, %swap3A_354, %swap3A_355] {strides = array<i32>} : memref<2x80x128xf32, #tpu.memory_space<vmem>>, vector<1x1x16xf32>,
      %swap3A_357 = vector.shape_cast %swap3A_356 : vector<1x1x16xf32> to vector<16xf32>
      %swap3A_358 = vector.shape_cast %add3A_351 : vector<16xf32> to vector<1x1x16xf32>
      tpu.vector_store %arg11[%swap3A_353, %swap3A_354, %swap3A_355], %swap3A_358 {strides = array<i32>} : memref<2x80x128xf32, #tpu.memory_space<vmem>>, vector<1x1x16xf32>,
      %get3A_359 = arith.constant 0 : i32
      %get3A_360 = arith.index_cast %get3A_359 : i32 to index
      %get3A_361 = arith.index_cast %scan3A_298 : i32 to index
      %get3A_362 = arith.constant 48 : index
      %get3A_363 = tpu.vector_load %arg9[%get3A_360, %get3A_361, %get3A_362] {strides = array<i32>} : memref<2x80x128xf32, #tpu.memory_space<vmem>>, vector<1x1x16xf32>,
      %get3A_364 = vector.shape_cast %get3A_363 : vector<1x1x16xf32> to vector<16xf32>
      %get3A_365 = arith.constant 0 : i32
      %get3A_366 = arith.index_cast %get3A_365 : i32 to index
      %get3A_367 = arith.index_cast %scan3A_298 : i32 to index
      %get3A_368 = arith.constant 48 : index
      %get3A_369 = tpu.vector_load %arg10[%get3A_366, %get3A_367, %get3A_368] {strides = array<i32>} : memref<2x80x128xf32, #tpu.memory_space<vmem>>, vector<1x1x16xf32>,
      %get3A_370 = vector.shape_cast %get3A_369 : vector<1x1x16xf32> to vector<16xf32>
      %add3A_371 = arith.addf %get3A_364, %get3A_370 : vector<16xf32>
      %swap3A_372 = arith.constant 0 : i32
      %swap3A_373 = arith.index_cast %swap3A_372 : i32 to index
      %swap3A_374 = arith.index_cast %scan3A_298 : i32 to index
      %swap3A_375 = arith.constant 48 : index
      %swap3A_376 = tpu.vector_load %arg11[%swap3A_373, %swap3A_374, %swap3A_375] {strides = array<i32>} : memref<2x80x128xf32, #tpu.memory_space<vmem>>, vector<1x1x16xf32>,
      %swap3A_377 = vector.shape_cast %swap3A_376 : vector<1x1x16xf32> to vector<16xf32>
      %swap3A_378 = vector.shape_cast %add3A_371 : vector<16xf32> to vector<1x1x16xf32>
      tpu.vector_store %arg11[%swap3A_373, %swap3A_374, %swap3A_375], %swap3A_378 {strides = array<i32>} : memref<2x80x128xf32, #tpu.memory_space<vmem>>, vector<1x1x16xf32>,
      %get3A_379 = arith.constant 0 : i32
      %get3A_380 = arith.index_cast %get3A_379 : i32 to index
      %get3A_381 = arith.index_cast %scan3A_298 : i32 to index
      %get3A_382 = arith.constant 64 : index
      %get3A_383 = tpu.vector_load %arg9[%get3A_380, %get3A_381, %get3A_382] {strides = array<i32>} : memref<2x80x128xf32, #tpu.memory_space<vmem>>, vector<1x1x16xf32>,
      %get3A_384 = vector.shape_cast %get3A_383 : vector<1x1x16xf32> to vector<16xf32>
      %get3A_385 = arith.constant 0 : i32
      %get3A_386 = arith.index_cast %get3A_385 : i32 to index
      %get3A_387 = arith.index_cast %scan3A_298 : i32 to index
      %get3A_388 = arith.constant 64 : index
      %get3A_389 = tpu.vector_load %arg10[%get3A_386, %get3A_387, %get3A_388] {strides = array<i32>} : memref<2x80x128xf32, #tpu.memory_space<vmem>>, vector<1x1x16xf32>,
      %get3A_390 = vector.shape_cast %get3A_389 : vector<1x1x16xf32> to vector<16xf32>
      %add3A_391 = arith.addf %get3A_384, %get3A_390 : vector<16xf32>
      %swap3A_392 = arith.constant 0 : i32
      %swap3A_393 = arith.index_cast %swap3A_392 : i32 to index
      %swap3A_394 = arith.index_cast %scan3A_298 : i32 to index
      %swap3A_395 = arith.constant 64 : index
      %swap3A_396 = tpu.vector_load %arg11[%swap3A_393, %swap3A_394, %swap3A_395] {strides = array<i32>} : memref<2x80x128xf32, #tpu.memory_space<vmem>>, vector<1x1x16xf32>,
      %swap3A_397 = vector.shape_cast %swap3A_396 : vector<1x1x16xf32> to vector<16xf32>
      %swap3A_398 = vector.shape_cast %add3A_391 : vector<16xf32> to vector<1x1x16xf32>
      tpu.vector_store %arg11[%swap3A_393, %swap3A_394, %swap3A_395], %swap3A_398 {strides = array<i32>} : memref<2x80x128xf32, #tpu.memory_space<vmem>>, vector<1x1x16xf32>,
      %get3A_399 = arith.constant 0 : i32
      %get3A_400 = arith.index_cast %get3A_399 : i32 to index
      %get3A_401 = arith.index_cast %scan3A_298 : i32 to index
      %get3A_402 = arith.constant 80 : index
      %get3A_403 = tpu.vector_load %arg9[%get3A_400, %get3A_401, %get3A_402] {strides = array<i32>} : memref<2x80x128xf32, #tpu.memory_space<vmem>>, vector<1x1x16xf32>,
      %get3A_404 = vector.shape_cast %get3A_403 : vector<1x1x16xf32> to vector<16xf32>
      %get3A_405 = arith.constant 0 : i32
      %get3A_406 = arith.index_cast %get3A_405 : i32 to index
      %get3A_407 = arith.index_cast %scan3A_298 : i32 to index
      %get3A_408 = arith.constant 80 : index
      %get3A_409 = tpu.vector_load %arg10[%get3A_406, %get3A_407, %get3A_408] {strides = array<i32>} : memref<2x80x128xf32, #tpu.memory_space<vmem>>, vector<1x1x16xf32>,
      %get3A_410 = vector.shape_cast %get3A_409 : vector<1x1x16xf32> to vector<16xf32>
      %add3A_411 = arith.addf %get3A_404, %get3A_410 : vector<16xf32>
      %swap3A_412 = arith.constant 0 : i32
      %swap3A_413 = arith.index_cast %swap3A_412 : i32 to index
      %swap3A_414 = arith.index_cast %scan3A_298 : i32 to index
      %swap3A_415 = arith.constant 80 : index
      %swap3A_416 = tpu.vector_load %arg11[%swap3A_413, %swap3A_414, %swap3A_415] {strides = array<i32>} : memref<2x80x128xf32, #tpu.memory_space<vmem>>, vector<1x1x16xf32>,
      %swap3A_417 = vector.shape_cast %swap3A_416 : vector<1x1x16xf32> to vector<16xf32>
      %swap3A_418 = vector.shape_cast %add3A_411 : vector<16xf32> to vector<1x1x16xf32>
      tpu.vector_store %arg11[%swap3A_413, %swap3A_414, %swap3A_415], %swap3A_418 {strides = array<i32>} : memref<2x80x128xf32, #tpu.memory_space<vmem>>, vector<1x1x16xf32>,
      %get3A_419 = arith.constant 0 : i32
      %get3A_420 = arith.index_cast %get3A_419 : i32 to index
      %get3A_421 = arith.index_cast %scan3A_298 : i32 to index
      %get3A_422 = arith.constant 96 : index
      %get3A_423 = tpu.vector_load %arg9[%get3A_420, %get3A_421, %get3A_422] {strides = array<i32>} : memref<2x80x128xf32, #tpu.memory_space<vmem>>, vector<1x1x16xf32>,
      %get3A_424 = vector.shape_cast %get3A_423 : vector<1x1x16xf32> to vector<16xf32>
      %get3A_425 = arith.constant 0 : i32
      %get3A_426 = arith.index_cast %get3A_425 : i32 to index
      %get3A_427 = arith.index_cast %scan3A_298 : i32 to index
      %get3A_428 = arith.constant 96 : index
      %get3A_429 = tpu.vector_load %arg10[%get3A_426, %get3A_427, %get3A_428] {strides = array<i32>} : memref<2x80x128xf32, #tpu.memory_space<vmem>>, vector<1x1x16xf32>,
      %get3A_430 = vector.shape_cast %get3A_429 : vector<1x1x16xf32> to vector<16xf32>
      %add3A_431 = arith.addf %get3A_424, %get3A_430 : vector<16xf32>
      %swap3A_432 = arith.constant 0 : i32
      %swap3A_433 = arith.index_cast %swap3A_432 : i32 to index
      %swap3A_434 = arith.index_cast %scan3A_298 : i32 to index
      %swap3A_435 = arith.constant 96 : index
      %swap3A_436 = tpu.vector_load %arg11[%swap3A_433, %swap3A_434, %swap3A_435] {strides = array<i32>} : memref<2x80x128xf32, #tpu.memory_space<vmem>>, vector<1x1x16xf32>,
      %swap3A_437 = vector.shape_cast %swap3A_436 : vector<1x1x16xf32> to vector<16xf32>
      %swap3A_438 = vector.shape_cast %add3A_431 : vector<16xf32> to vector<1x1x16xf32>
      tpu.vector_store %arg11[%swap3A_433, %swap3A_434, %swap3A_435], %swap3A_438 {strides = array<i32>} : memref<2x80x128xf32, #tpu.memory_space<vmem>>, vector<1x1x16xf32>,
      %get3A_439 = arith.constant 0 : i32
      %get3A_440 = arith.index_cast %get3A_439 : i32 to index
      %get3A_441 = arith.index_cast %scan3A_298 : i32 to index
      %get3A_442 = arith.constant 112 : index
      %get3A_443 = tpu.vector_load %arg9[%get3A_440, %get3A_441, %get3A_442] {strides = array<i32>} : memref<2x80x128xf32, #tpu.memory_space<vmem>>, vector<1x1x16xf32>,
      %get3A_444 = vector.shape_cast %get3A_443 : vector<1x1x16xf32> to vector<16xf32>
      %get3A_445 = arith.constant 0 : i32
      %get3A_446 = arith.index_cast %get3A_445 : i32 to index
      %get3A_447 = arith.index_cast %scan3A_298 : i32 to index
      %get3A_448 = arith.constant 112 : index
      %get3A_449 = tpu.vector_load %arg10[%get3A_446, %get3A_447, %get3A_448] {strides = array<i32>} : memref<2x80x128xf32, #tpu.memory_space<vmem>>, vector<1x1x16xf32>,
      %get3A_450 = vector.shape_cast %get3A_449 : vector<1x1x16xf32> to vector<16xf32>
      %add3A_451 = arith.addf %get3A_444, %get3A_450 : vector<16xf32>
      %swap3A_452 = arith.constant 0 : i32
      %swap3A_453 = arith.index_cast %swap3A_452 : i32 to index
      %swap3A_454 = arith.index_cast %scan3A_298 : i32 to index
      %swap3A_455 = arith.constant 112 : index
      %swap3A_456 = tpu.vector_load %arg11[%swap3A_453, %swap3A_454, %swap3A_455] {strides = array<i32>} : memref<2x80x128xf32, #tpu.memory_space<vmem>>, vector<1x1x16xf32>,
      %swap3A_457 = vector.shape_cast %swap3A_456 : vector<1x1x16xf32> to vector<16xf32>
      %swap3A_458 = vector.shape_cast %add3A_451 : vector<16xf32> to vector<1x1x16xf32>
      tpu.vector_store %arg11[%swap3A_453, %swap3A_454, %swap3A_455], %swap3A_458 {strides = array<i32>} : memref<2x80x128xf32, #tpu.memory_space<vmem>>, vector<1x1x16xf32>,
    }
    %scan3A_96 = arith.constant 80 : i32
    %add3A_97 = arith.constant 9920 : i32
    %add3A_98 = arith.addi %mul3A_2, %add3A_97 : i32
    %dma_start3A_99 = arith.constant 0 : i32
    %dma_start3A_100 = arith.constant 0 : i32
    %dma_start3A_101 = arith.constant 0 : i32
    %dma_start3A_102 = tpu.memref_slice %arg11[%dma_start3A_99, %dma_start3A_100, %dma_start3A_101] : memref<2x80x128xf32, #tpu.memory_space<vmem>> -> memref<1x80x128xf32, #tpu.memory_space<vmem>>
    %dma_start3A_103 = tpu.memref_squeeze %dma_start3A_102 : memref<1x80x128xf32, #tpu.memory_space<vmem>> -> memref<80x128xf32, #tpu.memory_space<vmem>>
    %dma_start3A_104 = arith.constant 0 : i32
    %dma_start3A_105 = tpu.memref_slice %arg6[%add3A_98, %dma_start3A_104] : memref<320000x128xf32, #tpu.memory_space<hbm>> -> memref<80x128xf32, #tpu.memory_space<hbm>>
    %dma_start3A_106 = arith.constant 0 : i32
    %dma_start3A_107 = tpu.memref_slice %arg6[%add3A_98, %dma_start3A_106] : memref<320000x128xf32, #tpu.memory_space<hbm>> -> memref<80x128xf32, #tpu.memory_space<hbm>>
    %dma_start3A_108 = arith.constant 0 : i32
    %dma_start3A_109 = arith.constant 0 : i32
    %dma_start3A_110 = tpu.memref_slice %arg11[%dma_start3A_99, %dma_start3A_108, %dma_start3A_109] : memref<2x80x128xf32, #tpu.memory_space<vmem>> -> memref<1x80x128xf32, #tpu.memory_space<vmem>>
    %dma_start3A_111 = tpu.memref_squeeze %dma_start3A_110 : memref<1x80x128xf32, #tpu.memory_space<vmem>> -> memref<80x128xf32, #tpu.memory_space<vmem>>
    tpu.enqueue_dma source(%dma_start3A_111 : memref<80x128xf32, #tpu.memory_space<vmem>>) target(%dma_start3A_107 : memref<80x128xf32, #tpu.memory_space<hbm>>) target_semaphore(%arg16 : memref<!tpu.dma_semaphore, #tpu.memory_space<semaphore_mem>>)
    %dma_wait3A_112 = arith.constant 0 : i32
    %dma_wait3A_113 = arith.constant 0 : i32
    %dma_wait3A_114 = arith.constant 0 : i32
    %dma_wait3A_115 = tpu.memref_slice %arg11[%dma_wait3A_112, %dma_wait3A_113, %dma_wait3A_114] : memref<2x80x128xf32, #tpu.memory_space<vmem>> -> memref<1x80x128xf32, #tpu.memory_space<vmem>>
    %dma_wait3A_116 = tpu.memref_squeeze %dma_wait3A_115 : memref<1x80x128xf32, #tpu.memory_space<vmem>> -> memref<80x128xf32, #tpu.memory_space<vmem>>
    %dma_wait3A_117 = arith.constant 0 : i32
    %dma_wait3A_118 = tpu.memref_slice %arg6[%mul3A_2, %dma_wait3A_117] : memref<320000x128xf32, #tpu.memory_space<hbm>> -> memref<80x128xf32, #tpu.memory_space<hbm>>
    %dma_wait3A_119 = arith.constant 0 : i32
    %dma_wait3A_120 = tpu.memref_slice %arg6[%mul3A_2, %dma_wait3A_119] : memref<320000x128xf32, #tpu.memory_space<hbm>> -> memref<80x128xf32, #tpu.memory_space<hbm>>
    %dma_wait3A_121 = arith.constant 0 : i32
    %dma_wait3A_122 = arith.constant 0 : i32
    %dma_wait3A_123 = tpu.memref_slice %arg11[%dma_wait3A_112, %dma_wait3A_121, %dma_wait3A_122] : memref<2x80x128xf32, #tpu.memory_space<vmem>> -> memref<1x80x128xf32, #tpu.memory_space<vmem>>
    %dma_wait3A_124 = tpu.memref_squeeze %dma_wait3A_123 : memref<1x80x128xf32, #tpu.memory_space<vmem>> -> memref<80x128xf32, #tpu.memory_space<vmem>>
    tpu.wait_dma2 semaphore(%arg16 : memref<!tpu.dma_semaphore, #tpu.memory_space<semaphore_mem>>) src(%dma_wait3A_124 : memref<80x128xf32, #tpu.memory_space<vmem>>) dst(%dma_wait3A_120 : memref<80x128xf32, #tpu.memory_space<hbm>>)
    %dma_wait3A_125 = arith.constant 1 : i32
    %dma_wait3A_126 = arith.constant 0 : i32
    %dma_wait3A_127 = arith.constant 0 : i32
    %dma_wait3A_128 = tpu.memref_slice %arg11[%dma_wait3A_125, %dma_wait3A_126, %dma_wait3A_127] : memref<2x80x128xf32, #tpu.memory_space<vmem>> -> memref<1x80x128xf32, #tpu.memory_space<vmem>>
    %dma_wait3A_129 = tpu.memref_squeeze %dma_wait3A_128 : memref<1x80x128xf32, #tpu.memory_space<vmem>> -> memref<80x128xf32, #tpu.memory_space<vmem>>
    %dma_wait3A_130 = arith.constant 0 : i32
    %dma_wait3A_131 = tpu.memref_slice %arg6[%mul3A_2, %dma_wait3A_130] : memref<320000x128xf32, #tpu.memory_space<hbm>> -> memref<80x128xf32, #tpu.memory_space<hbm>>
    %dma_wait3A_132 = arith.constant 0 : i32
    %dma_wait3A_133 = tpu.memref_slice %arg6[%mul3A_2, %dma_wait3A_132] : memref<320000x128xf32, #tpu.memory_space<hbm>> -> memref<80x128xf32, #tpu.memory_space<hbm>>
    %dma_wait3A_134 = arith.constant 0 : i32
    %dma_wait3A_135 = arith.constant 0 : i32
    %dma_wait3A_136 = tpu.memref_slice %arg11[%dma_wait3A_125, %dma_wait3A_134, %dma_wait3A_135] : memref<2x80x128xf32, #tpu.memory_space<vmem>> -> memref<1x80x128xf32, #tpu.memory_space<vmem>>
    %dma_wait3A_137 = tpu.memref_squeeze %dma_wait3A_136 : memref<1x80x128xf32, #tpu.memory_space<vmem>> -> memref<80x128xf32, #tpu.memory_space<vmem>>
    tpu.wait_dma2 semaphore(%arg17 : memref<!tpu.dma_semaphore, #tpu.memory_space<semaphore_mem>>) src(%dma_wait3A_137 : memref<80x128xf32, #tpu.memory_space<vmem>>) dst(%dma_wait3A_133 : memref<80x128xf32, #tpu.memory_space<hbm>>)
    return
  }
}

#map = affine_map<(d0, d1) -> (0, 0)>
#map1 = affine_map<(d0, d1) -> (0, 0, 0)>
module attributes {stable_mosaic.version = 14 : i64} {
  func.func @k(%arg0: i32, %arg1: i32, %arg2: memref<320000x128xf32, #tpu.memory_space<hbm>>, %arg3: memref<32x125x80xi32, #tpu.memory_space<hbm>>, %arg4: memref<2x10000x128xf32, #tpu.memory_space<hbm>>, %arg5: memref<4x80xi32, #tpu.memory_space<vmem>>, %arg6: memref<4x80x128xf32, #tpu.memory_space<vmem>>, %arg7: memref<16x128xf32, #tpu.memory_space<vmem>>, %arg8: memref<10000x128xf32, #tpu.memory_space<vmem_shared>>, %arg9: memref<!tpu.dma_semaphore, #tpu.memory_space<semaphore_mem>>, %arg10: memref<!tpu.dma_semaphore, #tpu.memory_space<semaphore_mem>>, %arg11: memref<!tpu.dma_semaphore, #tpu.memory_space<semaphore_mem>>, %arg12: memref<!tpu.dma_semaphore, #tpu.memory_space<semaphore_mem>>, %arg13: memref<!tpu.dma_semaphore, #tpu.memory_space<semaphore_mem>>, %arg14: memref<!tpu.dma_semaphore, #tpu.memory_space<semaphore_mem>>, %arg15: memref<!tpu.dma_semaphore, #tpu.memory_space<semaphore_mem>>, %arg16: memref<!tpu.dma_semaphore, #tpu.memory_space<semaphore_mem>>) attributes {dimension_semantics = [#tpu.dimension_semantics<core_parallel>, #tpu.dimension_semantics<subcore_parallel>], iteration_bounds = array<i64: 2, 16>, scalar_prefetch = 0 : i64, scratch_operands = 12 : i64, tpu.core_type = #tpu.core_type<sc_vector_subcore>, window_params = [{transform_indices = #map}, {transform_indices = #map1}, {transform_indices = #map1}]} {
    %mul3A = arith.constant 2 : i32
    %mul3A_0 = arith.muli %arg1, %mul3A : i32
    %add3A = arith.addi %mul3A_0, %arg0 : i32
    %broadcast_in_dim3A = arith.constant 0.000000e+00 : f32
    %broadcast_in_dim3A_1 = vector.broadcast %broadcast_in_dim3A : f32 to vector<16xf32>
    %scan3A = arith.constant 0 : i32
    %scan3A_2 = arith.constant 0 : i32
    %scan3A_3 = arith.constant 16 : i32
    %scan3A_4 = arith.addi %scan3A_2, %scan3A_3 : i32
    %scan3A_5 = arith.constant 1 : i32
    scf.for %scan3A_90 = %scan3A_2 to %scan3A_4 step %scan3A_5  : i32 {
      %swap3A = arith.index_cast %scan3A_90 : i32 to index
      %swap3A_91 = arith.constant 0 : index
      %swap3A_92 = tpu.vector_load %arg7[%swap3A, %swap3A_91] {strides = array<i32>} : memref<16x128xf32, #tpu.memory_space<vmem>>, vector<1x16xf32>,
      %swap3A_93 = vector.shape_cast %swap3A_92 : vector<1x16xf32> to vector<16xf32>
      %swap3A_94 = vector.shape_cast %broadcast_in_dim3A_1 : vector<16xf32> to vector<1x16xf32>
      tpu.vector_store %arg7[%swap3A, %swap3A_91], %swap3A_94 {strides = array<i32>} : memref<16x128xf32, #tpu.memory_space<vmem>>, vector<1x16xf32>,
      %swap3A_95 = arith.index_cast %scan3A_90 : i32 to index
      %swap3A_96 = arith.constant 16 : index
      %swap3A_97 = tpu.vector_load %arg7[%swap3A_95, %swap3A_96] {strides = array<i32>} : memref<16x128xf32, #tpu.memory_space<vmem>>, vector<1x16xf32>,
      %swap3A_98 = vector.shape_cast %swap3A_97 : vector<1x16xf32> to vector<16xf32>
      %swap3A_99 = vector.shape_cast %broadcast_in_dim3A_1 : vector<16xf32> to vector<1x16xf32>
      tpu.vector_store %arg7[%swap3A_95, %swap3A_96], %swap3A_99 {strides = array<i32>} : memref<16x128xf32, #tpu.memory_space<vmem>>, vector<1x16xf32>,
      %swap3A_100 = arith.index_cast %scan3A_90 : i32 to index
      %swap3A_101 = arith.constant 32 : index
      %swap3A_102 = tpu.vector_load %arg7[%swap3A_100, %swap3A_101] {strides = array<i32>} : memref<16x128xf32, #tpu.memory_space<vmem>>, vector<1x16xf32>,
      %swap3A_103 = vector.shape_cast %swap3A_102 : vector<1x16xf32> to vector<16xf32>
      %swap3A_104 = vector.shape_cast %broadcast_in_dim3A_1 : vector<16xf32> to vector<1x16xf32>
      tpu.vector_store %arg7[%swap3A_100, %swap3A_101], %swap3A_104 {strides = array<i32>} : memref<16x128xf32, #tpu.memory_space<vmem>>, vector<1x16xf32>,
      %swap3A_105 = arith.index_cast %scan3A_90 : i32 to index
      %swap3A_106 = arith.constant 48 : index
      %swap3A_107 = tpu.vector_load %arg7[%swap3A_105, %swap3A_106] {strides = array<i32>} : memref<16x128xf32, #tpu.memory_space<vmem>>, vector<1x16xf32>,
      %swap3A_108 = vector.shape_cast %swap3A_107 : vector<1x16xf32> to vector<16xf32>
      %swap3A_109 = vector.shape_cast %broadcast_in_dim3A_1 : vector<16xf32> to vector<1x16xf32>
      tpu.vector_store %arg7[%swap3A_105, %swap3A_106], %swap3A_109 {strides = array<i32>} : memref<16x128xf32, #tpu.memory_space<vmem>>, vector<1x16xf32>,
      %swap3A_110 = arith.index_cast %scan3A_90 : i32 to index
      %swap3A_111 = arith.constant 64 : index
      %swap3A_112 = tpu.vector_load %arg7[%swap3A_110, %swap3A_111] {strides = array<i32>} : memref<16x128xf32, #tpu.memory_space<vmem>>, vector<1x16xf32>,
      %swap3A_113 = vector.shape_cast %swap3A_112 : vector<1x16xf32> to vector<16xf32>
      %swap3A_114 = vector.shape_cast %broadcast_in_dim3A_1 : vector<16xf32> to vector<1x16xf32>
      tpu.vector_store %arg7[%swap3A_110, %swap3A_111], %swap3A_114 {strides = array<i32>} : memref<16x128xf32, #tpu.memory_space<vmem>>, vector<1x16xf32>,
      %swap3A_115 = arith.index_cast %scan3A_90 : i32 to index
      %swap3A_116 = arith.constant 80 : index
      %swap3A_117 = tpu.vector_load %arg7[%swap3A_115, %swap3A_116] {strides = array<i32>} : memref<16x128xf32, #tpu.memory_space<vmem>>, vector<1x16xf32>,
      %swap3A_118 = vector.shape_cast %swap3A_117 : vector<1x16xf32> to vector<16xf32>
      %swap3A_119 = vector.shape_cast %broadcast_in_dim3A_1 : vector<16xf32> to vector<1x16xf32>
      tpu.vector_store %arg7[%swap3A_115, %swap3A_116], %swap3A_119 {strides = array<i32>} : memref<16x128xf32, #tpu.memory_space<vmem>>, vector<1x16xf32>,
      %swap3A_120 = arith.index_cast %scan3A_90 : i32 to index
      %swap3A_121 = arith.constant 96 : index
      %swap3A_122 = tpu.vector_load %arg7[%swap3A_120, %swap3A_121] {strides = array<i32>} : memref<16x128xf32, #tpu.memory_space<vmem>>, vector<1x16xf32>,
      %swap3A_123 = vector.shape_cast %swap3A_122 : vector<1x16xf32> to vector<16xf32>
      %swap3A_124 = vector.shape_cast %broadcast_in_dim3A_1 : vector<16xf32> to vector<1x16xf32>
      tpu.vector_store %arg7[%swap3A_120, %swap3A_121], %swap3A_124 {strides = array<i32>} : memref<16x128xf32, #tpu.memory_space<vmem>>, vector<1x16xf32>,
      %swap3A_125 = arith.index_cast %scan3A_90 : i32 to index
      %swap3A_126 = arith.constant 112 : index
      %swap3A_127 = tpu.vector_load %arg7[%swap3A_125, %swap3A_126] {strides = array<i32>} : memref<16x128xf32, #tpu.memory_space<vmem>>, vector<1x16xf32>,
      %swap3A_128 = vector.shape_cast %swap3A_127 : vector<1x16xf32> to vector<16xf32>
      %swap3A_129 = vector.shape_cast %broadcast_in_dim3A_1 : vector<16xf32> to vector<1x16xf32>
      tpu.vector_store %arg7[%swap3A_125, %swap3A_126], %swap3A_129 {strides = array<i32>} : memref<16x128xf32, #tpu.memory_space<vmem>>, vector<1x16xf32>,
    }
    %scan3A_6 = arith.constant 16 : i32
    %scan3A_7 = arith.constant 0 : i32
    %scan3A_8 = arith.constant 0 : i32
    %scan3A_9 = arith.constant 39 : i32
    %scan3A_10 = arith.addi %scan3A_8, %scan3A_9 : i32
    %scan3A_11 = arith.constant 1 : i32
    scf.for %scan3A_90 = %scan3A_8 to %scan3A_10 step %scan3A_11  : i32 {
      %mul3A_91 = arith.constant 624 : i32
      %mul3A_92 = arith.muli %arg1, %mul3A_91 : i32
      %mul3A_93 = arith.constant 16 : i32
      %mul3A_94 = arith.muli %scan3A_90, %mul3A_93 : i32
      %add3A_95 = arith.addi %mul3A_92, %mul3A_94 : i32
      "tpu.region"() ({
        %run_scoped3A = tpu.sem_alloc : memref<!tpu.dma_semaphore, #tpu.memory_space<semaphore_mem>>
        %dma_start3A_96 = arith.constant 0 : i32
        %dma_start3A_97 = tpu.memref_slice %arg8[%add3A_95, %dma_start3A_96] : memref<10000x128xf32, #tpu.memory_space<vmem_shared>> -> memref<16x128xf32, #tpu.memory_space<vmem_shared>>
        %dma_start3A_98 = arith.constant 0 : i32
        %dma_start3A_99 = tpu.memref_slice %arg8[%add3A_95, %dma_start3A_98] : memref<10000x128xf32, #tpu.memory_space<vmem_shared>> -> memref<16x128xf32, #tpu.memory_space<vmem_shared>>
        tpu.enqueue_dma source(%arg7 : memref<16x128xf32, #tpu.memory_space<vmem>>) target(%dma_start3A_99 : memref<16x128xf32, #tpu.memory_space<vmem_shared>>) target_semaphore(%run_scoped3A : memref<!tpu.dma_semaphore, #tpu.memory_space<semaphore_mem>>)
        %dma_wait3A = arith.constant 0 : i32
        %dma_wait3A_100 = tpu.memref_slice %arg8[%add3A_95, %dma_wait3A] : memref<10000x128xf32, #tpu.memory_space<vmem_shared>> -> memref<16x128xf32, #tpu.memory_space<vmem_shared>>
        %dma_wait3A_101 = arith.constant 0 : i32
        %dma_wait3A_102 = tpu.memref_slice %arg8[%add3A_95, %dma_wait3A_101] : memref<10000x128xf32, #tpu.memory_space<vmem_shared>> -> memref<16x128xf32, #tpu.memory_space<vmem_shared>>
        tpu.wait_dma2 semaphore(%run_scoped3A : memref<!tpu.dma_semaphore, #tpu.memory_space<semaphore_mem>>) src(%arg7 : memref<16x128xf32, #tpu.memory_space<vmem>>) dst(%dma_wait3A_102 : memref<16x128xf32, #tpu.memory_space<vmem_shared>>)
        tpu.yield
      }) : () -> ()
    }
    %scan3A_12 = arith.constant 39 : i32
    %eq3A = arith.constant 15 : i32
    %eq3A_13 = arith.cmpi eq, %arg1, %eq3A : i32
    %convert_element_type3A = arith.extui %eq3A_13 : i1 to i32
    %cond3A = arith.constant 0 : i32
    %cond3A_14 = arith.cmpi ne, %convert_element_type3A, %cond3A : i32
    scf.if %cond3A_14 {
      "tpu.region"() ({
        %run_scoped3A = tpu.sem_alloc : memref<!tpu.dma_semaphore, #tpu.memory_space<semaphore_mem>>
        %dma_start3A_90 = arith.constant 9984 : i32
        %dma_start3A_91 = arith.constant 0 : i32
        %dma_start3A_92 = tpu.memref_slice %arg8[%dma_start3A_90, %dma_start3A_91] : memref<10000x128xf32, #tpu.memory_space<vmem_shared>> -> memref<16x128xf32, #tpu.memory_space<vmem_shared>>
        %dma_start3A_93 = arith.constant 9984 : i32
        %dma_start3A_94 = arith.constant 0 : i32
        %dma_start3A_95 = tpu.memref_slice %arg8[%dma_start3A_93, %dma_start3A_94] : memref<10000x128xf32, #tpu.memory_space<vmem_shared>> -> memref<16x128xf32, #tpu.memory_space<vmem_shared>>
        tpu.enqueue_dma source(%arg7 : memref<16x128xf32, #tpu.memory_space<vmem>>) target(%dma_start3A_95 : memref<16x128xf32, #tpu.memory_space<vmem_shared>>) target_semaphore(%run_scoped3A : memref<!tpu.dma_semaphore, #tpu.memory_space<semaphore_mem>>)
        %dma_wait3A = arith.constant 9984 : i32
        %dma_wait3A_96 = arith.constant 0 : i32
        %dma_wait3A_97 = tpu.memref_slice %arg8[%dma_wait3A, %dma_wait3A_96] : memref<10000x128xf32, #tpu.memory_space<vmem_shared>> -> memref<16x128xf32, #tpu.memory_space<vmem_shared>>
        %dma_wait3A_98 = arith.constant 9984 : i32
        %dma_wait3A_99 = arith.constant 0 : i32
        %dma_wait3A_100 = tpu.memref_slice %arg8[%dma_wait3A_98, %dma_wait3A_99] : memref<10000x128xf32, #tpu.memory_space<vmem_shared>> -> memref<16x128xf32, #tpu.memory_space<vmem_shared>>
        tpu.wait_dma2 semaphore(%run_scoped3A : memref<!tpu.dma_semaphore, #tpu.memory_space<semaphore_mem>>) src(%arg7 : memref<16x128xf32, #tpu.memory_space<vmem>>) dst(%dma_wait3A_100 : memref<16x128xf32, #tpu.memory_space<vmem_shared>>)
        tpu.yield
      }) : () -> ()
    } else {
    }
    %barrier3A = arith.constant 0 : index
    tpu.barrier barrier_id(%barrier3A)
    %mul3A_15 = arith.constant 10000 : i32
    %mul3A_16 = arith.muli %add3A, %mul3A_15 : i32
    %add3A_17 = arith.constant 0 : i32
    %add3A_18 = arith.addi %mul3A_16, %add3A_17 : i32
    %dma_start3A = arith.constant 0 : i32
    %dma_start3A_19 = arith.constant 0 : i32
    %dma_start3A_20 = arith.constant 0 : i32
    %dma_start3A_21 = tpu.memref_slice %arg5[%dma_start3A_19, %dma_start3A_20] : memref<4x80xi32, #tpu.memory_space<vmem>> -> memref<1x80xi32, #tpu.memory_space<vmem>>
    %dma_start3A_22 = tpu.memref_squeeze %dma_start3A_21 : memref<1x80xi32, #tpu.memory_space<vmem>> -> memref<80xi32, #tpu.memory_space<vmem>>
    %dma_start3A_23 = arith.constant 0 : i32
    %dma_start3A_24 = tpu.memref_slice %arg3[%add3A, %dma_start3A, %dma_start3A_23] : memref<32x125x80xi32, #tpu.memory_space<hbm>> -> memref<1x1x80xi32, #tpu.memory_space<hbm>>
    %dma_start3A_25 = tpu.memref_squeeze %dma_start3A_24 : memref<1x1x80xi32, #tpu.memory_space<hbm>> -> memref<80xi32, #tpu.memory_space<hbm>>
    %dma_start3A_26 = arith.constant 0 : i32
    %dma_start3A_27 = tpu.memref_slice %arg5[%dma_start3A_19, %dma_start3A_26] : memref<4x80xi32, #tpu.memory_space<vmem>> -> memref<1x80xi32, #tpu.memory_space<vmem>>
    %dma_start3A_28 = tpu.memref_squeeze %dma_start3A_27 : memref<1x80xi32, #tpu.memory_space<vmem>> -> memref<80xi32, #tpu.memory_space<vmem>>
    %dma_start3A_29 = arith.constant 0 : i32
    %dma_start3A_30 = tpu.memref_slice %arg3[%add3A, %dma_start3A, %dma_start3A_29] : memref<32x125x80xi32, #tpu.memory_space<hbm>> -> memref<1x1x80xi32, #tpu.memory_space<hbm>>
    %dma_start3A_31 = tpu.memref_squeeze %dma_start3A_30 : memref<1x1x80xi32, #tpu.memory_space<hbm>> -> memref<80xi32, #tpu.memory_space<hbm>>
    tpu.enqueue_dma source(%dma_start3A_31 : memref<80xi32, #tpu.memory_space<hbm>>) target(%dma_start3A_28 : memref<80xi32, #tpu.memory_space<vmem>>) target_semaphore(%arg9 : memref<!tpu.dma_semaphore, #tpu.memory_space<semaphore_mem>>)
    %dma_start3A_32 = arith.constant 0 : i32
    %dma_start3A_33 = arith.constant 0 : i32
    %dma_start3A_34 = arith.constant 0 : i32
    %dma_start3A_35 = tpu.memref_slice %arg6[%dma_start3A_32, %dma_start3A_33, %dma_start3A_34] : memref<4x80x128xf32, #tpu.memory_space<vmem>> -> memref<1x80x128xf32, #tpu.memory_space<vmem>>
    %dma_start3A_36 = tpu.memref_squeeze %dma_start3A_35 : memref<1x80x128xf32, #tpu.memory_space<vmem>> -> memref<80x128xf32, #tpu.memory_space<vmem>>
    %dma_start3A_37 = arith.constant 0 : i32
    %dma_start3A_38 = tpu.memref_slice %arg2[%add3A_18, %dma_start3A_37] : memref<320000x128xf32, #tpu.memory_space<hbm>> -> memref<80x128xf32, #tpu.memory_space<hbm>>
    %dma_start3A_39 = arith.constant 0 : i32
    %dma_start3A_40 = arith.constant 0 : i32
    %dma_start3A_41 = tpu.memref_slice %arg6[%dma_start3A_32, %dma_start3A_39, %dma_start3A_40] : memref<4x80x128xf32, #tpu.memory_space<vmem>> -> memref<1x80x128xf32, #tpu.memory_space<vmem>>
    %dma_start3A_42 = tpu.memref_squeeze %dma_start3A_41 : memref<1x80x128xf32, #tpu.memory_space<vmem>> -> memref<80x128xf32, #tpu.memory_space<vmem>>
    %dma_start3A_43 = arith.constant 0 : i32
    %dma_start3A_44 = tpu.memref_slice %arg2[%add3A_18, %dma_start3A_43] : memref<320000x128xf32, #tpu.memory_space<hbm>> -> memref<80x128xf32, #tpu.memory_space<hbm>>
    tpu.enqueue_dma source(%dma_start3A_44 : memref<80x128xf32, #tpu.memory_space<hbm>>) target(%dma_start3A_42 : memref<80x128xf32, #tpu.memory_space<vmem>>) target_semaphore(%arg9 : memref<!tpu.dma_semaphore, #tpu.memory_space<semaphore_mem>>)
    %add3A_45 = arith.constant 80 : i32
    %add3A_46 = arith.addi %mul3A_16, %add3A_45 : i32
    %dma_start3A_47 = arith.constant 1 : i32
    %dma_start3A_48 = arith.constant 1 : i32
    %dma_start3A_49 = arith.constant 0 : i32
    %dma_start3A_50 = tpu.memref_slice %arg5[%dma_start3A_48, %dma_start3A_49] : memref<4x80xi32, #tpu.memory_space<vmem>> -> memref<1x80xi32, #tpu.memory_space<vmem>>
    %dma_start3A_51 = tpu.memref_squeeze %dma_start3A_50 : memref<1x80xi32, #tpu.memory_space<vmem>> -> memref<80xi32, #tpu.memory_space<vmem>>
    %dma_start3A_52 = arith.constant 0 : i32
    %dma_start3A_53 = tpu.memref_slice %arg3[%add3A, %dma_start3A_47, %dma_start3A_52] : memref<32x125x80xi32, #tpu.memory_space<hbm>> -> memref<1x1x80xi32, #tpu.memory_space<hbm>>
    %dma_start3A_54 = tpu.memref_squeeze %dma_start3A_53 : memref<1x1x80xi32, #tpu.memory_space<hbm>> -> memref<80xi32, #tpu.memory_space<hbm>>
    %dma_start3A_55 = arith.constant 0 : i32
    %dma_start3A_56 = tpu.memref_slice %arg5[%dma_start3A_48, %dma_start3A_55] : memref<4x80xi32, #tpu.memory_space<vmem>> -> memref<1x80xi32, #tpu.memory_space<vmem>>
    %dma_start3A_57 = tpu.memref_squeeze %dma_start3A_56 : memref<1x80xi32, #tpu.memory_space<vmem>> -> memref<80xi32, #tpu.memory_space<vmem>>
    %dma_start3A_58 = arith.constant 0 : i32
    %dma_start3A_59 = tpu.memref_slice %arg3[%add3A, %dma_start3A_47, %dma_start3A_58] : memref<32x125x80xi32, #tpu.memory_space<hbm>> -> memref<1x1x80xi32, #tpu.memory_space<hbm>>
    %dma_start3A_60 = tpu.memref_squeeze %dma_start3A_59 : memref<1x1x80xi32, #tpu.memory_space<hbm>> -> memref<80xi32, #tpu.memory_space<hbm>>
    tpu.enqueue_dma source(%dma_start3A_60 : memref<80xi32, #tpu.memory_space<hbm>>) target(%dma_start3A_57 : memref<80xi32, #tpu.memory_space<vmem>>) target_semaphore(%arg10 : memref<!tpu.dma_semaphore, #tpu.memory_space<semaphore_mem>>)
    %dma_start3A_61 = arith.constant 1 : i32
    %dma_start3A_62 = arith.constant 0 : i32
    %dma_start3A_63 = arith.constant 0 : i32
    %dma_start3A_64 = tpu.memref_slice %arg6[%dma_start3A_61, %dma_start3A_62, %dma_start3A_63] : memref<4x80x128xf32, #tpu.memory_space<vmem>> -> memref<1x80x128xf32, #tpu.memory_space<vmem>>
    %dma_start3A_65 = tpu.memref_squeeze %dma_start3A_64 : memref<1x80x128xf32, #tpu.memory_space<vmem>> -> memref<80x128xf32, #tpu.memory_space<vmem>>
    %dma_start3A_66 = arith.constant 0 : i32
    %dma_start3A_67 = tpu.memref_slice %arg2[%add3A_46, %dma_start3A_66] : memref<320000x128xf32, #tpu.memory_space<hbm>> -> memref<80x128xf32, #tpu.memory_space<hbm>>
    %dma_start3A_68 = arith.constant 0 : i32
    %dma_start3A_69 = arith.constant 0 : i32
    %dma_start3A_70 = tpu.memref_slice %arg6[%dma_start3A_61, %dma_start3A_68, %dma_start3A_69] : memref<4x80x128xf32, #tpu.memory_space<vmem>> -> memref<1x80x128xf32, #tpu.memory_space<vmem>>
    %dma_start3A_71 = tpu.memref_squeeze %dma_start3A_70 : memref<1x80x128xf32, #tpu.memory_space<vmem>> -> memref<80x128xf32, #tpu.memory_space<vmem>>
    %dma_start3A_72 = arith.constant 0 : i32
    %dma_start3A_73 = tpu.memref_slice %arg2[%add3A_46, %dma_start3A_72] : memref<320000x128xf32, #tpu.memory_space<hbm>> -> memref<80x128xf32, #tpu.memory_space<hbm>>
    tpu.enqueue_dma source(%dma_start3A_73 : memref<80x128xf32, #tpu.memory_space<hbm>>) target(%dma_start3A_71 : memref<80x128xf32, #tpu.memory_space<vmem>>) target_semaphore(%arg10 : memref<!tpu.dma_semaphore, #tpu.memory_space<semaphore_mem>>)
    %scan3A_74 = arith.constant 0 : i32
    %scan3A_75 = arith.constant 0 : i32
    %scan3A_76 = arith.constant 32 : i32
    %scan3A_77 = arith.addi %scan3A_75, %scan3A_76 : i32
    %scan3A_78 = arith.constant 1 : i32
    scf.for %scan3A_90 = %scan3A_75 to %scan3A_77 step %scan3A_78  : i32 {
      %mul3A_91 = arith.constant 4 : i32
      %mul3A_92 = arith.muli %mul3A_91, %scan3A_90 : i32
      %add3A_93 = arith.constant 0 : i32
      %add3A_94 = arith.addi %mul3A_92, %add3A_93 : i32
      %lt3A = arith.constant 125 : i32
      %lt3A_95 = arith.cmpi slt, %add3A_94, %lt3A : i32
      %convert_element_type3A_96 = arith.extui %lt3A_95 : i1 to i32
      %cond3A_97 = arith.constant 0 : i32
      %cond3A_98 = arith.cmpi ne, %convert_element_type3A_96, %cond3A_97 : i32
      scf.if %cond3A_98 {
        %mul3A_191 = arith.constant 80 : i32
        %mul3A_192 = arith.muli %add3A_94, %mul3A_191 : i32
        %add3A_193 = arith.addi %mul3A_16, %mul3A_192 : i32
        %dma_wait3A = arith.constant 0 : i32
        %dma_wait3A_194 = arith.constant 0 : i32
        %dma_wait3A_195 = tpu.memref_slice %arg5[%dma_wait3A, %dma_wait3A_194] : memref<4x80xi32, #tpu.memory_space<vmem>> -> memref<1x80xi32, #tpu.memory_space<vmem>>
        %dma_wait3A_196 = tpu.memref_squeeze %dma_wait3A_195 : memref<1x80xi32, #tpu.memory_space<vmem>> -> memref<80xi32, #tpu.memory_space<vmem>>
        %dma_wait3A_197 = arith.constant 0 : i32
        %dma_wait3A_198 = tpu.memref_slice %arg3[%add3A, %add3A_94, %dma_wait3A_197] : memref<32x125x80xi32, #tpu.memory_space<hbm>> -> memref<1x1x80xi32, #tpu.memory_space<hbm>>
        %dma_wait3A_199 = tpu.memref_squeeze %dma_wait3A_198 : memref<1x1x80xi32, #tpu.memory_space<hbm>> -> memref<80xi32, #tpu.memory_space<hbm>>
        %dma_wait3A_200 = arith.constant 0 : i32
        %dma_wait3A_201 = tpu.memref_slice %arg5[%dma_wait3A, %dma_wait3A_200] : memref<4x80xi32, #tpu.memory_space<vmem>> -> memref<1x80xi32, #tpu.memory_space<vmem>>
        %dma_wait3A_202 = tpu.memref_squeeze %dma_wait3A_201 : memref<1x80xi32, #tpu.memory_space<vmem>> -> memref<80xi32, #tpu.memory_space<vmem>>
        %dma_wait3A_203 = arith.constant 0 : i32
        %dma_wait3A_204 = tpu.memref_slice %arg3[%add3A, %add3A_94, %dma_wait3A_203] : memref<32x125x80xi32, #tpu.memory_space<hbm>> -> memref<1x1x80xi32, #tpu.memory_space<hbm>>
        %dma_wait3A_205 = tpu.memref_squeeze %dma_wait3A_204 : memref<1x1x80xi32, #tpu.memory_space<hbm>> -> memref<80xi32, #tpu.memory_space<hbm>>
        tpu.wait_dma2 semaphore(%arg9 : memref<!tpu.dma_semaphore, #tpu.memory_space<semaphore_mem>>) src(%dma_wait3A_205 : memref<80xi32, #tpu.memory_space<hbm>>) dst(%dma_wait3A_202 : memref<80xi32, #tpu.memory_space<vmem>>)
        %dma_wait3A_206 = arith.constant 0 : i32
        %dma_wait3A_207 = arith.constant 0 : i32
        %dma_wait3A_208 = arith.constant 0 : i32
        %dma_wait3A_209 = tpu.memref_slice %arg6[%dma_wait3A_206, %dma_wait3A_207, %dma_wait3A_208] : memref<4x80x128xf32, #tpu.memory_space<vmem>> -> memref<1x80x128xf32, #tpu.memory_space<vmem>>
        %dma_wait3A_210 = tpu.memref_squeeze %dma_wait3A_209 : memref<1x80x128xf32, #tpu.memory_space<vmem>> -> memref<80x128xf32, #tpu.memory_space<vmem>>
        %dma_wait3A_211 = arith.constant 0 : i32
        %dma_wait3A_212 = tpu.memref_slice %arg2[%add3A_193, %dma_wait3A_211] : memref<320000x128xf32, #tpu.memory_space<hbm>> -> memref<80x128xf32, #tpu.memory_space<hbm>>
        %dma_wait3A_213 = arith.constant 0 : i32
        %dma_wait3A_214 = arith.constant 0 : i32
        %dma_wait3A_215 = tpu.memref_slice %arg6[%dma_wait3A_206, %dma_wait3A_213, %dma_wait3A_214] : memref<4x80x128xf32, #tpu.memory_space<vmem>> -> memref<1x80x128xf32, #tpu.memory_space<vmem>>
        %dma_wait3A_216 = tpu.memref_squeeze %dma_wait3A_215 : memref<1x80x128xf32, #tpu.memory_space<vmem>> -> memref<80x128xf32, #tpu.memory_space<vmem>>
        %dma_wait3A_217 = arith.constant 0 : i32
        %dma_wait3A_218 = tpu.memref_slice %arg2[%add3A_193, %dma_wait3A_217] : memref<320000x128xf32, #tpu.memory_space<hbm>> -> memref<80x128xf32, #tpu.memory_space<hbm>>
        tpu.wait_dma2 semaphore(%arg9 : memref<!tpu.dma_semaphore, #tpu.memory_space<semaphore_mem>>) src(%dma_wait3A_218 : memref<80x128xf32, #tpu.memory_space<hbm>>) dst(%dma_wait3A_216 : memref<80x128xf32, #tpu.memory_space<vmem>>)
        %dma_start3A_219 = arith.constant 0 : i32
        %dma_start3A_220 = arith.constant 0 : i32
        %dma_start3A_221 = arith.constant 0 : i32
        %dma_start3A_222 = arith.constant 0 : i32
        %dma_start3A_223 = tpu.memref_slice %arg6[%dma_start3A_219, %dma_start3A_221, %dma_start3A_222] : memref<4x80x128xf32, #tpu.memory_space<vmem>> -> memref<1x80x128xf32, #tpu.memory_space<vmem>>
        %dma_start3A_224 = tpu.memref_squeeze %dma_start3A_223 : memref<1x80x128xf32, #tpu.memory_space<vmem>> -> memref<80x128xf32, #tpu.memory_space<vmem>>
        %dma_start3A_225 = arith.constant 0 : i32
        %dma_start3A_226 = tpu.memref_slice %arg5[%dma_start3A_220, %dma_start3A_225] : memref<4x80xi32, #tpu.memory_space<vmem>> -> memref<1x80xi32, #tpu.memory_space<vmem>>
        %dma_start3A_227 = tpu.memref_squeeze %dma_start3A_226 : memref<1x80xi32, #tpu.memory_space<vmem>> -> memref<80xi32, #tpu.memory_space<vmem>>
        %dma_start3A_228 = arith.constant 0 : i32
        %dma_start3A_229 = arith.constant 0 : i32
        %dma_start3A_230 = tpu.memref_slice %arg8[%dma_start3A_228, %dma_start3A_229] : memref<10000x128xf32, #tpu.memory_space<vmem_shared>> -> memref<10000x128xf32, #tpu.memory_space<vmem_shared>>
        tpu.enqueue_indirect_dma source(%dma_start3A_224 : memref<80x128xf32, #tpu.memory_space<vmem>>) target(%dma_start3A_230 : memref<10000x128xf32, #tpu.memory_space<vmem_shared>>) offsets(%dma_start3A_227 : memref<80xi32, #tpu.memory_space<vmem>>) semaphore(%arg13 : memref<!tpu.dma_semaphore, #tpu.memory_space<semaphore_mem>>) {add = true}
      } else {
      }
      %ge3A = arith.constant 2 : i32
      %ge3A_99 = arith.cmpi sge, %add3A_94, %ge3A : i32
      %sub3A = arith.constant 2 : i32
      %sub3A_100 = arith.subi %add3A_94, %sub3A : i32
      %lt3A_101 = arith.constant 125 : i32
      %lt3A_102 = arith.cmpi slt, %sub3A_100, %lt3A_101 : i32
      %and3A = arith.andi %ge3A_99, %lt3A_102 : i1
      %convert_element_type3A_103 = arith.extui %and3A : i1 to i32
      %cond3A_104 = arith.constant 0 : i32
      %cond3A_105 = arith.cmpi ne, %convert_element_type3A_103, %cond3A_104 : i32
      scf.if %cond3A_105 {
        %dma_wait3A = arith.constant 2 : i32
        %dma_wait3A_191 = arith.constant 2 : i32
        %dma_wait3A_192 = arith.constant 0 : i32
        %dma_wait3A_193 = arith.constant 0 : i32
        %dma_wait3A_194 = tpu.memref_slice %arg6[%dma_wait3A, %dma_wait3A_192, %dma_wait3A_193] : memref<4x80x128xf32, #tpu.memory_space<vmem>> -> memref<1x80x128xf32, #tpu.memory_space<vmem>>
        %dma_wait3A_195 = tpu.memref_squeeze %dma_wait3A_194 : memref<1x80x128xf32, #tpu.memory_space<vmem>> -> memref<80x128xf32, #tpu.memory_space<vmem>>
        %dma_wait3A_196 = arith.constant 0 : i32
        %dma_wait3A_197 = tpu.memref_slice %arg5[%dma_wait3A_191, %dma_wait3A_196] : memref<4x80xi32, #tpu.memory_space<vmem>> -> memref<1x80xi32, #tpu.memory_space<vmem>>
        %dma_wait3A_198 = tpu.memref_squeeze %dma_wait3A_197 : memref<1x80xi32, #tpu.memory_space<vmem>> -> memref<80xi32, #tpu.memory_space<vmem>>
        %dma_wait3A_199 = arith.constant 0 : i32
        %dma_wait3A_200 = arith.constant 0 : i32
        %dma_wait3A_201 = tpu.memref_slice %arg8[%dma_wait3A_199, %dma_wait3A_200] : memref<10000x128xf32, #tpu.memory_space<vmem_shared>> -> memref<10000x128xf32, #tpu.memory_space<vmem_shared>>
        tpu.wait_indirect_dma semaphore(%arg15 : memref<!tpu.dma_semaphore, #tpu.memory_space<semaphore_mem>>) src(%dma_wait3A_195 : memref<80x128xf32, #tpu.memory_space<vmem>>) dst(%dma_wait3A_201 : memref<10000x128xf32, #tpu.memory_space<vmem_shared>>)
      } else {
      }
      %add3A_106 = arith.constant 2 : i32
      %add3A_107 = arith.addi %add3A_94, %add3A_106 : i32
      %lt3A_108 = arith.constant 125 : i32
      %lt3A_109 = arith.cmpi slt, %add3A_107, %lt3A_108 : i32
      %convert_element_type3A_110 = arith.extui %lt3A_109 : i1 to i32
      %cond3A_111 = arith.constant 0 : i32
      %cond3A_112 = arith.cmpi ne, %convert_element_type3A_110, %cond3A_111 : i32
      scf.if %cond3A_112 {
        %add3A_191 = arith.constant 2 : i32
        %add3A_192 = arith.addi %add3A_94, %add3A_191 : i32
        %mul3A_193 = arith.constant 80 : i32
        %mul3A_194 = arith.muli %add3A_192, %mul3A_193 : i32
        %add3A_195 = arith.addi %mul3A_16, %mul3A_194 : i32
        %dma_start3A_196 = arith.constant 2 : i32
        %dma_start3A_197 = arith.constant 0 : i32
        %dma_start3A_198 = tpu.memref_slice %arg5[%dma_start3A_196, %dma_start3A_197] : memref<4x80xi32, #tpu.memory_space<vmem>> -> memref<1x80xi32, #tpu.memory_space<vmem>>
        %dma_start3A_199 = tpu.memref_squeeze %dma_start3A_198 : memref<1x80xi32, #tpu.memory_space<vmem>> -> memref<80xi32, #tpu.memory_space<vmem>>
        %dma_start3A_200 = arith.constant 0 : i32
        %dma_start3A_201 = tpu.memref_slice %arg3[%add3A, %add3A_192, %dma_start3A_200] : memref<32x125x80xi32, #tpu.memory_space<hbm>> -> memref<1x1x80xi32, #tpu.memory_space<hbm>>
        %dma_start3A_202 = tpu.memref_squeeze %dma_start3A_201 : memref<1x1x80xi32, #tpu.memory_space<hbm>> -> memref<80xi32, #tpu.memory_space<hbm>>
        %dma_start3A_203 = arith.constant 0 : i32
        %dma_start3A_204 = tpu.memref_slice %arg5[%dma_start3A_196, %dma_start3A_203] : memref<4x80xi32, #tpu.memory_space<vmem>> -> memref<1x80xi32, #tpu.memory_space<vmem>>
        %dma_start3A_205 = tpu.memref_squeeze %dma_start3A_204 : memref<1x80xi32, #tpu.memory_space<vmem>> -> memref<80xi32, #tpu.memory_space<vmem>>
        %dma_start3A_206 = arith.constant 0 : i32
        %dma_start3A_207 = tpu.memref_slice %arg3[%add3A, %add3A_192, %dma_start3A_206] : memref<32x125x80xi32, #tpu.memory_space<hbm>> -> memref<1x1x80xi32, #tpu.memory_space<hbm>>
        %dma_start3A_208 = tpu.memref_squeeze %dma_start3A_207 : memref<1x1x80xi32, #tpu.memory_space<hbm>> -> memref<80xi32, #tpu.memory_space<hbm>>
        tpu.enqueue_dma source(%dma_start3A_208 : memref<80xi32, #tpu.memory_space<hbm>>) target(%dma_start3A_205 : memref<80xi32, #tpu.memory_space<vmem>>) target_semaphore(%arg11 : memref<!tpu.dma_semaphore, #tpu.memory_space<semaphore_mem>>)
        %dma_start3A_209 = arith.constant 2 : i32
        %dma_start3A_210 = arith.constant 0 : i32
        %dma_start3A_211 = arith.constant 0 : i32
        %dma_start3A_212 = tpu.memref_slice %arg6[%dma_start3A_209, %dma_start3A_210, %dma_start3A_211] : memref<4x80x128xf32, #tpu.memory_space<vmem>> -> memref<1x80x128xf32, #tpu.memory_space<vmem>>
        %dma_start3A_213 = tpu.memref_squeeze %dma_start3A_212 : memref<1x80x128xf32, #tpu.memory_space<vmem>> -> memref<80x128xf32, #tpu.memory_space<vmem>>
        %dma_start3A_214 = arith.constant 0 : i32
        %dma_start3A_215 = tpu.memref_slice %arg2[%add3A_195, %dma_start3A_214] : memref<320000x128xf32, #tpu.memory_space<hbm>> -> memref<80x128xf32, #tpu.memory_space<hbm>>
        %dma_start3A_216 = arith.constant 0 : i32
        %dma_start3A_217 = arith.constant 0 : i32
        %dma_start3A_218 = tpu.memref_slice %arg6[%dma_start3A_209, %dma_start3A_216, %dma_start3A_217] : memref<4x80x128xf32, #tpu.memory_space<vmem>> -> memref<1x80x128xf32, #tpu.memory_space<vmem>>
        %dma_start3A_219 = tpu.memref_squeeze %dma_start3A_218 : memref<1x80x128xf32, #tpu.memory_space<vmem>> -> memref<80x128xf32, #tpu.memory_space<vmem>>
        %dma_start3A_220 = arith.constant 0 : i32
        %dma_start3A_221 = tpu.memref_slice %arg2[%add3A_195, %dma_start3A_220] : memref<320000x128xf32, #tpu.memory_space<hbm>> -> memref<80x128xf32, #tpu.memory_space<hbm>>
        tpu.enqueue_dma source(%dma_start3A_221 : memref<80x128xf32, #tpu.memory_space<hbm>>) target(%dma_start3A_219 : memref<80x128xf32, #tpu.memory_space<vmem>>) target_semaphore(%arg11 : memref<!tpu.dma_semaphore, #tpu.memory_space<semaphore_mem>>)
      } else {
      }
      %mul3A_113 = arith.constant 4 : i32
      %mul3A_114 = arith.muli %mul3A_113, %scan3A_90 : i32
      %add3A_115 = arith.constant 1 : i32
      %add3A_116 = arith.addi %mul3A_114, %add3A_115 : i32
      %lt3A_117 = arith.constant 125 : i32
      %lt3A_118 = arith.cmpi slt, %add3A_116, %lt3A_117 : i32
      %convert_element_type3A_119 = arith.extui %lt3A_118 : i1 to i32
      %cond3A_120 = arith.constant 0 : i32
      %cond3A_121 = arith.cmpi ne, %convert_element_type3A_119, %cond3A_120 : i32
      scf.if %cond3A_121 {
        %mul3A_191 = arith.constant 80 : i32
        %mul3A_192 = arith.muli %add3A_116, %mul3A_191 : i32
        %add3A_193 = arith.addi %mul3A_16, %mul3A_192 : i32
        %dma_wait3A = arith.constant 1 : i32
        %dma_wait3A_194 = arith.constant 0 : i32
        %dma_wait3A_195 = tpu.memref_slice %arg5[%dma_wait3A, %dma_wait3A_194] : memref<4x80xi32, #tpu.memory_space<vmem>> -> memref<1x80xi32, #tpu.memory_space<vmem>>
        %dma_wait3A_196 = tpu.memref_squeeze %dma_wait3A_195 : memref<1x80xi32, #tpu.memory_space<vmem>> -> memref<80xi32, #tpu.memory_space<vmem>>
        %dma_wait3A_197 = arith.constant 0 : i32
        %dma_wait3A_198 = tpu.memref_slice %arg3[%add3A, %add3A_116, %dma_wait3A_197] : memref<32x125x80xi32, #tpu.memory_space<hbm>> -> memref<1x1x80xi32, #tpu.memory_space<hbm>>
        %dma_wait3A_199 = tpu.memref_squeeze %dma_wait3A_198 : memref<1x1x80xi32, #tpu.memory_space<hbm>> -> memref<80xi32, #tpu.memory_space<hbm>>
        %dma_wait3A_200 = arith.constant 0 : i32
        %dma_wait3A_201 = tpu.memref_slice %arg5[%dma_wait3A, %dma_wait3A_200] : memref<4x80xi32, #tpu.memory_space<vmem>> -> memref<1x80xi32, #tpu.memory_space<vmem>>
        %dma_wait3A_202 = tpu.memref_squeeze %dma_wait3A_201 : memref<1x80xi32, #tpu.memory_space<vmem>> -> memref<80xi32, #tpu.memory_space<vmem>>
        %dma_wait3A_203 = arith.constant 0 : i32
        %dma_wait3A_204 = tpu.memref_slice %arg3[%add3A, %add3A_116, %dma_wait3A_203] : memref<32x125x80xi32, #tpu.memory_space<hbm>> -> memref<1x1x80xi32, #tpu.memory_space<hbm>>
        %dma_wait3A_205 = tpu.memref_squeeze %dma_wait3A_204 : memref<1x1x80xi32, #tpu.memory_space<hbm>> -> memref<80xi32, #tpu.memory_space<hbm>>
        tpu.wait_dma2 semaphore(%arg10 : memref<!tpu.dma_semaphore, #tpu.memory_space<semaphore_mem>>) src(%dma_wait3A_205 : memref<80xi32, #tpu.memory_space<hbm>>) dst(%dma_wait3A_202 : memref<80xi32, #tpu.memory_space<vmem>>)
        %dma_wait3A_206 = arith.constant 1 : i32
        %dma_wait3A_207 = arith.constant 0 : i32
        %dma_wait3A_208 = arith.constant 0 : i32
        %dma_wait3A_209 = tpu.memref_slice %arg6[%dma_wait3A_206, %dma_wait3A_207, %dma_wait3A_208] : memref<4x80x128xf32, #tpu.memory_space<vmem>> -> memref<1x80x128xf32, #tpu.memory_space<vmem>>
        %dma_wait3A_210 = tpu.memref_squeeze %dma_wait3A_209 : memref<1x80x128xf32, #tpu.memory_space<vmem>> -> memref<80x128xf32, #tpu.memory_space<vmem>>
        %dma_wait3A_211 = arith.constant 0 : i32
        %dma_wait3A_212 = tpu.memref_slice %arg2[%add3A_193, %dma_wait3A_211] : memref<320000x128xf32, #tpu.memory_space<hbm>> -> memref<80x128xf32, #tpu.memory_space<hbm>>
        %dma_wait3A_213 = arith.constant 0 : i32
        %dma_wait3A_214 = arith.constant 0 : i32
        %dma_wait3A_215 = tpu.memref_slice %arg6[%dma_wait3A_206, %dma_wait3A_213, %dma_wait3A_214] : memref<4x80x128xf32, #tpu.memory_space<vmem>> -> memref<1x80x128xf32, #tpu.memory_space<vmem>>
        %dma_wait3A_216 = tpu.memref_squeeze %dma_wait3A_215 : memref<1x80x128xf32, #tpu.memory_space<vmem>> -> memref<80x128xf32, #tpu.memory_space<vmem>>
        %dma_wait3A_217 = arith.constant 0 : i32
        %dma_wait3A_218 = tpu.memref_slice %arg2[%add3A_193, %dma_wait3A_217] : memref<320000x128xf32, #tpu.memory_space<hbm>> -> memref<80x128xf32, #tpu.memory_space<hbm>>
        tpu.wait_dma2 semaphore(%arg10 : memref<!tpu.dma_semaphore, #tpu.memory_space<semaphore_mem>>) src(%dma_wait3A_218 : memref<80x128xf32, #tpu.memory_space<hbm>>) dst(%dma_wait3A_216 : memref<80x128xf32, #tpu.memory_space<vmem>>)
        %dma_start3A_219 = arith.constant 1 : i32
        %dma_start3A_220 = arith.constant 1 : i32
        %dma_start3A_221 = arith.constant 0 : i32
        %dma_start3A_222 = arith.constant 0 : i32
        %dma_start3A_223 = tpu.memref_slice %arg6[%dma_start3A_219, %dma_start3A_221, %dma_start3A_222] : memref<4x80x128xf32, #tpu.memory_space<vmem>> -> memref<1x80x128xf32, #tpu.memory_space<vmem>>
        %dma_start3A_224 = tpu.memref_squeeze %dma_start3A_223 : memref<1x80x128xf32, #tpu.memory_space<vmem>> -> memref<80x128xf32, #tpu.memory_space<vmem>>
        %dma_start3A_225 = arith.constant 0 : i32
        %dma_start3A_226 = tpu.memref_slice %arg5[%dma_start3A_220, %dma_start3A_225] : memref<4x80xi32, #tpu.memory_space<vmem>> -> memref<1x80xi32, #tpu.memory_space<vmem>>
        %dma_start3A_227 = tpu.memref_squeeze %dma_start3A_226 : memref<1x80xi32, #tpu.memory_space<vmem>> -> memref<80xi32, #tpu.memory_space<vmem>>
        %dma_start3A_228 = arith.constant 0 : i32
        %dma_start3A_229 = arith.constant 0 : i32
        %dma_start3A_230 = tpu.memref_slice %arg8[%dma_start3A_228, %dma_start3A_229] : memref<10000x128xf32, #tpu.memory_space<vmem_shared>> -> memref<10000x128xf32, #tpu.memory_space<vmem_shared>>
        tpu.enqueue_indirect_dma source(%dma_start3A_224 : memref<80x128xf32, #tpu.memory_space<vmem>>) target(%dma_start3A_230 : memref<10000x128xf32, #tpu.memory_space<vmem_shared>>) offsets(%dma_start3A_227 : memref<80xi32, #tpu.memory_space<vmem>>) semaphore(%arg14 : memref<!tpu.dma_semaphore, #tpu.memory_space<semaphore_mem>>) {add = true}
      } else {
      }
      %ge3A_122 = arith.constant 2 : i32
      %ge3A_123 = arith.cmpi sge, %add3A_116, %ge3A_122 : i32
      %sub3A_124 = arith.constant 2 : i32
      %sub3A_125 = arith.subi %add3A_116, %sub3A_124 : i32
      %lt3A_126 = arith.constant 125 : i32
      %lt3A_127 = arith.cmpi slt, %sub3A_125, %lt3A_126 : i32
      %and3A_128 = arith.andi %ge3A_123, %lt3A_127 : i1
      %convert_element_type3A_129 = arith.extui %and3A_128 : i1 to i32
      %cond3A_130 = arith.constant 0 : i32
      %cond3A_131 = arith.cmpi ne, %convert_element_type3A_129, %cond3A_130 : i32
      scf.if %cond3A_131 {
        %dma_wait3A = arith.constant 3 : i32
        %dma_wait3A_191 = arith.constant 3 : i32
        %dma_wait3A_192 = arith.constant 0 : i32
        %dma_wait3A_193 = arith.constant 0 : i32
        %dma_wait3A_194 = tpu.memref_slice %arg6[%dma_wait3A, %dma_wait3A_192, %dma_wait3A_193] : memref<4x80x128xf32, #tpu.memory_space<vmem>> -> memref<1x80x128xf32, #tpu.memory_space<vmem>>
        %dma_wait3A_195 = tpu.memref_squeeze %dma_wait3A_194 : memref<1x80x128xf32, #tpu.memory_space<vmem>> -> memref<80x128xf32, #tpu.memory_space<vmem>>
        %dma_wait3A_196 = arith.constant 0 : i32
        %dma_wait3A_197 = tpu.memref_slice %arg5[%dma_wait3A_191, %dma_wait3A_196] : memref<4x80xi32, #tpu.memory_space<vmem>> -> memref<1x80xi32, #tpu.memory_space<vmem>>
        %dma_wait3A_198 = tpu.memref_squeeze %dma_wait3A_197 : memref<1x80xi32, #tpu.memory_space<vmem>> -> memref<80xi32, #tpu.memory_space<vmem>>
        %dma_wait3A_199 = arith.constant 0 : i32
        %dma_wait3A_200 = arith.constant 0 : i32
        %dma_wait3A_201 = tpu.memref_slice %arg8[%dma_wait3A_199, %dma_wait3A_200] : memref<10000x128xf32, #tpu.memory_space<vmem_shared>> -> memref<10000x128xf32, #tpu.memory_space<vmem_shared>>
        tpu.wait_indirect_dma semaphore(%arg16 : memref<!tpu.dma_semaphore, #tpu.memory_space<semaphore_mem>>) src(%dma_wait3A_195 : memref<80x128xf32, #tpu.memory_space<vmem>>) dst(%dma_wait3A_201 : memref<10000x128xf32, #tpu.memory_space<vmem_shared>>)
      } else {
      }
      %add3A_132 = arith.constant 2 : i32
      %add3A_133 = arith.addi %add3A_116, %add3A_132 : i32
      %lt3A_134 = arith.constant 125 : i32
      %lt3A_135 = arith.cmpi slt, %add3A_133, %lt3A_134 : i32
      %convert_element_type3A_136 = arith.extui %lt3A_135 : i1 to i32
      %cond3A_137 = arith.constant 0 : i32
      %cond3A_138 = arith.cmpi ne, %convert_element_type3A_136, %cond3A_137 : i32
      scf.if %cond3A_138 {
        %add3A_191 = arith.constant 2 : i32
        %add3A_192 = arith.addi %add3A_116, %add3A_191 : i32
        %mul3A_193 = arith.constant 80 : i32
        %mul3A_194 = arith.muli %add3A_192, %mul3A_193 : i32
        %add3A_195 = arith.addi %mul3A_16, %mul3A_194 : i32
        %dma_start3A_196 = arith.constant 3 : i32
        %dma_start3A_197 = arith.constant 0 : i32
        %dma_start3A_198 = tpu.memref_slice %arg5[%dma_start3A_196, %dma_start3A_197] : memref<4x80xi32, #tpu.memory_space<vmem>> -> memref<1x80xi32, #tpu.memory_space<vmem>>
        %dma_start3A_199 = tpu.memref_squeeze %dma_start3A_198 : memref<1x80xi32, #tpu.memory_space<vmem>> -> memref<80xi32, #tpu.memory_space<vmem>>
        %dma_start3A_200 = arith.constant 0 : i32
        %dma_start3A_201 = tpu.memref_slice %arg3[%add3A, %add3A_192, %dma_start3A_200] : memref<32x125x80xi32, #tpu.memory_space<hbm>> -> memref<1x1x80xi32, #tpu.memory_space<hbm>>
        %dma_start3A_202 = tpu.memref_squeeze %dma_start3A_201 : memref<1x1x80xi32, #tpu.memory_space<hbm>> -> memref<80xi32, #tpu.memory_space<hbm>>
        %dma_start3A_203 = arith.constant 0 : i32
        %dma_start3A_204 = tpu.memref_slice %arg5[%dma_start3A_196, %dma_start3A_203] : memref<4x80xi32, #tpu.memory_space<vmem>> -> memref<1x80xi32, #tpu.memory_space<vmem>>
        %dma_start3A_205 = tpu.memref_squeeze %dma_start3A_204 : memref<1x80xi32, #tpu.memory_space<vmem>> -> memref<80xi32, #tpu.memory_space<vmem>>
        %dma_start3A_206 = arith.constant 0 : i32
        %dma_start3A_207 = tpu.memref_slice %arg3[%add3A, %add3A_192, %dma_start3A_206] : memref<32x125x80xi32, #tpu.memory_space<hbm>> -> memref<1x1x80xi32, #tpu.memory_space<hbm>>
        %dma_start3A_208 = tpu.memref_squeeze %dma_start3A_207 : memref<1x1x80xi32, #tpu.memory_space<hbm>> -> memref<80xi32, #tpu.memory_space<hbm>>
        tpu.enqueue_dma source(%dma_start3A_208 : memref<80xi32, #tpu.memory_space<hbm>>) target(%dma_start3A_205 : memref<80xi32, #tpu.memory_space<vmem>>) target_semaphore(%arg12 : memref<!tpu.dma_semaphore, #tpu.memory_space<semaphore_mem>>)
        %dma_start3A_209 = arith.constant 3 : i32
        %dma_start3A_210 = arith.constant 0 : i32
        %dma_start3A_211 = arith.constant 0 : i32
        %dma_start3A_212 = tpu.memref_slice %arg6[%dma_start3A_209, %dma_start3A_210, %dma_start3A_211] : memref<4x80x128xf32, #tpu.memory_space<vmem>> -> memref<1x80x128xf32, #tpu.memory_space<vmem>>
        %dma_start3A_213 = tpu.memref_squeeze %dma_start3A_212 : memref<1x80x128xf32, #tpu.memory_space<vmem>> -> memref<80x128xf32, #tpu.memory_space<vmem>>
        %dma_start3A_214 = arith.constant 0 : i32
        %dma_start3A_215 = tpu.memref_slice %arg2[%add3A_195, %dma_start3A_214] : memref<320000x128xf32, #tpu.memory_space<hbm>> -> memref<80x128xf32, #tpu.memory_space<hbm>>
        %dma_start3A_216 = arith.constant 0 : i32
        %dma_start3A_217 = arith.constant 0 : i32
        %dma_start3A_218 = tpu.memref_slice %arg6[%dma_start3A_209, %dma_start3A_216, %dma_start3A_217] : memref<4x80x128xf32, #tpu.memory_space<vmem>> -> memref<1x80x128xf32, #tpu.memory_space<vmem>>
        %dma_start3A_219 = tpu.memref_squeeze %dma_start3A_218 : memref<1x80x128xf32, #tpu.memory_space<vmem>> -> memref<80x128xf32, #tpu.memory_space<vmem>>
        %dma_start3A_220 = arith.constant 0 : i32
        %dma_start3A_221 = tpu.memref_slice %arg2[%add3A_195, %dma_start3A_220] : memref<320000x128xf32, #tpu.memory_space<hbm>> -> memref<80x128xf32, #tpu.memory_space<hbm>>
        tpu.enqueue_dma source(%dma_start3A_221 : memref<80x128xf32, #tpu.memory_space<hbm>>) target(%dma_start3A_219 : memref<80x128xf32, #tpu.memory_space<vmem>>) target_semaphore(%arg12 : memref<!tpu.dma_semaphore, #tpu.memory_space<semaphore_mem>>)
      } else {
      }
      %mul3A_139 = arith.constant 4 : i32
      %mul3A_140 = arith.muli %mul3A_139, %scan3A_90 : i32
      %add3A_141 = arith.constant 2 : i32
      %add3A_142 = arith.addi %mul3A_140, %add3A_141 : i32
      %lt3A_143 = arith.constant 125 : i32
      %lt3A_144 = arith.cmpi slt, %add3A_142, %lt3A_143 : i32
      %convert_element_type3A_145 = arith.extui %lt3A_144 : i1 to i32
      %cond3A_146 = arith.constant 0 : i32
      %cond3A_147 = arith.cmpi ne, %convert_element_type3A_145, %cond3A_146 : i32
      scf.if %cond3A_147 {
        %mul3A_191 = arith.constant 80 : i32
        %mul3A_192 = arith.muli %add3A_142, %mul3A_191 : i32
        %add3A_193 = arith.addi %mul3A_16, %mul3A_192 : i32
        %dma_wait3A = arith.constant 2 : i32
        %dma_wait3A_194 = arith.constant 0 : i32
        %dma_wait3A_195 = tpu.memref_slice %arg5[%dma_wait3A, %dma_wait3A_194] : memref<4x80xi32, #tpu.memory_space<vmem>> -> memref<1x80xi32, #tpu.memory_space<vmem>>
        %dma_wait3A_196 = tpu.memref_squeeze %dma_wait3A_195 : memref<1x80xi32, #tpu.memory_space<vmem>> -> memref<80xi32, #tpu.memory_space<vmem>>
        %dma_wait3A_197 = arith.constant 0 : i32
        %dma_wait3A_198 = tpu.memref_slice %arg3[%add3A, %add3A_142, %dma_wait3A_197] : memref<32x125x80xi32, #tpu.memory_space<hbm>> -> memref<1x1x80xi32, #tpu.memory_space<hbm>>
        %dma_wait3A_199 = tpu.memref_squeeze %dma_wait3A_198 : memref<1x1x80xi32, #tpu.memory_space<hbm>> -> memref<80xi32, #tpu.memory_space<hbm>>
        %dma_wait3A_200 = arith.constant 0 : i32
        %dma_wait3A_201 = tpu.memref_slice %arg5[%dma_wait3A, %dma_wait3A_200] : memref<4x80xi32, #tpu.memory_space<vmem>> -> memref<1x80xi32, #tpu.memory_space<vmem>>
        %dma_wait3A_202 = tpu.memref_squeeze %dma_wait3A_201 : memref<1x80xi32, #tpu.memory_space<vmem>> -> memref<80xi32, #tpu.memory_space<vmem>>
        %dma_wait3A_203 = arith.constant 0 : i32
        %dma_wait3A_204 = tpu.memref_slice %arg3[%add3A, %add3A_142, %dma_wait3A_203] : memref<32x125x80xi32, #tpu.memory_space<hbm>> -> memref<1x1x80xi32, #tpu.memory_space<hbm>>
        %dma_wait3A_205 = tpu.memref_squeeze %dma_wait3A_204 : memref<1x1x80xi32, #tpu.memory_space<hbm>> -> memref<80xi32, #tpu.memory_space<hbm>>
        tpu.wait_dma2 semaphore(%arg11 : memref<!tpu.dma_semaphore, #tpu.memory_space<semaphore_mem>>) src(%dma_wait3A_205 : memref<80xi32, #tpu.memory_space<hbm>>) dst(%dma_wait3A_202 : memref<80xi32, #tpu.memory_space<vmem>>)
        %dma_wait3A_206 = arith.constant 2 : i32
        %dma_wait3A_207 = arith.constant 0 : i32
        %dma_wait3A_208 = arith.constant 0 : i32
        %dma_wait3A_209 = tpu.memref_slice %arg6[%dma_wait3A_206, %dma_wait3A_207, %dma_wait3A_208] : memref<4x80x128xf32, #tpu.memory_space<vmem>> -> memref<1x80x128xf32, #tpu.memory_space<vmem>>
        %dma_wait3A_210 = tpu.memref_squeeze %dma_wait3A_209 : memref<1x80x128xf32, #tpu.memory_space<vmem>> -> memref<80x128xf32, #tpu.memory_space<vmem>>
        %dma_wait3A_211 = arith.constant 0 : i32
        %dma_wait3A_212 = tpu.memref_slice %arg2[%add3A_193, %dma_wait3A_211] : memref<320000x128xf32, #tpu.memory_space<hbm>> -> memref<80x128xf32, #tpu.memory_space<hbm>>
        %dma_wait3A_213 = arith.constant 0 : i32
        %dma_wait3A_214 = arith.constant 0 : i32
        %dma_wait3A_215 = tpu.memref_slice %arg6[%dma_wait3A_206, %dma_wait3A_213, %dma_wait3A_214] : memref<4x80x128xf32, #tpu.memory_space<vmem>> -> memref<1x80x128xf32, #tpu.memory_space<vmem>>
        %dma_wait3A_216 = tpu.memref_squeeze %dma_wait3A_215 : memref<1x80x128xf32, #tpu.memory_space<vmem>> -> memref<80x128xf32, #tpu.memory_space<vmem>>
        %dma_wait3A_217 = arith.constant 0 : i32
        %dma_wait3A_218 = tpu.memref_slice %arg2[%add3A_193, %dma_wait3A_217] : memref<320000x128xf32, #tpu.memory_space<hbm>> -> memref<80x128xf32, #tpu.memory_space<hbm>>
        tpu.wait_dma2 semaphore(%arg11 : memref<!tpu.dma_semaphore, #tpu.memory_space<semaphore_mem>>) src(%dma_wait3A_218 : memref<80x128xf32, #tpu.memory_space<hbm>>) dst(%dma_wait3A_216 : memref<80x128xf32, #tpu.memory_space<vmem>>)
        %dma_start3A_219 = arith.constant 2 : i32
        %dma_start3A_220 = arith.constant 2 : i32
        %dma_start3A_221 = arith.constant 0 : i32
        %dma_start3A_222 = arith.constant 0 : i32
        %dma_start3A_223 = tpu.memref_slice %arg6[%dma_start3A_219, %dma_start3A_221, %dma_start3A_222] : memref<4x80x128xf32, #tpu.memory_space<vmem>> -> memref<1x80x128xf32, #tpu.memory_space<vmem>>
        %dma_start3A_224 = tpu.memref_squeeze %dma_start3A_223 : memref<1x80x128xf32, #tpu.memory_space<vmem>> -> memref<80x128xf32, #tpu.memory_space<vmem>>
        %dma_start3A_225 = arith.constant 0 : i32
        %dma_start3A_226 = tpu.memref_slice %arg5[%dma_start3A_220, %dma_start3A_225] : memref<4x80xi32, #tpu.memory_space<vmem>> -> memref<1x80xi32, #tpu.memory_space<vmem>>
        %dma_start3A_227 = tpu.memref_squeeze %dma_start3A_226 : memref<1x80xi32, #tpu.memory_space<vmem>> -> memref<80xi32, #tpu.memory_space<vmem>>
        %dma_start3A_228 = arith.constant 0 : i32
        %dma_start3A_229 = arith.constant 0 : i32
        %dma_start3A_230 = tpu.memref_slice %arg8[%dma_start3A_228, %dma_start3A_229] : memref<10000x128xf32, #tpu.memory_space<vmem_shared>> -> memref<10000x128xf32, #tpu.memory_space<vmem_shared>>
        tpu.enqueue_indirect_dma source(%dma_start3A_224 : memref<80x128xf32, #tpu.memory_space<vmem>>) target(%dma_start3A_230 : memref<10000x128xf32, #tpu.memory_space<vmem_shared>>) offsets(%dma_start3A_227 : memref<80xi32, #tpu.memory_space<vmem>>) semaphore(%arg15 : memref<!tpu.dma_semaphore, #tpu.memory_space<semaphore_mem>>) {add = true}
      } else {
      }
      %ge3A_148 = arith.constant 2 : i32
      %ge3A_149 = arith.cmpi sge, %add3A_142, %ge3A_148 : i32
      %sub3A_150 = arith.constant 2 : i32
      %sub3A_151 = arith.subi %add3A_142, %sub3A_150 : i32
      %lt3A_152 = arith.constant 125 : i32
      %lt3A_153 = arith.cmpi slt, %sub3A_151, %lt3A_152 : i32
      %and3A_154 = arith.andi %ge3A_149, %lt3A_153 : i1
      %convert_element_type3A_155 = arith.extui %and3A_154 : i1 to i32
      %cond3A_156 = arith.constant 0 : i32
      %cond3A_157 = arith.cmpi ne, %convert_element_type3A_155, %cond3A_156 : i32
      scf.if %cond3A_157 {
        %dma_wait3A = arith.constant 0 : i32
        %dma_wait3A_191 = arith.constant 0 : i32
        %dma_wait3A_192 = arith.constant 0 : i32
        %dma_wait3A_193 = arith.constant 0 : i32
        %dma_wait3A_194 = tpu.memref_slice %arg6[%dma_wait3A, %dma_wait3A_192, %dma_wait3A_193] : memref<4x80x128xf32, #tpu.memory_space<vmem>> -> memref<1x80x128xf32, #tpu.memory_space<vmem>>
        %dma_wait3A_195 = tpu.memref_squeeze %dma_wait3A_194 : memref<1x80x128xf32, #tpu.memory_space<vmem>> -> memref<80x128xf32, #tpu.memory_space<vmem>>
        %dma_wait3A_196 = arith.constant 0 : i32
        %dma_wait3A_197 = tpu.memref_slice %arg5[%dma_wait3A_191, %dma_wait3A_196] : memref<4x80xi32, #tpu.memory_space<vmem>> -> memref<1x80xi32, #tpu.memory_space<vmem>>
        %dma_wait3A_198 = tpu.memref_squeeze %dma_wait3A_197 : memref<1x80xi32, #tpu.memory_space<vmem>> -> memref<80xi32, #tpu.memory_space<vmem>>
        %dma_wait3A_199 = arith.constant 0 : i32
        %dma_wait3A_200 = arith.constant 0 : i32
        %dma_wait3A_201 = tpu.memref_slice %arg8[%dma_wait3A_199, %dma_wait3A_200] : memref<10000x128xf32, #tpu.memory_space<vmem_shared>> -> memref<10000x128xf32, #tpu.memory_space<vmem_shared>>
        tpu.wait_indirect_dma semaphore(%arg13 : memref<!tpu.dma_semaphore, #tpu.memory_space<semaphore_mem>>) src(%dma_wait3A_195 : memref<80x128xf32, #tpu.memory_space<vmem>>) dst(%dma_wait3A_201 : memref<10000x128xf32, #tpu.memory_space<vmem_shared>>)
      } else {
      }
      %add3A_158 = arith.constant 2 : i32
      %add3A_159 = arith.addi %add3A_142, %add3A_158 : i32
      %lt3A_160 = arith.constant 125 : i32
      %lt3A_161 = arith.cmpi slt, %add3A_159, %lt3A_160 : i32
      %convert_element_type3A_162 = arith.extui %lt3A_161 : i1 to i32
      %cond3A_163 = arith.constant 0 : i32
      %cond3A_164 = arith.cmpi ne, %convert_element_type3A_162, %cond3A_163 : i32
      scf.if %cond3A_164 {
        %add3A_191 = arith.constant 2 : i32
        %add3A_192 = arith.addi %add3A_142, %add3A_191 : i32
        %mul3A_193 = arith.constant 80 : i32
        %mul3A_194 = arith.muli %add3A_192, %mul3A_193 : i32
        %add3A_195 = arith.addi %mul3A_16, %mul3A_194 : i32
        %dma_start3A_196 = arith.constant 0 : i32
        %dma_start3A_197 = arith.constant 0 : i32
        %dma_start3A_198 = tpu.memref_slice %arg5[%dma_start3A_196, %dma_start3A_197] : memref<4x80xi32, #tpu.memory_space<vmem>> -> memref<1x80xi32, #tpu.memory_space<vmem>>
        %dma_start3A_199 = tpu.memref_squeeze %dma_start3A_198 : memref<1x80xi32, #tpu.memory_space<vmem>> -> memref<80xi32, #tpu.memory_space<vmem>>
        %dma_start3A_200 = arith.constant 0 : i32
        %dma_start3A_201 = tpu.memref_slice %arg3[%add3A, %add3A_192, %dma_start3A_200] : memref<32x125x80xi32, #tpu.memory_space<hbm>> -> memref<1x1x80xi32, #tpu.memory_space<hbm>>
        %dma_start3A_202 = tpu.memref_squeeze %dma_start3A_201 : memref<1x1x80xi32, #tpu.memory_space<hbm>> -> memref<80xi32, #tpu.memory_space<hbm>>
        %dma_start3A_203 = arith.constant 0 : i32
        %dma_start3A_204 = tpu.memref_slice %arg5[%dma_start3A_196, %dma_start3A_203] : memref<4x80xi32, #tpu.memory_space<vmem>> -> memref<1x80xi32, #tpu.memory_space<vmem>>
        %dma_start3A_205 = tpu.memref_squeeze %dma_start3A_204 : memref<1x80xi32, #tpu.memory_space<vmem>> -> memref<80xi32, #tpu.memory_space<vmem>>
        %dma_start3A_206 = arith.constant 0 : i32
        %dma_start3A_207 = tpu.memref_slice %arg3[%add3A, %add3A_192, %dma_start3A_206] : memref<32x125x80xi32, #tpu.memory_space<hbm>> -> memref<1x1x80xi32, #tpu.memory_space<hbm>>
        %dma_start3A_208 = tpu.memref_squeeze %dma_start3A_207 : memref<1x1x80xi32, #tpu.memory_space<hbm>> -> memref<80xi32, #tpu.memory_space<hbm>>
        tpu.enqueue_dma source(%dma_start3A_208 : memref<80xi32, #tpu.memory_space<hbm>>) target(%dma_start3A_205 : memref<80xi32, #tpu.memory_space<vmem>>) target_semaphore(%arg9 : memref<!tpu.dma_semaphore, #tpu.memory_space<semaphore_mem>>)
        %dma_start3A_209 = arith.constant 0 : i32
        %dma_start3A_210 = arith.constant 0 : i32
        %dma_start3A_211 = arith.constant 0 : i32
        %dma_start3A_212 = tpu.memref_slice %arg6[%dma_start3A_209, %dma_start3A_210, %dma_start3A_211] : memref<4x80x128xf32, #tpu.memory_space<vmem>> -> memref<1x80x128xf32, #tpu.memory_space<vmem>>
        %dma_start3A_213 = tpu.memref_squeeze %dma_start3A_212 : memref<1x80x128xf32, #tpu.memory_space<vmem>> -> memref<80x128xf32, #tpu.memory_space<vmem>>
        %dma_start3A_214 = arith.constant 0 : i32
        %dma_start3A_215 = tpu.memref_slice %arg2[%add3A_195, %dma_start3A_214] : memref<320000x128xf32, #tpu.memory_space<hbm>> -> memref<80x128xf32, #tpu.memory_space<hbm>>
        %dma_start3A_216 = arith.constant 0 : i32
        %dma_start3A_217 = arith.constant 0 : i32
        %dma_start3A_218 = tpu.memref_slice %arg6[%dma_start3A_209, %dma_start3A_216, %dma_start3A_217] : memref<4x80x128xf32, #tpu.memory_space<vmem>> -> memref<1x80x128xf32, #tpu.memory_space<vmem>>
        %dma_start3A_219 = tpu.memref_squeeze %dma_start3A_218 : memref<1x80x128xf32, #tpu.memory_space<vmem>> -> memref<80x128xf32, #tpu.memory_space<vmem>>
        %dma_start3A_220 = arith.constant 0 : i32
        %dma_start3A_221 = tpu.memref_slice %arg2[%add3A_195, %dma_start3A_220] : memref<320000x128xf32, #tpu.memory_space<hbm>> -> memref<80x128xf32, #tpu.memory_space<hbm>>
        tpu.enqueue_dma source(%dma_start3A_221 : memref<80x128xf32, #tpu.memory_space<hbm>>) target(%dma_start3A_219 : memref<80x128xf32, #tpu.memory_space<vmem>>) target_semaphore(%arg9 : memref<!tpu.dma_semaphore, #tpu.memory_space<semaphore_mem>>)
      } else {
      }
      %mul3A_165 = arith.constant 4 : i32
      %mul3A_166 = arith.muli %mul3A_165, %scan3A_90 : i32
      %add3A_167 = arith.constant 3 : i32
      %add3A_168 = arith.addi %mul3A_166, %add3A_167 : i32
      %lt3A_169 = arith.constant 125 : i32
      %lt3A_170 = arith.cmpi slt, %add3A_168, %lt3A_169 : i32
      %convert_element_type3A_171 = arith.extui %lt3A_170 : i1 to i32
      %cond3A_172 = arith.constant 0 : i32
      %cond3A_173 = arith.cmpi ne, %convert_element_type3A_171, %cond3A_172 : i32
      scf.if %cond3A_173 {
        %mul3A_191 = arith.constant 80 : i32
        %mul3A_192 = arith.muli %add3A_168, %mul3A_191 : i32
        %add3A_193 = arith.addi %mul3A_16, %mul3A_192 : i32
        %dma_wait3A = arith.constant 3 : i32
        %dma_wait3A_194 = arith.constant 0 : i32
        %dma_wait3A_195 = tpu.memref_slice %arg5[%dma_wait3A, %dma_wait3A_194] : memref<4x80xi32, #tpu.memory_space<vmem>> -> memref<1x80xi32, #tpu.memory_space<vmem>>
        %dma_wait3A_196 = tpu.memref_squeeze %dma_wait3A_195 : memref<1x80xi32, #tpu.memory_space<vmem>> -> memref<80xi32, #tpu.memory_space<vmem>>
        %dma_wait3A_197 = arith.constant 0 : i32
        %dma_wait3A_198 = tpu.memref_slice %arg3[%add3A, %add3A_168, %dma_wait3A_197] : memref<32x125x80xi32, #tpu.memory_space<hbm>> -> memref<1x1x80xi32, #tpu.memory_space<hbm>>
        %dma_wait3A_199 = tpu.memref_squeeze %dma_wait3A_198 : memref<1x1x80xi32, #tpu.memory_space<hbm>> -> memref<80xi32, #tpu.memory_space<hbm>>
        %dma_wait3A_200 = arith.constant 0 : i32
        %dma_wait3A_201 = tpu.memref_slice %arg5[%dma_wait3A, %dma_wait3A_200] : memref<4x80xi32, #tpu.memory_space<vmem>> -> memref<1x80xi32, #tpu.memory_space<vmem>>
        %dma_wait3A_202 = tpu.memref_squeeze %dma_wait3A_201 : memref<1x80xi32, #tpu.memory_space<vmem>> -> memref<80xi32, #tpu.memory_space<vmem>>
        %dma_wait3A_203 = arith.constant 0 : i32
        %dma_wait3A_204 = tpu.memref_slice %arg3[%add3A, %add3A_168, %dma_wait3A_203] : memref<32x125x80xi32, #tpu.memory_space<hbm>> -> memref<1x1x80xi32, #tpu.memory_space<hbm>>
        %dma_wait3A_205 = tpu.memref_squeeze %dma_wait3A_204 : memref<1x1x80xi32, #tpu.memory_space<hbm>> -> memref<80xi32, #tpu.memory_space<hbm>>
        tpu.wait_dma2 semaphore(%arg12 : memref<!tpu.dma_semaphore, #tpu.memory_space<semaphore_mem>>) src(%dma_wait3A_205 : memref<80xi32, #tpu.memory_space<hbm>>) dst(%dma_wait3A_202 : memref<80xi32, #tpu.memory_space<vmem>>)
        %dma_wait3A_206 = arith.constant 3 : i32
        %dma_wait3A_207 = arith.constant 0 : i32
        %dma_wait3A_208 = arith.constant 0 : i32
        %dma_wait3A_209 = tpu.memref_slice %arg6[%dma_wait3A_206, %dma_wait3A_207, %dma_wait3A_208] : memref<4x80x128xf32, #tpu.memory_space<vmem>> -> memref<1x80x128xf32, #tpu.memory_space<vmem>>
        %dma_wait3A_210 = tpu.memref_squeeze %dma_wait3A_209 : memref<1x80x128xf32, #tpu.memory_space<vmem>> -> memref<80x128xf32, #tpu.memory_space<vmem>>
        %dma_wait3A_211 = arith.constant 0 : i32
        %dma_wait3A_212 = tpu.memref_slice %arg2[%add3A_193, %dma_wait3A_211] : memref<320000x128xf32, #tpu.memory_space<hbm>> -> memref<80x128xf32, #tpu.memory_space<hbm>>
        %dma_wait3A_213 = arith.constant 0 : i32
        %dma_wait3A_214 = arith.constant 0 : i32
        %dma_wait3A_215 = tpu.memref_slice %arg6[%dma_wait3A_206, %dma_wait3A_213, %dma_wait3A_214] : memref<4x80x128xf32, #tpu.memory_space<vmem>> -> memref<1x80x128xf32, #tpu.memory_space<vmem>>
        %dma_wait3A_216 = tpu.memref_squeeze %dma_wait3A_215 : memref<1x80x128xf32, #tpu.memory_space<vmem>> -> memref<80x128xf32, #tpu.memory_space<vmem>>
        %dma_wait3A_217 = arith.constant 0 : i32
        %dma_wait3A_218 = tpu.memref_slice %arg2[%add3A_193, %dma_wait3A_217] : memref<320000x128xf32, #tpu.memory_space<hbm>> -> memref<80x128xf32, #tpu.memory_space<hbm>>
        tpu.wait_dma2 semaphore(%arg12 : memref<!tpu.dma_semaphore, #tpu.memory_space<semaphore_mem>>) src(%dma_wait3A_218 : memref<80x128xf32, #tpu.memory_space<hbm>>) dst(%dma_wait3A_216 : memref<80x128xf32, #tpu.memory_space<vmem>>)
        %dma_start3A_219 = arith.constant 3 : i32
        %dma_start3A_220 = arith.constant 3 : i32
        %dma_start3A_221 = arith.constant 0 : i32
        %dma_start3A_222 = arith.constant 0 : i32
        %dma_start3A_223 = tpu.memref_slice %arg6[%dma_start3A_219, %dma_start3A_221, %dma_start3A_222] : memref<4x80x128xf32, #tpu.memory_space<vmem>> -> memref<1x80x128xf32, #tpu.memory_space<vmem>>
        %dma_start3A_224 = tpu.memref_squeeze %dma_start3A_223 : memref<1x80x128xf32, #tpu.memory_space<vmem>> -> memref<80x128xf32, #tpu.memory_space<vmem>>
        %dma_start3A_225 = arith.constant 0 : i32
        %dma_start3A_226 = tpu.memref_slice %arg5[%dma_start3A_220, %dma_start3A_225] : memref<4x80xi32, #tpu.memory_space<vmem>> -> memref<1x80xi32, #tpu.memory_space<vmem>>
        %dma_start3A_227 = tpu.memref_squeeze %dma_start3A_226 : memref<1x80xi32, #tpu.memory_space<vmem>> -> memref<80xi32, #tpu.memory_space<vmem>>
        %dma_start3A_228 = arith.constant 0 : i32
        %dma_start3A_229 = arith.constant 0 : i32
        %dma_start3A_230 = tpu.memref_slice %arg8[%dma_start3A_228, %dma_start3A_229] : memref<10000x128xf32, #tpu.memory_space<vmem_shared>> -> memref<10000x128xf32, #tpu.memory_space<vmem_shared>>
        tpu.enqueue_indirect_dma source(%dma_start3A_224 : memref<80x128xf32, #tpu.memory_space<vmem>>) target(%dma_start3A_230 : memref<10000x128xf32, #tpu.memory_space<vmem_shared>>) offsets(%dma_start3A_227 : memref<80xi32, #tpu.memory_space<vmem>>) semaphore(%arg16 : memref<!tpu.dma_semaphore, #tpu.memory_space<semaphore_mem>>) {add = true}
      } else {
      }
      %ge3A_174 = arith.constant 2 : i32
      %ge3A_175 = arith.cmpi sge, %add3A_168, %ge3A_174 : i32
      %sub3A_176 = arith.constant 2 : i32
      %sub3A_177 = arith.subi %add3A_168, %sub3A_176 : i32
      %lt3A_178 = arith.constant 125 : i32
      %lt3A_179 = arith.cmpi slt, %sub3A_177, %lt3A_178 : i32
      %and3A_180 = arith.andi %ge3A_175, %lt3A_179 : i1
      %convert_element_type3A_181 = arith.extui %and3A_180 : i1 to i32
      %cond3A_182 = arith.constant 0 : i32
      %cond3A_183 = arith.cmpi ne, %convert_element_type3A_181, %cond3A_182 : i32
      scf.if %cond3A_183 {
        %dma_wait3A = arith.constant 1 : i32
        %dma_wait3A_191 = arith.constant 1 : i32
        %dma_wait3A_192 = arith.constant 0 : i32
        %dma_wait3A_193 = arith.constant 0 : i32
        %dma_wait3A_194 = tpu.memref_slice %arg6[%dma_wait3A, %dma_wait3A_192, %dma_wait3A_193] : memref<4x80x128xf32, #tpu.memory_space<vmem>> -> memref<1x80x128xf32, #tpu.memory_space<vmem>>
        %dma_wait3A_195 = tpu.memref_squeeze %dma_wait3A_194 : memref<1x80x128xf32, #tpu.memory_space<vmem>> -> memref<80x128xf32, #tpu.memory_space<vmem>>
        %dma_wait3A_196 = arith.constant 0 : i32
        %dma_wait3A_197 = tpu.memref_slice %arg5[%dma_wait3A_191, %dma_wait3A_196] : memref<4x80xi32, #tpu.memory_space<vmem>> -> memref<1x80xi32, #tpu.memory_space<vmem>>
        %dma_wait3A_198 = tpu.memref_squeeze %dma_wait3A_197 : memref<1x80xi32, #tpu.memory_space<vmem>> -> memref<80xi32, #tpu.memory_space<vmem>>
        %dma_wait3A_199 = arith.constant 0 : i32
        %dma_wait3A_200 = arith.constant 0 : i32
        %dma_wait3A_201 = tpu.memref_slice %arg8[%dma_wait3A_199, %dma_wait3A_200] : memref<10000x128xf32, #tpu.memory_space<vmem_shared>> -> memref<10000x128xf32, #tpu.memory_space<vmem_shared>>
        tpu.wait_indirect_dma semaphore(%arg14 : memref<!tpu.dma_semaphore, #tpu.memory_space<semaphore_mem>>) src(%dma_wait3A_195 : memref<80x128xf32, #tpu.memory_space<vmem>>) dst(%dma_wait3A_201 : memref<10000x128xf32, #tpu.memory_space<vmem_shared>>)
      } else {
      }
      %add3A_184 = arith.constant 2 : i32
      %add3A_185 = arith.addi %add3A_168, %add3A_184 : i32
      %lt3A_186 = arith.constant 125 : i32
      %lt3A_187 = arith.cmpi slt, %add3A_185, %lt3A_186 : i32
      %convert_element_type3A_188 = arith.extui %lt3A_187 : i1 to i32
      %cond3A_189 = arith.constant 0 : i32
      %cond3A_190 = arith.cmpi ne, %convert_element_type3A_188, %cond3A_189 : i32
      scf.if %cond3A_190 {
        %add3A_191 = arith.constant 2 : i32
        %add3A_192 = arith.addi %add3A_168, %add3A_191 : i32
        %mul3A_193 = arith.constant 80 : i32
        %mul3A_194 = arith.muli %add3A_192, %mul3A_193 : i32
        %add3A_195 = arith.addi %mul3A_16, %mul3A_194 : i32
        %dma_start3A_196 = arith.constant 1 : i32
        %dma_start3A_197 = arith.constant 0 : i32
        %dma_start3A_198 = tpu.memref_slice %arg5[%dma_start3A_196, %dma_start3A_197] : memref<4x80xi32, #tpu.memory_space<vmem>> -> memref<1x80xi32, #tpu.memory_space<vmem>>
        %dma_start3A_199 = tpu.memref_squeeze %dma_start3A_198 : memref<1x80xi32, #tpu.memory_space<vmem>> -> memref<80xi32, #tpu.memory_space<vmem>>
        %dma_start3A_200 = arith.constant 0 : i32
        %dma_start3A_201 = tpu.memref_slice %arg3[%add3A, %add3A_192, %dma_start3A_200] : memref<32x125x80xi32, #tpu.memory_space<hbm>> -> memref<1x1x80xi32, #tpu.memory_space<hbm>>
        %dma_start3A_202 = tpu.memref_squeeze %dma_start3A_201 : memref<1x1x80xi32, #tpu.memory_space<hbm>> -> memref<80xi32, #tpu.memory_space<hbm>>
        %dma_start3A_203 = arith.constant 0 : i32
        %dma_start3A_204 = tpu.memref_slice %arg5[%dma_start3A_196, %dma_start3A_203] : memref<4x80xi32, #tpu.memory_space<vmem>> -> memref<1x80xi32, #tpu.memory_space<vmem>>
        %dma_start3A_205 = tpu.memref_squeeze %dma_start3A_204 : memref<1x80xi32, #tpu.memory_space<vmem>> -> memref<80xi32, #tpu.memory_space<vmem>>
        %dma_start3A_206 = arith.constant 0 : i32
        %dma_start3A_207 = tpu.memref_slice %arg3[%add3A, %add3A_192, %dma_start3A_206] : memref<32x125x80xi32, #tpu.memory_space<hbm>> -> memref<1x1x80xi32, #tpu.memory_space<hbm>>
        %dma_start3A_208 = tpu.memref_squeeze %dma_start3A_207 : memref<1x1x80xi32, #tpu.memory_space<hbm>> -> memref<80xi32, #tpu.memory_space<hbm>>
        tpu.enqueue_dma source(%dma_start3A_208 : memref<80xi32, #tpu.memory_space<hbm>>) target(%dma_start3A_205 : memref<80xi32, #tpu.memory_space<vmem>>) target_semaphore(%arg10 : memref<!tpu.dma_semaphore, #tpu.memory_space<semaphore_mem>>)
        %dma_start3A_209 = arith.constant 1 : i32
        %dma_start3A_210 = arith.constant 0 : i32
        %dma_start3A_211 = arith.constant 0 : i32
        %dma_start3A_212 = tpu.memref_slice %arg6[%dma_start3A_209, %dma_start3A_210, %dma_start3A_211] : memref<4x80x128xf32, #tpu.memory_space<vmem>> -> memref<1x80x128xf32, #tpu.memory_space<vmem>>
        %dma_start3A_213 = tpu.memref_squeeze %dma_start3A_212 : memref<1x80x128xf32, #tpu.memory_space<vmem>> -> memref<80x128xf32, #tpu.memory_space<vmem>>
        %dma_start3A_214 = arith.constant 0 : i32
        %dma_start3A_215 = tpu.memref_slice %arg2[%add3A_195, %dma_start3A_214] : memref<320000x128xf32, #tpu.memory_space<hbm>> -> memref<80x128xf32, #tpu.memory_space<hbm>>
        %dma_start3A_216 = arith.constant 0 : i32
        %dma_start3A_217 = arith.constant 0 : i32
        %dma_start3A_218 = tpu.memref_slice %arg6[%dma_start3A_209, %dma_start3A_216, %dma_start3A_217] : memref<4x80x128xf32, #tpu.memory_space<vmem>> -> memref<1x80x128xf32, #tpu.memory_space<vmem>>
        %dma_start3A_219 = tpu.memref_squeeze %dma_start3A_218 : memref<1x80x128xf32, #tpu.memory_space<vmem>> -> memref<80x128xf32, #tpu.memory_space<vmem>>
        %dma_start3A_220 = arith.constant 0 : i32
        %dma_start3A_221 = tpu.memref_slice %arg2[%add3A_195, %dma_start3A_220] : memref<320000x128xf32, #tpu.memory_space<hbm>> -> memref<80x128xf32, #tpu.memory_space<hbm>>
        tpu.enqueue_dma source(%dma_start3A_221 : memref<80x128xf32, #tpu.memory_space<hbm>>) target(%dma_start3A_219 : memref<80x128xf32, #tpu.memory_space<vmem>>) target_semaphore(%arg10 : memref<!tpu.dma_semaphore, #tpu.memory_space<semaphore_mem>>)
      } else {
      }
    }
    %scan3A_79 = arith.constant 32 : i32
    %barrier3A_80 = arith.constant 0 : index
    tpu.barrier barrier_id(%barrier3A_80)
    %mul3A_81 = arith.constant 624 : i32
    %mul3A_82 = arith.muli %arg1, %mul3A_81 : i32
    %mul3A_83 = arith.constant 624 : i32
    %mul3A_84 = arith.muli %arg1, %mul3A_83 : i32
    "tpu.region"() ({
      %run_scoped3A = tpu.sem_alloc : memref<!tpu.dma_semaphore, #tpu.memory_space<semaphore_mem>>
      %dma_start3A_90 = arith.constant 0 : i32
      %dma_start3A_91 = tpu.memref_slice %arg4[%arg0, %mul3A_84, %dma_start3A_90] : memref<2x10000x128xf32, #tpu.memory_space<hbm>> -> memref<1x624x128xf32, #tpu.memory_space<hbm>>
      %dma_start3A_92 = tpu.memref_squeeze %dma_start3A_91 : memref<1x624x128xf32, #tpu.memory_space<hbm>> -> memref<624x128xf32, #tpu.memory_space<hbm>>
      %dma_start3A_93 = arith.constant 0 : i32
      %dma_start3A_94 = tpu.memref_slice %arg8[%mul3A_82, %dma_start3A_93] : memref<10000x128xf32, #tpu.memory_space<vmem_shared>> -> memref<624x128xf32, #tpu.memory_space<vmem_shared>>
      tpu.enqueue_dma source(%dma_start3A_94 : memref<624x128xf32, #tpu.memory_space<vmem_shared>>) target(%dma_start3A_92 : memref<624x128xf32, #tpu.memory_space<hbm>>) target_semaphore(%run_scoped3A : memref<!tpu.dma_semaphore, #tpu.memory_space<semaphore_mem>>)
      %dma_wait3A = arith.constant 0 : i32
      %dma_wait3A_95 = tpu.memref_slice %arg4[%arg0, %mul3A_84, %dma_wait3A] : memref<2x10000x128xf32, #tpu.memory_space<hbm>> -> memref<1x624x128xf32, #tpu.memory_space<hbm>>
      %dma_wait3A_96 = tpu.memref_squeeze %dma_wait3A_95 : memref<1x624x128xf32, #tpu.memory_space<hbm>> -> memref<624x128xf32, #tpu.memory_space<hbm>>
      %dma_wait3A_97 = arith.constant 0 : i32
      %dma_wait3A_98 = tpu.memref_slice %arg8[%mul3A_82, %dma_wait3A_97] : memref<10000x128xf32, #tpu.memory_space<vmem_shared>> -> memref<624x128xf32, #tpu.memory_space<vmem_shared>>
      tpu.wait_dma2 semaphore(%run_scoped3A : memref<!tpu.dma_semaphore, #tpu.memory_space<semaphore_mem>>) src(%dma_wait3A_98 : memref<624x128xf32, #tpu.memory_space<vmem_shared>>) dst(%dma_wait3A_96 : memref<624x128xf32, #tpu.memory_space<hbm>>)
      tpu.yield
    }) : () -> ()
    %eq3A_85 = arith.constant 15 : i32
    %eq3A_86 = arith.cmpi eq, %arg1, %eq3A_85 : i32
    %convert_element_type3A_87 = arith.extui %eq3A_86 : i1 to i32
    %cond3A_88 = arith.constant 0 : i32
    %cond3A_89 = arith.cmpi ne, %convert_element_type3A_87, %cond3A_88 : i32
    scf.if %cond3A_89 {
      "tpu.region"() ({
        %run_scoped3A = tpu.sem_alloc : memref<!tpu.dma_semaphore, #tpu.memory_space<semaphore_mem>>
        %dma_start3A_90 = arith.constant 9984 : i32
        %dma_start3A_91 = arith.constant 0 : i32
        %dma_start3A_92 = tpu.memref_slice %arg4[%arg0, %dma_start3A_90, %dma_start3A_91] : memref<2x10000x128xf32, #tpu.memory_space<hbm>> -> memref<1x16x128xf32, #tpu.memory_space<hbm>>
        %dma_start3A_93 = tpu.memref_squeeze %dma_start3A_92 : memref<1x16x128xf32, #tpu.memory_space<hbm>> -> memref<16x128xf32, #tpu.memory_space<hbm>>
        %dma_start3A_94 = arith.constant 9984 : i32
        %dma_start3A_95 = arith.constant 0 : i32
        %dma_start3A_96 = tpu.memref_slice %arg8[%dma_start3A_94, %dma_start3A_95] : memref<10000x128xf32, #tpu.memory_space<vmem_shared>> -> memref<16x128xf32, #tpu.memory_space<vmem_shared>>
        tpu.enqueue_dma source(%dma_start3A_96 : memref<16x128xf32, #tpu.memory_space<vmem_shared>>) target(%dma_start3A_93 : memref<16x128xf32, #tpu.memory_space<hbm>>) target_semaphore(%run_scoped3A : memref<!tpu.dma_semaphore, #tpu.memory_space<semaphore_mem>>)
        %dma_wait3A = arith.constant 9984 : i32
        %dma_wait3A_97 = arith.constant 0 : i32
        %dma_wait3A_98 = tpu.memref_slice %arg4[%arg0, %dma_wait3A, %dma_wait3A_97] : memref<2x10000x128xf32, #tpu.memory_space<hbm>> -> memref<1x16x128xf32, #tpu.memory_space<hbm>>
        %dma_wait3A_99 = tpu.memref_squeeze %dma_wait3A_98 : memref<1x16x128xf32, #tpu.memory_space<hbm>> -> memref<16x128xf32, #tpu.memory_space<hbm>>
        %dma_wait3A_100 = arith.constant 9984 : i32
        %dma_wait3A_101 = arith.constant 0 : i32
        %dma_wait3A_102 = tpu.memref_slice %arg8[%dma_wait3A_100, %dma_wait3A_101] : memref<10000x128xf32, #tpu.memory_space<vmem_shared>> -> memref<16x128xf32, #tpu.memory_space<vmem_shared>>
        tpu.wait_dma2 semaphore(%run_scoped3A : memref<!tpu.dma_semaphore, #tpu.memory_space<semaphore_mem>>) src(%dma_wait3A_102 : memref<16x128xf32, #tpu.memory_space<vmem_shared>>) dst(%dma_wait3A_99 : memref<16x128xf32, #tpu.memory_space<hbm>>)
        tpu.yield
      }) : () -> ()
    } else {
    }
    return
  }
}

module attributes {stable_mosaic.version = 14 : i64} {
  func.func @_pq_body(%arg0: i32, %arg1: memref<2000x128xf32, #tpu.memory_space<vmem>>, %arg2: memref<128x128xf32, #tpu.memory_space<vmem>>, %arg3: memref<128x128xf32, #tpu.memory_space<vmem>>, %arg4: memref<2000x128xf32, #tpu.memory_space<vmem>>, %arg5: memref<2000x128xf32, #tpu.memory_space<vmem>>) attributes {dimension_semantics = [#tpu.dimension_semantics<arbitrary>], iteration_bounds = array<i64: 5>, scalar_prefetch = 0 : i64, scratch_operands = 0 : i64, tpu.core_type = #tpu.core_type<tc>, window_params = [{transform_indices = @transform_0, window_bounds = array<i64: 2000, 128>}, {pipeline_mode = #tpu.pipeline_mode<synchronous>, transform_indices = @transform_1, window_bounds = array<i64: 128, 128>}, {pipeline_mode = #tpu.pipeline_mode<synchronous>, transform_indices = @transform_2, window_bounds = array<i64: 128, 128>}, {transform_indices = @transform_3, window_bounds = array<i64: 2000, 128>}, {transform_indices = @transform_4, window_bounds = array<i64: 2000, 128>}]} {
    %get3A = arith.constant 0 : index
    %get3A_0 = arith.constant 0 : index
    %get3A_1 = vector.load %arg1[%get3A, %get3A_0] : memref<2000x128xf32, #tpu.memory_space<vmem>>, vector<2000x128xf32>
    %get3A_2 = arith.constant 0 : index
    %get3A_3 = arith.constant 0 : index
    %get3A_4 = vector.load %arg2[%get3A_2, %get3A_3] : memref<128x128xf32, #tpu.memory_space<vmem>>, vector<128x128xf32>
    %dot_general3A = arith.constant dense<0.000000e+00> : vector<2000x128xf32>
    %dot_general3A_5 = tpu.matmul %get3A_1, %get3A_4, %dot_general3A {dimension_numbers = #tpu.dot_dimension_numbers<[1], [0], [0], [1], [0, 0, 1, 1], [], []>, transpose_lhs_hint = false} : vector<2000x128xf32>, vector<128x128xf32>, vector<2000x128xf32> -> vector<2000x128xf32>
    %swap3A = arith.constant 0 : index
    %swap3A_6 = arith.constant 0 : index
    %swap3A_7 = vector.load %arg4[%swap3A, %swap3A_6] : memref<2000x128xf32, #tpu.memory_space<vmem>>, vector<2000x128xf32>
    tpu.vector_store %arg4[%swap3A, %swap3A_6], %dot_general3A_5 {strides = array<i32>} : memref<2000x128xf32, #tpu.memory_space<vmem>>, vector<2000x128xf32>,
    %get3A_8 = arith.constant 0 : index
    %get3A_9 = arith.constant 0 : index
    %get3A_10 = vector.load %arg3[%get3A_8, %get3A_9] : memref<128x128xf32, #tpu.memory_space<vmem>>, vector<128x128xf32>
    %dot_general3A_11 = arith.constant dense<0.000000e+00> : vector<2000x128xf32>
    %dot_general3A_12 = tpu.matmul %get3A_1, %get3A_10, %dot_general3A_11 {dimension_numbers = #tpu.dot_dimension_numbers<[1], [0], [0], [1], [0, 0, 1, 1], [], []>, transpose_lhs_hint = false} : vector<2000x128xf32>, vector<128x128xf32>, vector<2000x128xf32> -> vector<2000x128xf32>
    %swap3A_13 = arith.constant 0 : index
    %swap3A_14 = arith.constant 0 : index
    %swap3A_15 = vector.load %arg5[%swap3A_13, %swap3A_14] : memref<2000x128xf32, #tpu.memory_space<vmem>>, vector<2000x128xf32>
    tpu.vector_store %arg5[%swap3A_13, %swap3A_14], %dot_general3A_12 {strides = array<i32>} : memref<2000x128xf32, #tpu.memory_space<vmem>>, vector<2000x128xf32>,
    return
  }
  func.func @transform_0(%arg0: i32) -> (i32, i32) {
    %c0_i32 = arith.constant 0 : i32
    %c0_i32_0 = arith.constant 0 : i32
    return %arg0, %c0_i32 : i32, i32
  }
  func.func @transform_1(%arg0: i32) -> (i32, i32) {
    %c0_i32 = arith.constant 0 : i32
    %c0_i32_0 = arith.constant 0 : i32
    %c0_i32_1 = arith.constant 0 : i32
    return %c0_i32, %c0_i32_0 : i32, i32
  }
  func.func @transform_2(%arg0: i32) -> (i32, i32) {
    %c0_i32 = arith.constant 0 : i32
    %c0_i32_0 = arith.constant 0 : i32
    %c0_i32_1 = arith.constant 0 : i32
    return %c0_i32, %c0_i32_0 : i32, i32
  }
  func.func @transform_3(%arg0: i32) -> (i32, i32) {
    %c0_i32 = arith.constant 0 : i32
    %c0_i32_0 = arith.constant 0 : i32
    return %arg0, %c0_i32 : i32, i32
  }
  func.func @transform_4(%arg0: i32) -> (i32, i32) {
    %c0_i32 = arith.constant 0 : i32
    %c0_i32_0 = arith.constant 0 : i32
    return %arg0, %c0_i32 : i32, i32
  }
}

module attributes {stable_mosaic.version = 14 : i64} {
  func.func @_edge_body(%arg0: i32, %arg1: memref<2000x128xf32, #tpu.memory_space<vmem>>, %arg2: memref<2000x16xf32, #tpu.memory_space<vmem>>, %arg3: memref<16x128xf32, #tpu.memory_space<vmem>>, %arg4: memref<1x128xf32, #tpu.memory_space<vmem>>, %arg5: memref<128x128xf32, #tpu.memory_space<vmem>>, %arg6: memref<1x128xf32, #tpu.memory_space<vmem>>, %arg7: memref<2000x128xf32, #tpu.memory_space<vmem>>) attributes {dimension_semantics = [#tpu.dimension_semantics<arbitrary>], iteration_bounds = array<i64: 160>, scalar_prefetch = 0 : i64, scratch_operands = 0 : i64, tpu.core_type = #tpu.core_type<tc>, window_params = [{transform_indices = @transform_0, window_bounds = array<i64: 2000, 128>}, {transform_indices = @transform_1, window_bounds = array<i64: 2000, 16>}, {pipeline_mode = #tpu.pipeline_mode<synchronous>, transform_indices = @transform_2, window_bounds = array<i64: 16, 128>}, {pipeline_mode = #tpu.pipeline_mode<synchronous>, transform_indices = @transform_3, window_bounds = array<i64: 1, 128>}, {pipeline_mode = #tpu.pipeline_mode<synchronous>, transform_indices = @transform_4, window_bounds = array<i64: 128, 128>}, {pipeline_mode = #tpu.pipeline_mode<synchronous>, transform_indices = @transform_5, window_bounds = array<i64: 1, 128>}, {transform_indices = @transform_6, window_bounds = array<i64: 2000, 128>}]} {
    %get3A = arith.constant 0 : index
    %get3A_0 = arith.constant 0 : index
    %get3A_1 = vector.load %arg1[%get3A, %get3A_0] : memref<2000x128xf32, #tpu.memory_space<vmem>>, vector<2000x128xf32>
    %get3A_2 = arith.constant 0 : index
    %get3A_3 = arith.constant 0 : index
    %get3A_4 = vector.load %arg2[%get3A_2, %get3A_3] : memref<2000x16xf32, #tpu.memory_space<vmem>>, vector<2000x16xf32>
    %get3A_5 = arith.constant 0 : index
    %get3A_6 = arith.constant 0 : index
    %get3A_7 = vector.load %arg3[%get3A_5, %get3A_6] : memref<16x128xf32, #tpu.memory_space<vmem>>, vector<16x128xf32>
    %dot_general3A = arith.constant dense<0.000000e+00> : vector<2000x128xf32>
    %dot_general3A_8 = tpu.matmul %get3A_4, %get3A_7, %dot_general3A {dimension_numbers = #tpu.dot_dimension_numbers<[1], [0], [0], [1], [0, 0, 1, 1], [], []>, transpose_lhs_hint = false} : vector<2000x16xf32>, vector<16x128xf32>, vector<2000x128xf32> -> vector<2000x128xf32>
    %add3A = arith.addf %get3A_1, %dot_general3A_8 : vector<2000x128xf32>
    %get3A_9 = arith.constant 0 : index
    %get3A_10 = arith.constant 0 : index
    %get3A_11 = vector.load %arg4[%get3A_9, %get3A_10] : memref<1x128xf32, #tpu.memory_space<vmem>>, vector<1x128xf32>
    %add3A_12 = vector.broadcast %get3A_11 : vector<1x128xf32> to vector<2000x128xf32>
    %add3A_13 = arith.addf %add3A, %add3A_12 : vector<2000x128xf32>
    %neg3A = arith.constant 0.000000e+00 : f32
    %neg3A_14 = vector.broadcast %neg3A : f32 to vector<2000x128xf32>
    %neg3A_15 = arith.subf %neg3A_14, %add3A_13 : vector<2000x128xf32>
    %exp3A = math.exp %neg3A_15 : vector<2000x128xf32>
    %add3A_16 = arith.constant 1.000000e+00 : f32
    %add3A_17 = vector.broadcast %add3A_16 : f32 to vector<2000x128xf32>
    %add3A_18 = arith.addf %add3A_17, %exp3A : vector<2000x128xf32>
    %div3A = arith.constant 1.000000e+00 : f32
    %div3A_19 = vector.broadcast %div3A : f32 to vector<2000x128xf32>
    %div3A_20 = arith.divf %div3A_19, %add3A_18 : vector<2000x128xf32>
    %mul3A = arith.mulf %add3A_13, %div3A_20 : vector<2000x128xf32>
    %get3A_21 = arith.constant 0 : index
    %get3A_22 = arith.constant 0 : index
    %get3A_23 = vector.load %arg5[%get3A_21, %get3A_22] : memref<128x128xf32, #tpu.memory_space<vmem>>, vector<128x128xf32>
    %dot_general3A_24 = arith.constant dense<0.000000e+00> : vector<2000x128xf32>
    %dot_general3A_25 = tpu.matmul %mul3A, %get3A_23, %dot_general3A_24 {dimension_numbers = #tpu.dot_dimension_numbers<[1], [0], [0], [1], [0, 0, 1, 1], [], []>, transpose_lhs_hint = false} : vector<2000x128xf32>, vector<128x128xf32>, vector<2000x128xf32> -> vector<2000x128xf32>
    %get3A_26 = arith.constant 0 : index
    %get3A_27 = arith.constant 0 : index
    %get3A_28 = vector.load %arg6[%get3A_26, %get3A_27] : memref<1x128xf32, #tpu.memory_space<vmem>>, vector<1x128xf32>
    %add3A_29 = vector.broadcast %get3A_28 : vector<1x128xf32> to vector<2000x128xf32>
    %add3A_30 = arith.addf %dot_general3A_25, %add3A_29 : vector<2000x128xf32>
    %neg3A_31 = arith.constant 0.000000e+00 : f32
    %neg3A_32 = vector.broadcast %neg3A_31 : f32 to vector<2000x128xf32>
    %neg3A_33 = arith.subf %neg3A_32, %add3A_30 : vector<2000x128xf32>
    %exp3A_34 = math.exp %neg3A_33 : vector<2000x128xf32>
    %add3A_35 = arith.constant 1.000000e+00 : f32
    %add3A_36 = vector.broadcast %add3A_35 : f32 to vector<2000x128xf32>
    %add3A_37 = arith.addf %add3A_36, %exp3A_34 : vector<2000x128xf32>
    %div3A_38 = arith.constant 1.000000e+00 : f32
    %div3A_39 = vector.broadcast %div3A_38 : f32 to vector<2000x128xf32>
    %div3A_40 = arith.divf %div3A_39, %add3A_37 : vector<2000x128xf32>
    %mul3A_41 = arith.mulf %add3A_30, %div3A_40 : vector<2000x128xf32>
    %swap3A = arith.constant 0 : index
    %swap3A_42 = arith.constant 0 : index
    %swap3A_43 = vector.load %arg7[%swap3A, %swap3A_42] : memref<2000x128xf32, #tpu.memory_space<vmem>>, vector<2000x128xf32>
    tpu.vector_store %arg7[%swap3A, %swap3A_42], %mul3A_41 {strides = array<i32>} : memref<2000x128xf32, #tpu.memory_space<vmem>>, vector<2000x128xf32>,
    return
  }
  func.func @transform_0(%arg0: i32) -> (i32, i32) {
    %c0_i32 = arith.constant 0 : i32
    %c0_i32_0 = arith.constant 0 : i32
    return %arg0, %c0_i32 : i32, i32
  }
  func.func @transform_1(%arg0: i32) -> (i32, i32) {
    %c0_i32 = arith.constant 0 : i32
    %c0_i32_0 = arith.constant 0 : i32
    return %arg0, %c0_i32 : i32, i32
  }
  func.func @transform_2(%arg0: i32) -> (i32, i32) {
    %c0_i32 = arith.constant 0 : i32
    %c0_i32_0 = arith.constant 0 : i32
    %c0_i32_1 = arith.constant 0 : i32
    return %c0_i32, %c0_i32_0 : i32, i32
  }
  func.func @transform_3(%arg0: i32) -> (i32, i32) {
    %c0_i32 = arith.constant 0 : i32
    %c0_i32_0 = arith.constant 0 : i32
    %c0_i32_1 = arith.constant 0 : i32
    return %c0_i32, %c0_i32_0 : i32, i32
  }
  func.func @transform_4(%arg0: i32) -> (i32, i32) {
    %c0_i32 = arith.constant 0 : i32
    %c0_i32_0 = arith.constant 0 : i32
    %c0_i32_1 = arith.constant 0 : i32
    return %c0_i32, %c0_i32_0 : i32, i32
  }
  func.func @transform_5(%arg0: i32) -> (i32, i32) {
    %c0_i32 = arith.constant 0 : i32
    %c0_i32_0 = arith.constant 0 : i32
    %c0_i32_1 = arith.constant 0 : i32
    return %c0_i32, %c0_i32_0 : i32, i32
  }
  func.func @transform_6(%arg0: i32) -> (i32, i32) {
    %c0_i32 = arith.constant 0 : i32
    %c0_i32_0 = arith.constant 0 : i32
    return %arg0, %c0_i32 : i32, i32
  }
}

module attributes {stable_mosaic.version = 14 : i64} {
  func.func @_node_body(%arg0: i32, %arg1: memref<2000x128xf32, #tpu.memory_space<vmem>>, %arg2: memref<2x2000x128xf32, #tpu.memory_space<vmem>>, %arg3: memref<128x128xf32, #tpu.memory_space<vmem>>, %arg4: memref<128x128xf32, #tpu.memory_space<vmem>>, %arg5: memref<1x128xf32, #tpu.memory_space<vmem>>, %arg6: memref<128x128xf32, #tpu.memory_space<vmem>>, %arg7: memref<1x128xf32, #tpu.memory_space<vmem>>, %arg8: memref<2000x128xf32, #tpu.memory_space<vmem>>) attributes {dimension_semantics = [#tpu.dimension_semantics<arbitrary>], iteration_bounds = array<i64: 5>, scalar_prefetch = 0 : i64, scratch_operands = 0 : i64, tpu.core_type = #tpu.core_type<tc>, window_params = [{transform_indices = @transform_0, window_bounds = array<i64: 2000, 128>}, {transform_indices = @transform_1, window_bounds = array<i64: 2, 2000, 128>}, {pipeline_mode = #tpu.pipeline_mode<synchronous>, transform_indices = @transform_2, window_bounds = array<i64: 128, 128>}, {pipeline_mode = #tpu.pipeline_mode<synchronous>, transform_indices = @transform_3, window_bounds = array<i64: 128, 128>}, {pipeline_mode = #tpu.pipeline_mode<synchronous>, transform_indices = @transform_4, window_bounds = array<i64: 1, 128>}, {pipeline_mode = #tpu.pipeline_mode<synchronous>, transform_indices = @transform_5, window_bounds = array<i64: 128, 128>}, {pipeline_mode = #tpu.pipeline_mode<synchronous>, transform_indices = @transform_6, window_bounds = array<i64: 1, 128>}, {transform_indices = @transform_7, window_bounds = array<i64: 2000, 128>}]} {
    %get3A = arith.constant 0 : index
    %get3A_0 = arith.constant 0 : index
    %get3A_1 = arith.constant 0 : index
    %get3A_2 = vector.load %arg2[%get3A, %get3A_0, %get3A_1] : memref<2x2000x128xf32, #tpu.memory_space<vmem>>, vector<1x2000x128xf32>
    %get3A_3 = vector.shape_cast %get3A_2 : vector<1x2000x128xf32> to vector<2000x128xf32>
    %get3A_4 = arith.constant 1 : index
    %get3A_5 = arith.constant 0 : index
    %get3A_6 = arith.constant 0 : index
    %get3A_7 = vector.load %arg2[%get3A_4, %get3A_5, %get3A_6] : memref<2x2000x128xf32, #tpu.memory_space<vmem>>, vector<1x2000x128xf32>
    %get3A_8 = vector.shape_cast %get3A_7 : vector<1x2000x128xf32> to vector<2000x128xf32>
    %add3A = arith.addf %get3A_3, %get3A_8 : vector<2000x128xf32>
    %get3A_9 = arith.constant 0 : index
    %get3A_10 = arith.constant 0 : index
    %get3A_11 = vector.load %arg1[%get3A_9, %get3A_10] : memref<2000x128xf32, #tpu.memory_space<vmem>>, vector<2000x128xf32>
    %get3A_12 = arith.constant 0 : index
    %get3A_13 = arith.constant 0 : index
    %get3A_14 = vector.load %arg3[%get3A_12, %get3A_13] : memref<128x128xf32, #tpu.memory_space<vmem>>, vector<128x128xf32>
    %dot_general3A = arith.constant dense<0.000000e+00> : vector<2000x128xf32>
    %dot_general3A_15 = tpu.matmul %get3A_11, %get3A_14, %dot_general3A {dimension_numbers = #tpu.dot_dimension_numbers<[1], [0], [0], [1], [0, 0, 1, 1], [], []>, transpose_lhs_hint = false} : vector<2000x128xf32>, vector<128x128xf32>, vector<2000x128xf32> -> vector<2000x128xf32>
    %get3A_16 = arith.constant 0 : index
    %get3A_17 = arith.constant 0 : index
    %get3A_18 = vector.load %arg4[%get3A_16, %get3A_17] : memref<128x128xf32, #tpu.memory_space<vmem>>, vector<128x128xf32>
    %dot_general3A_19 = arith.constant dense<0.000000e+00> : vector<2000x128xf32>
    %dot_general3A_20 = tpu.matmul %add3A, %get3A_18, %dot_general3A_19 {dimension_numbers = #tpu.dot_dimension_numbers<[1], [0], [0], [1], [0, 0, 1, 1], [], []>, transpose_lhs_hint = false} : vector<2000x128xf32>, vector<128x128xf32>, vector<2000x128xf32> -> vector<2000x128xf32>
    %add3A_21 = arith.addf %dot_general3A_15, %dot_general3A_20 : vector<2000x128xf32>
    %get3A_22 = arith.constant 0 : index
    %get3A_23 = arith.constant 0 : index
    %get3A_24 = vector.load %arg5[%get3A_22, %get3A_23] : memref<1x128xf32, #tpu.memory_space<vmem>>, vector<1x128xf32>
    %add3A_25 = vector.broadcast %get3A_24 : vector<1x128xf32> to vector<2000x128xf32>
    %add3A_26 = arith.addf %add3A_21, %add3A_25 : vector<2000x128xf32>
    %neg3A = arith.constant 0.000000e+00 : f32
    %neg3A_27 = vector.broadcast %neg3A : f32 to vector<2000x128xf32>
    %neg3A_28 = arith.subf %neg3A_27, %add3A_26 : vector<2000x128xf32>
    %exp3A = math.exp %neg3A_28 : vector<2000x128xf32>
    %add3A_29 = arith.constant 1.000000e+00 : f32
    %add3A_30 = vector.broadcast %add3A_29 : f32 to vector<2000x128xf32>
    %add3A_31 = arith.addf %add3A_30, %exp3A : vector<2000x128xf32>
    %div3A = arith.constant 1.000000e+00 : f32
    %div3A_32 = vector.broadcast %div3A : f32 to vector<2000x128xf32>
    %div3A_33 = arith.divf %div3A_32, %add3A_31 : vector<2000x128xf32>
    %mul3A = arith.mulf %add3A_26, %div3A_33 : vector<2000x128xf32>
    %get3A_34 = arith.constant 0 : index
    %get3A_35 = arith.constant 0 : index
    %get3A_36 = vector.load %arg6[%get3A_34, %get3A_35] : memref<128x128xf32, #tpu.memory_space<vmem>>, vector<128x128xf32>
    %dot_general3A_37 = arith.constant dense<0.000000e+00> : vector<2000x128xf32>
    %dot_general3A_38 = tpu.matmul %mul3A, %get3A_36, %dot_general3A_37 {dimension_numbers = #tpu.dot_dimension_numbers<[1], [0], [0], [1], [0, 0, 1, 1], [], []>, transpose_lhs_hint = false} : vector<2000x128xf32>, vector<128x128xf32>, vector<2000x128xf32> -> vector<2000x128xf32>
    %get3A_39 = arith.constant 0 : index
    %get3A_40 = arith.constant 0 : index
    %get3A_41 = vector.load %arg7[%get3A_39, %get3A_40] : memref<1x128xf32, #tpu.memory_space<vmem>>, vector<1x128xf32>
    %add3A_42 = vector.broadcast %get3A_41 : vector<1x128xf32> to vector<2000x128xf32>
    %add3A_43 = arith.addf %dot_general3A_38, %add3A_42 : vector<2000x128xf32>
    %swap3A = arith.constant 0 : index
    %swap3A_44 = arith.constant 0 : index
    %swap3A_45 = vector.load %arg8[%swap3A, %swap3A_44] : memref<2000x128xf32, #tpu.memory_space<vmem>>, vector<2000x128xf32>
    tpu.vector_store %arg8[%swap3A, %swap3A_44], %add3A_43 {strides = array<i32>} : memref<2000x128xf32, #tpu.memory_space<vmem>>, vector<2000x128xf32>,
    return
  }
  func.func @transform_0(%arg0: i32) -> (i32, i32) {
    %c0_i32 = arith.constant 0 : i32
    %c0_i32_0 = arith.constant 0 : i32
    return %arg0, %c0_i32 : i32, i32
  }
  func.func @transform_1(%arg0: i32) -> (i32, i32, i32) {
    %c0_i32 = arith.constant 0 : i32
    %c0_i32_0 = arith.constant 0 : i32
    %c0_i32_1 = arith.constant 0 : i32
    return %c0_i32, %arg0, %c0_i32_0 : i32, i32, i32
  }
  func.func @transform_2(%arg0: i32) -> (i32, i32) {
    %c0_i32 = arith.constant 0 : i32
    %c0_i32_0 = arith.constant 0 : i32
    %c0_i32_1 = arith.constant 0 : i32
    return %c0_i32, %c0_i32_0 : i32, i32
  }
  func.func @transform_3(%arg0: i32) -> (i32, i32) {
    %c0_i32 = arith.constant 0 : i32
    %c0_i32_0 = arith.constant 0 : i32
    %c0_i32_1 = arith.constant 0 : i32
    return %c0_i32, %c0_i32_0 : i32, i32
  }
  func.func @transform_4(%arg0: i32) -> (i32, i32) {
    %c0_i32 = arith.constant 0 : i32
    %c0_i32_0 = arith.constant 0 : i32
    %c0_i32_1 = arith.constant 0 : i32
    return %c0_i32, %c0_i32_0 : i32, i32
  }
  func.func @transform_5(%arg0: i32) -> (i32, i32) {
    %c0_i32 = arith.constant 0 : i32
    %c0_i32_0 = arith.constant 0 : i32
    %c0_i32_1 = arith.constant 0 : i32
    return %c0_i32, %c0_i32_0 : i32, i32
  }
  func.func @transform_6(%arg0: i32) -> (i32, i32) {
    %c0_i32 = arith.constant 0 : i32
    %c0_i32_0 = arith.constant 0 : i32
    %c0_i32_1 = arith.constant 0 : i32
    return %c0_i32, %c0_i32_0 : i32, i32
  }
  func.func @transform_7(%arg0: i32) -> (i32, i32) {
    %c0_i32 = arith.constant 0 : i32
    %c0_i32_0 = arith.constant 0 : i32
    return %arg0, %c0_i32 : i32, i32
  }
}

</mosaic_0001>

<sc_bundles>
// kernel: kernel.10.cloned.1.call-start
scs
__scs_entry_jumppad:
0x0: {  	(pc) =	sbr.rel $0x88, $3  }
0x1: {  	(tag) =	ssettag $0x0;
	lr =	simm.s32 $0x1  }
0x2: {  	[smem:$0x3F96] =	sst lr;
	_ =	strace $0xD0000000  }
0x3: {  	_ = 	snop  }
0x4: {  	_ = 	snop  }
0x5: {  	_ = 	snop  }
0x6: {  	_ = 	snop  }
0x7: {  	_ = 	snop  }
__scs_overlays_trampoline_lowered:
0x8: {  	[smem:$0x3FA5] =	sst s0  }
0x9: {  	[smem:$0x3FA6] =	sst s1  }
0xa: {  	[smem:$0x3FA7] =	sst s2  }
0xb: {  	[smem:$0x3FA8] =	sst s3  }
0xc: {  	[smem:$0x3FA9] =	sst s4  }
0xd: {  	[smem:$0x3FAA] =	sst s5  }
0xe: {  	[smem:$0x3FAB] =	sst s6  }
0xf: {  	[smem:$0x3FAC] =	sst s7  }
0x10: {  	[smem:$0x3FAD] =	sst s8  }
0x11: {  	[smem:$0x3FAE] =	sst s9;
	s0 =	simm.s32 @!p0 $0x0  }
0x12: {  	s1 =	sld [smem:$0x3F94];
	s0 =	simm.s32 @p0 $0x1  }
0x13: {  	[smem:$0x3FAF] =	sst s0;
	s0 =	simm.s32 @!p1 $0x0  }
0x14: {  	s2 =	sld [smem:$0x3F93];
	s0 =	simm.s32 @p1 $0x1  }
0x15: {  	[smem:$0x3FB0] =	sst s0;
	s0 =	simm.s32 @!p2 $0x0  }
0x16: {  	s3 =	sld [smem:$0x3FDB];
	s0 =	simm.s32 @p2 $0x1  }
0x17: {  	s4 =	simm.s32 $0x1BF5;
	[smem:$0x3FB2] =	sst s0  }
0x18: {  	s0 =	sld [smem:$0x3F95];
	_ =	swait.ge [sflag:s4], $0x0  }
0x19: {  	s7 =	sld [smem:$0x3F96]  }
0x1a: {  	s8 =	sadd.s32 $0xFFFFE003, lr  }
0x1b: {  	s9 =	sadd.s32 $0xFFFFFEF7, lr;
	s5 =	simm.s32 $0xFFFFFFFF;
	p2 =	slt.u32 s8, $0xFFFFF086  }
0x1c: {  	p1 =	slt.u32 s9, $0xF7A;
	s5 =	simm.s32 @!p2 $0x0  }
0x1d: {  	s5 =	simm.s32 @p1 $0x1;
	p0 =	seq.s32 s7, s2  }
0x1e: {  	s7 =	smul.u32 @!p0 $0xF7A, s2;
	p2 =	seq.s32 @!p0 s5, $0x0  }
0x1f: {  	s9 =	smul.u32 $0xF7A, s1;
	s8 =	simm.s32 @!p0 $0x1BF5;
	p2 =	por !p2, p0  }
0x20: {  	[sflag:s8] =	ssyncset.s32 @!p0 $0xFFFFF086;
	s6 =	sadd.s32 @!p0 s3, s7;
	s7 =	simm.s32 @!p0 $0x108  }
0x21: {  	s3 =	sadd.s32 s3, s9;
	s6 =	sadd.s32 @!p0 $0x88, s6;
	s7 =	simm.s32 @p2 $0x1082  }
0x22: {  	[simem:s7], [sflag:s8] =	dma.local @!p0 [hbm:s6], $0xF7A  }
0x23: {  	s9 =	sor.u32 $0xD0000000, s2;
	s6 =	simm.s32 $0x108;
	_ =	swait.ge @!p0 [sflag:s8], $0x0  }
0x24: {  	s3 =	sadd.s32 $0x88, s3;
	s6 =	simm.s32 @!p1 $0x1082;
	[sflag:s4] =	ssyncset.s32 $0xFFFFF086  }
0x25: {  	[simem:s6], [sflag:s4] =	dma.local [hbm:s3], $0xF7A  }
0x26: {  	[smem:$0x3F96] =	sst s1;
	(tag) =	ssettag s2;
	_ =	strace s9  }
0x27: {  	s1 =	sld [smem:$0x3FA6]  }
0x28: {  	s2 =	sld [smem:$0x3FA7]  }
0x29: {  	s4 =	sld [smem:$0x3FA9]  }
0x2a: {  	p0 =	seq.s32 s5, $0x0;
	s5 =	sld [smem:$0x3FAA]  }
0x2b: {  	s6 =	sld [smem:$0x3FAB]  }
0x2c: {  	s7 =	sld [smem:$0x3FAC]  }
0x2d: {  	s3 =	simm.s32 $0x108;
	s8 =	sld [smem:$0x3FAD]  }
0x2e: {  	s3 =	simm.s32 @!p0 $0x1082;
	s9 =	sld [smem:$0x3FAE]  }
0x2f: {  	lr =	sadd.s32 s0, s3;
	s0 =	sld [smem:$0x3FA5]  }
0x30: {  	s3 =	sld [smem:$0x3FA8]  }
0x31: {  	[smem:$0x3FB1] =	sst s10  }
0x32: {  	s10 =	sld [smem:$0x3FAF];
	_ =	sdelay $0x3  }
0x33: {  	p0 =	seq.s32 s10, $0x1;
	s10 =	sld [smem:$0x3FB1];
	_ =	sdelay $0x3  }
0x34: {  	[smem:$0x3FB1] =	sst s10  }
0x35: {  	s10 =	sld [smem:$0x3FB0];
	_ =	sdelay $0x3  }
0x36: {  	p1 =	seq.s32 s10, $0x1;
	s10 =	sld [smem:$0x3FB1];
	_ =	sdelay $0x3  }
0x37: {  	[smem:$0x3FB1] =	sst s10  }
0x38: {  	s10 =	sld [smem:$0x3FB2]  }
0x39: {  	_ = 	snop;
	(pc) =	sbr.ind lr, $3  }
0x3a: {  	_ = 	snop  }
0x3b: {  	_ = 	snop  }
0x3c: {  	p2 =	seq.s32 s10, $0x1;
	s10 =	sld [smem:$0x3FB1]  }
0x3d: {  	_ =	shalt  }
0x3e: {  	_ =	shalt  }
0x3f: {  	_ =	shalt  }
0x40: {  	_ =	shalt  }
0x41: {  	_ =	shalt  }
0x42: {  	_ =	shalt  }
0x43: {  	_ =	shalt  }
0x44: {  	_ =	shalt  }
0x45: {  	_ =	shalt  }
0x46: {  	_ =	shalt  }
0x47: {  	_ =	shalt  }
0x48: {  	_ =	shalt  }
0x49: {  	_ =	shalt  }
0x4a: {  	_ =	shalt  }
0x4b: {  	_ =	shalt  }
0x4c: {  	_ =	shalt  }
0x4d: {  	_ =	shalt  }
0x4e: {  	_ =	shalt  }
0x4f: {  	_ =	shalt  }
0x50: {  	_ =	shalt  }
0x51: {  	_ =	shalt  }
0x52: {  	_ =	shalt  }
0x53: {  	_ =	shalt  }
0x54: {  	_ =	shalt  }
0x55: {  	_ =	shalt  }
0x56: {  	_ =	shalt  }
0x57: {  	_ =	shalt  }
0x58: {  	_ =	shalt  }
0x59: {  	_ =	shalt  }
0x5a: {  	_ =	shalt  }
0x5b: {  	_ =	shalt  }
0x5c: {  	_ =	shalt  }
0x5d: {  	_ =	shalt  }
0x5e: {  	_ =	shalt  }
0x5f: {  	_ =	shalt  }
0x60: {  	_ =	shalt  }
0x61: {  	_ =	shalt  }
0x62: {  	_ =	shalt  }
0x63: {  	_ =	shalt  }
0x64: {  	_ =	shalt  }
0x65: {  	_ =	shalt  }
0x66: {  	_ =	shalt  }
0x67: {  	_ =	shalt  }
0x68: {  	_ =	shalt  }
0x69: {  	_ =	shalt  }
0x6a: {  	_ =	shalt  }
0x6b: {  	_ =	shalt  }
0x6c: {  	_ =	shalt  }
0x6d: {  	_ =	shalt  }
0x6e: {  	_ =	shalt  }
0x6f: {  	_ =	shalt  }
0x70: {  	_ =	shalt  }
0x71: {  	_ =	shalt  }
0x72: {  	_ =	shalt  }
0x73: {  	_ =	shalt  }
0x74: {  	_ =	shalt  }
0x75: {  	_ =	shalt  }
0x76: {  	_ =	shalt  }
0x77: {  	_ =	shalt  }
0x78: {  	_ =	shalt  }
0x79: {  	_ =	shalt  }
0x7a: {  	_ =	shalt  }
0x7b: {  	_ =	shalt  }
0x7c: {  	_ =	shalt  }
0x7d: {  	_ =	shalt  }
0x7e: {  	_ =	shalt  }
0x7f: {  	_ =	shalt  }
0x80: {  	_ =	shalt  }
0x81: {  	_ =	shalt  }
0x82: {  	_ =	shalt  }
0x83: {  	_ =	shalt  }
0x84: {  	_ =	shalt  }
0x85: {  	_ =	shalt  }
0x86: {  	_ =	shalt  }
0x87: {  	_ =	shalt  }
.Lfunc_end0:
.L_simem_size_0:
called_computation.1_lowered:
.L_overlay_start_0:
0x88: {  	s2 =	sld [smem:$0x3FD9]  }
0x89: {  	s3 =	sld [smem:$0x3FFE];
	_ =	sdelay $0x1  }
0x8a: {  	s1 =	srdreg.scid  }
0x8b: {  	s0 =	sand.u32 $0x1, s1  }
0x8c: {  	s16 =	sshll.u32 s0, $0xA;
	s2 =	sadd.s32 s3, s2  }
0x8d: {  	s2 =	sadd.s32 s2, s16  }
0x8e: {  	[smem:$0x3FBD] =	sst s2  }
0x8f: {  	_ = 	snop  }
0x90: {  	(tm) =	ssettm $0x1  }
0x91: {  	s17 =	sld [smem:$0x3FFB];
	_ =	sdelay $0x3  }
0x92: {  	_ =	strace s17  }
0x93: {  	s2 =	sld [smem:$0x3FFC];
	_ =	sdelay $0x3  }
0x94: {  	_ =	strace s2  }
0x95: {  	s2 =	sld [smem:$0x3FFD];
	_ =	sdelay $0x3  }
0x96: {  	_ =	strace s2  }
0x97: {  	_ =	strace $0x8FFFFFFF  }
0x98: {  	s18 =	sld [smem:$0x3FDB];
	_ =	sdelay $0x1  }
0x99: {  	s19 =	simm.s32 $_scs_section_size  }
0x9a: {  	s4 =	simm.s32 $_size__tile_overlayer_lowered;
	s5 =	simm.s32 $_tile_overlayer_lowered  }
0x9b: {  	s22 =	simm.s32 $0x1BFF;
	s21 =	sshll.u32 s5, $0x1;
	s2 =	sadd.s32 s19, s18  }
0x9c: {  	s6 =	simm.s32 $0x0;
	s20 =	sshll.u32 s4, $0x1;
	s4 =	sadd.s32 s21, s2  }
0x9d: {  	[timem:s6], [sflag:s22] =	dma.local [hbm:s4], s20  }
0x9e: {  	_ =	swait.ge [sflag:s22], s20  }
0x9f: {  	s3 =	ssub.s32 $0x0, s20;
	[sflag:s22] =	ssyncset.done $0x0  }
0xa0: {  	[sflag:s22] =	ssyncadd.s32 s3;
	_ =	sdelay $0x1  }
0xa1: {  	s23 =	simm.s32 $0x1B8B  }
0xa2: {  	_ =	swait.ge [sflag:s23], $0x1  }
0xa3: {  	[sflag:s23] =	ssyncset.done $0x0  }
0xa4: {  	s25 =	simm.s32 $0x1B8E;
	s24 =	sld [smem:$0x3FFE];
	[sflag:s23] =	ssyncadd.s32 $0xFFFFFFFF  }
0xa5: {  	s26 =	simm.s32 $execute0_lowered;
	[smem:$0x3FD2] =	sst s25  }
0xa6: {  	s4 =	sshll.u32 s26, $0x1;
	_ =	strace $0x80000049;
	[dreg:$0x1] =	wrdreg $0xFFFFFFFF  }
0xa7: {  	s28 =	simm.s32 $_size_execute0_lowered;
	s2 =	sadd.s32 s2, s4;
	[dreg:$0x0] =	wrdreg $0x0  }
0xa8: {  	s4 =	sshll.u32 s28, $0x1;
	[dreg:$0x2] =	wrdreg s2  }
0xa9: {  	[dreg:$0x3] =	wrdreg s4  }
0xaa: {  	[dreg:$0x4] =	wrdreg $0xC0  }
0xab: {  	_ =	task [dreg:s6], $0x5FFFF  }
0xac: {  	[dreg:$0x1] =	wrdreg $0xFFFFFFFF  }
0xad: {  	[dreg:$0x0] =	wrdreg $0x60  }
0xae: {  	[dreg:$0x2] =	wrdreg s24  }
0xaf: {  	[dreg:$0x3] =	wrdreg $0xAA000  }
0xb0: {  	[dreg:$0x4] =	wrdreg $0x9  }
0xb1: {  	_ =	task.clear_ibuf [dreg:s6], $0x5FFFF;
	_ =	strace $0x90000049  }
0xb2: {  	s29 =	simm.s32 $0x9;
	_ =	strace $0x8000004B  }
0xb3: {  	_ =	swait.ge [sflag:s29], $0x1  }
0xb4: {  	[sflag:s29] =	ssyncadd.s32 $0xFFFFFFFF  }
0xb5: {  	_ =	strace $0x9000004B  }
0xb6: {  	_ =	sfence  }
0xb7: {  	s30 =	sld [smem:$0x0];
	_ =	sdelay $0x2  }
0xb8: {  	s31 =	sshll.u32 s1, $0xD;
	s1 =	sshrl.u32 s1, $0x2  }
0xb9: {  	s3 =	sand.u32 $0x4000, s31;
	s1 =	sadd.s32 s1, s30  }
0xba: {  	s0 =	sor.u32 s3, s0;
	s1 =	sshll.u32 s1, $0x11  }
0xbb: {  	s0 =	sor.u32 s1, s0  }
0xbc: {  	s0 =	sadd.s32 $0x8F2B, s0  }
0xbd: {  	[sflag:s0] =	ssyncadd.remote.s32 $0x1  }
0xbe: {  	_ =	sfence.sel $0xFFFF  }
0xbf: {  	[dreg:$0x0] =	wrdreg $0xFFFFFFFF;
	(pc) =	sbr.abs _section_cstart, $3  }
0xc0: {  	[dreg:$0x1] =	wrdreg $0xFFFFFFFF  }
0xc1: {  	_ =	task.clear_ibuf [dreg:s6], $0x2FFFF;
	_ =	strace $0x9FFFFFFF  }
0xc2: {  	(tm) =	ssettm $0x7FFFFFFF  }
0xc3: {  	_ =	shalt  }
tec
execute0_lowered:
.L_overlay_start_1:
0x0: {  	(tag) =	ssettag $0x1  }
0x1: {  	s0 =	rddreg [dreg:$0x0]  }
0x2: {  	s1 =	rddreg [dreg:$0x1]  }
0x3: {  	s2 =	simm.s32 $0x0;
	s3 =	srdreg.scid;
	s20 =	stileid.u32  }
0x4: {  	s19 =	simm.s32 $0x9;
	s23 =	simm.s32 $0x1;
	s24 =	simm.s32 $0x50  }
0x5: {  	s25 =	simm.s32 $0x180;
	s28 =	simm.s32 $0x5;
	s29 =	simm.s32 $0x0  }
0x6: {  	[smem:$0x7FF] =	sst s2;
	s4 =	sadd.s32 $0xA0D000, s0;
	s7 =	smul.u32 $0x4E000, s20  }
0x7: {  	s5 =	sadd.s32 $0x1E00, s0;
	s3 =	sand.u32 $0x1, s3;
	s15 =	smul.u32 $0x13800, s20  }
0x8: {  	s6 =	sshll.u32 s20, $0x1;
	s0 =	sadd.s32 $0x11E00, s0;
	s17 =	smul.u32 $0x4E200, s20  }
0x9: {  	p0 =	sne.s32 s20, $0xF;
	s20 =	simm.s32 $0x200;
	s14 =	smul.u32 $0x138800, s3  }
0xa: {  	s8 =	ssub.s32 $0x2, s3;
	s9 =	sor.u32 s3, s6;
	s3 =	smul.u32 $0x27100, s3  }
0xb: {  	_ =	strace $0x8000004A;
	s10 =	sshrl.u32 s8, $0x1;
	s6 =	smul.u32 $0x2710, s9  }
0xc: {  	s7 =	sshrl.u32 s7, $0x2;
	s11 =	smul.u32 $0x27100, s9;
	s26 =	sshll.u32 s9, $0xB  }
0xd: {  	s12 =	smul.u32 $0x138800, s9;
	s9 =	sshll.u32 s9, $0xE;
	s17 =	sadd.s32 s17, s4  }
0xe: {  	s16 =	ssub.s32 s8, s10;
	s7 =	sadd.s32 s7, s1;
	s8 =	sadd.s32 $0x138000, s1  }
0xf: {  	s10 =	sadd.s32 s5, s26;
	s15 =	sadd.s32 s15, s14;
	s18 =	sshrl.u32 s14, $0x3  }
0x10: {  	s3 =	sadd.s32 s3, s17;
	s26 =	simm.s32 $0x7A00;
	s11 =	sadd.s32 s4, s11  }
.Ltmp0:
0x11: {  	s13 =	sshrl.u32 s12, $0x3;
	s30 =	sadd.s32 $0x10, s10;
	(pc) =	sbr.rel .LBB2_1-.Ltmp0, $4  }
0x12: {  	s15 =	sshrl.u32 s15, $0x3;
	s16 =	smax.u32 s16, $0x1;
	[dreg:$0x3] =	wrdreg s11  }
0x13: {  	[dreg:$0x4] =	wrdreg s30;
	s13 =	sadd.s32 s4, s13;
	s14 =	sadd.s32 s0, s15  }
0x14: {  	s0 =	sadd.s32 s0, s18;
	s18 =	simm.s32 $0xA200;
	s31 =	sadd.s32 $0x500, s13  }
0x15: {  	v0 =	vimm.f32 $0.0e+00;
	s15 =	sadd.s32 $0x27000, s0;
	s0 =	sadd.s32 $0x1400, s3;
	[dreg:$0x5] =	wrdreg s31  }
.LBB2_9:
0x16: {  	s3 =	stileid.u32  }
0x17: {  	s3 =	sshll.u32 s3, $0x6  }
0x18: {  	[bflag:$0x0] =	sbarrier.arrive $0xFFFF;
	s11 =	sshrl.u32 s7, $0x3;
	s3 =	sor.u32 $0x1C09, s3  }
0x19: {  	[hbm:s14], [sflag:s3] =	dma.local [spmem:s11], $0x2700  }
0x1a: {  	_ =	swait.ge [sflag:s19], $0x2700  }
0x1b: {  	s29 =	sadd.s32 $0x1, s29;
	[sflag:s19] =	ssyncset.done $0x0  }
0x1c: {  	p1 =	sne.s32 s29, s16;
	s11 =	sshrl.u32 @!p0 s8, $0x3;
	[sflag:s19] =	ssyncadd.s32 $0xFFFFD900  }
0x1d: {  	[hbm:s15], [sflag:s3] =	dma.local @!p0 [spmem:s11], $0x100  }
.Ltmp1:
0x1e: {  	_ = 	snop;
	(pc) =	sbr.rel @!p1 .LBB2_10-.Ltmp1, $4  }
0x1f: {  	s3 =	simm.s32 @!p0 $0x9  }
0x20: {  	_ =	swait.ge @!p0 [sflag:s3], $0x100  }
0x21: {  	[sflag:s3] =	ssyncset.done @!p0 $0x0  }
0x22: {  	[sflag:s3] =	ssyncadd.s32 @!p0 $0xFFFFFF00  }
.LBB2_1:
0x23: {  	s3 =	simm.s32 $0x0;
	s17 =	simm.s32 $0x200  }
.LBB2_2:
0x24: {  	p1 =	sne.s32 s17, $0x1E00;
	[tilespmem:s3+$0xA270] =	vst v0  }
0x25: {  	[tilespmem:s3+$0xA200] =	vst v0  }
0x26: {  	[tilespmem:s3+$0xA210] =	vst v0  }
.Ltmp2:
0x27: {  	[tilespmem:s3+$0xA220] =	vst v0;
	(pc) =	sbr.rel @p1 .LBB2_2-.Ltmp2, $4  }
0x28: {  	[tilespmem:s3+$0xA230] =	vst v0  }
0x29: {  	[tilespmem:s3+$0xA240] =	vst v0  }
0x2a: {  	[tilespmem:s3+$0xA250] =	vst v0  }
0x2b: {  	[tilespmem:s3+$0xA260] =	vst v0;
	s3 =	sshra.s32 s17, $0x2;
	s17 =	sadd.s32 $0x200, s17  }
0x2c: {  	[tilespmem:s3+$0xA270] =	vst v0  }
0x2d: {  	[tilespmem:s3+$0xA200] =	vst v0  }
0x2e: {  	[tilespmem:s3+$0xA210] =	vst v0  }
0x2f: {  	[tilespmem:s3+$0xA220] =	vst v0  }
0x30: {  	[tilespmem:s3+$0xA230] =	vst v0  }
0x31: {  	[tilespmem:s3+$0xA240] =	vst v0  }
0x32: {  	[tilespmem:s3+$0xA250] =	vst v0  }
0x33: {  	[tilespmem:s3+$0xA260] =	vst v0;
	s31 =	sadd.s32 $0x0, s7  }
0x34: {  	[spmem:s31] =	stream.linear.scatter [tilespmem:s18], [sflag:$0x9], $0x800, $0x38;
	[tilespmem:$0x1E280] =	vst v63  }
0x35: {  	s3 =	simm.s32 $0x2000;
	_ =	swait.ge [sflag:s19], $0x800  }
.LBB2_4:
0x36: {  	s17 =	sshra.s32 s3, $0x2;
	[sflag:s19] =	ssyncset.done $0x0;
	p1 =	sne.s32 s3, $0x4C000  }
.Ltmp3:
0x37: {  	s17 =	sadd.s32 s17, s7;
	[sflag:s19] =	ssyncadd.s32 $0xFFFFF800;
	(pc) =	sbr.rel @p1 .LBB2_4-.Ltmp3, $3  }
0x38: {  	[spmem:s17] =	stream.linear.scatter [tilespmem:s18], [sflag:$0x9], $0x800, $0x38;
	[tilespmem:$0x1E280] =	vst v63  }
0x39: {  	s3 =	sadd.s32 $0x2000, s3;
	_ =	sdelay $0x1  }
0x3a: {  	_ =	swait.ge [sflag:s19], $0x800  }
0x3b: {  	[sflag:s19] =	ssyncset.done $0x0  }
0x3c: {  	s3 =	simm.s32 @!p0 $0xA200;
	[sflag:s19] =	ssyncadd.s32 $0xFFFFF800  }
0x3d: {  	[spmem:s8] =	stream.linear.scatter @!p0 [tilespmem:s3], [sflag:$0x9], $0x800, $0x38;
	[tilespmem:$0x1E280] =	vst v63  }
0x3e: {  	s3 =	simm.s32 @!p0 $0x9  }
0x3f: {  	_ =	swait.ge @!p0 [sflag:s3], $0x800  }
0x40: {  	[sflag:s3] =	ssyncset.done @!p0 $0x0  }
0x41: {  	[sflag:s3] =	ssyncadd.s32 @!p0 $0xFFFFF800  }
0x42: {  	s30 =	simm.s32 $0x0;
	[bflag:$0x0] =	sbarrier.arrive $0xFFFF  }
0x43: {  	[tilespmem:s30], [sflag:$0x1] =	stream.linear.gather [hbm4b:s10+s30], $0x80, $0x38;
	[tilespmem:$0x1E280] =	vst v63  }
0x44: {  	s13 =	rddreg [dreg:$0x3]  }
0x45: {  	[tilespmem:s20], [sflag:$0x1] =	stream.linear.gather [hbm4b:s13+s30], $0x2800, $0x38;
	[tilespmem:$0x1E280] =	vst v63  }
.Ltmp4:
0x46: {  	s11 =	simm.s32 $0x80;
	s17 =	rddreg [dreg:$0x4];
	(pc) =	sbr.rel .LBB2_6-.Ltmp4, $4  }
0x47: {  	[tilespmem:s11], [sflag:$0x2] =	stream.linear.gather [hbm4b:s17+s30], $0x80, $0x38;
	[tilespmem:$0x1E280] =	vst v63  }
0x48: {  	s22 =	simm.s32 $0x2A00;
	s21 =	rddreg [dreg:$0x5]  }
0x49: {  	[tilespmem:s22], [sflag:$0x2] =	stream.linear.gather [hbm4b:s21+s30], $0x2800, $0x38;
	[tilespmem:$0x1E280] =	vst v63  }
0x4a: {  	s31 =	simm.s32 $0x3;
	s17 =	smov.u32 s0;
	s21 =	simm.s32 $0x0  }
.LBB2_8:
0x4b: {  	s11 =	simm.s32 @!p2 $0x3  }
0x4c: {  	_ =	swait.ge @!p2 [sflag:s11], $0x80  }
0x4d: {  	[sflag:s11] =	ssyncset.done @!p2 $0x0  }
0x4e: {  	[sflag:s11] =	ssyncadd.s32 @!p2 $0xFFFFFF80  }
0x4f: {  	_ =	swait.ge @!p2 [sflag:s11], $0x2800  }
0x50: {  	[sflag:s11] =	ssyncset.done @!p2 $0x0  }
0x51: {  	[sflag:s11] =	ssyncadd.s32 @!p2 $0xFFFFD800;
	s11 =	simm.s32 @!p2 $0x50  }
0x52: {  	[spmem:s1] =	stream.indirect.scatter.add.f32 @!p2 [tilespmem:s3], [sflag:$0x7], $0x80, s22, s11, $0xb8;
	[tilespmem:$0x1E280] =	vst v63  }
0x53: {  	p2 =	seq.s32 s30, $0x3E00  }
0x54: {  	s3 =	sadd.s32 @!p2 $0x200, s30  }
0x55: {  	s11 =	sand.u32 @!p2 $0x7C00, s3  }
0x56: {  	s3 =	sand.u32 @!p2 $0x200, s3;
	s11 =	sadd.s32 @!p2 s9, s11  }
0x57: {  	_ =	swait.ge [sflag:s28], $0x2800;
	s3 =	sor.u32 @!p2 s3, s11  }
0x58: {  	[sflag:s28] =	ssyncset.done $0x0;
	s3 =	sshrl.u32 @!p2 s3, $0x3  }
0x59: {  	[sflag:s28] =	ssyncadd.s32 $0xFFFFD800;
	s11 =	simm.s32 @!p2 $0x0;
	s3 =	sadd.s32 @!p2 s5, s3  }
0x5a: {  	[tilespmem:s11], [sflag:$0x1] =	stream.linear.gather @!p2 [hbm4b:s3+s11], $0x80, $0x38;
	[tilespmem:$0x1E280] =	vst v63  }
0x5b: {  	s3 =	simm.s32 @!p2 $0x200  }
0x5c: {  	[tilespmem:s3], [sflag:$0x1] =	stream.linear.gather @!p2 [hbm4b:s17+s11], $0x2800, $0x38;
	[tilespmem:$0x1E280] =	vst v63  }
0x5d: {  	s3 =	simm.s32 @p3 $0x4  }
0x5e: {  	_ =	swait.ge @p3 [sflag:s3], $0x80  }
0x5f: {  	[sflag:s3] =	ssyncset.done @p3 $0x0  }
0x60: {  	[sflag:s3] =	ssyncadd.s32 @p3 $0xFFFFFF80  }
0x61: {  	s12 =	simm.s32 @p3 $0x7A00;
	_ =	swait.ge @p3 [sflag:s3], $0x2800  }
0x62: {  	s11 =	simm.s32 @p3 $0x180;
	p2 =	seq.s32 @!p1 s30, $0x3C00;
	[sflag:s3] =	ssyncset.done @p3 $0x0  }
0x63: {  	p2 =	por p2, p1;
	[sflag:s3] =	ssyncadd.s32 @p3 $0xFFFFD800;
	s3 =	simm.s32 @p3 $0x50  }
0x64: {  	[spmem:s1] =	stream.indirect.scatter.add.f32 @p3 [tilespmem:s12], [sflag:$0x8], $0x80, s11, s3, $0xb8;
	[tilespmem:$0x1E280] =	vst v63  }
0x65: {  	s21 =	sadd.s32 $0x1, s21;
	s3 =	sadd.s32 @!p2 $0x280, s30;
	s11 =	simm.s32 @!p1 $0x6  }
0x66: {  	s30 =	sadd.s32 $0x200, s30;
	s12 =	sand.u32 @!p2 $0x7C00, s3;
	_ =	swait.ge @!p1 [sflag:s11], $0x2800  }
0x67: {  	s3 =	sand.u32 @!p2 $0x280, s3;
	s12 =	sadd.s32 @!p2 s9, s12;
	[sflag:s11] =	ssyncset.done @!p1 $0x0  }
0x68: {  	s3 =	sor.u32 @!p2 s3, s12;
	[sflag:s11] =	ssyncadd.s32 @!p1 $0xFFFFD800;
	p1 =	sne.s32 s30, $0x4000  }
.Ltmp5:
0x69: {  	s31 =	sadd.s32 $0x4, s31;
	s3 =	sshrl.u32 @!p2 s3, $0x3;
	(pc) =	sbr.rel @!p1 .LBB2_9-.Ltmp5, $4  }
0x6a: {  	s11 =	simm.s32 @!p2 $0x0;
	s12 =	simm.s32 @!p2 $0x80;
	s3 =	sadd.s32 @!p2 s5, s3  }
0x6b: {  	[tilespmem:s12], [sflag:$0x2] =	stream.linear.gather @!p2 [hbm4b:s3+s11], $0x80, $0x38;
	[tilespmem:$0x1E280] =	vst v63  }
0x6c: {  	s3 =	sadd.s32 @!p2 $0x500, s17;
	s12 =	simm.s32 @!p2 $0x2A00;
	s17 =	sadd.s32 $0x1400, s17  }
0x6d: {  	[tilespmem:s12], [sflag:$0x2] =	stream.linear.gather @!p2 [hbm4b:s3+s11], $0x2800, $0x38;
	[tilespmem:$0x1E280] =	vst v63  }
.LBB2_6:
0x6e: {  	_ =	swait.ge [sflag:s23], $0x80  }
0x6f: {  	s3 =	sadd.s32 $0xFFFFFFFF, s31;
	[sflag:s23] =	ssyncset.done $0x0  }
0x70: {  	s22 =	sadd.s32 $0xFFFFFFFB, s31;
	p2 =	sgt.u32 s3, $0x7C;
	[sflag:s23] =	ssyncadd.s32 $0xFFFFFF80  }
0x71: {  	p1 =	sgt.u32 s22, $0x7C;
	s3 =	sadd.s32 @!p2 $0x100, s30;
	_ =	swait.ge [sflag:s23], $0x2800  }
0x72: {  	s11 =	sand.u32 @!p2 $0x3C00, s30;
	s3 =	sand.u32 @!p2 $0x300, s3;
	[sflag:s23] =	ssyncset.done $0x0  }
0x73: {  	s22 =	simm.s32 @!p1 $0x7;
	s3 =	sor.u32 @!p2 s3, s11;
	[sflag:s23] =	ssyncadd.s32 $0xFFFFD800  }
0x74: {  	[spmem:s1] =	stream.indirect.scatter.add.f32 [tilespmem:s20], [sflag:$0x5], $0x80, s2, s24, $0xb8;
	[tilespmem:$0x1E280] =	vst v63  }
0x75: {  	s3 =	sor.u32 @!p2 s9, s3;
	_ =	swait.ge @!p1 [sflag:s22], $0x2800  }
0x76: {  	s11 =	simm.s32 @!p2 $0x0;
	s3 =	sshrl.u32 @!p2 s3, $0x3;
	[sflag:s22] =	ssyncset.done @!p1 $0x0  }
0x77: {  	s3 =	sadd.s32 @!p2 s5, s3;
	[sflag:s22] =	ssyncadd.s32 @!p1 $0xFFFFD800;
	s22 =	simm.s32 @!p2 $0x100  }
0x78: {  	[tilespmem:s22], [sflag:$0x3] =	stream.linear.gather @!p2 [hbm4b:s3+s11], $0x80, $0x38;
	[tilespmem:$0x1E280] =	vst v63  }
0x79: {  	s12 =	sadd.s32 @!p2 $0xFFFFF600, s17;
	p1 =	sgt.u32 s21, $0x1E;
	s3 =	simm.s32 @!p2 $0x5200  }
0x7a: {  	[tilespmem:s3], [sflag:$0x3] =	stream.linear.gather @!p2 [hbm4b:s12+s11], $0x2800, $0x38;
	[tilespmem:$0x1E280] =	vst v63  }
0x7b: {  	s11 =	simm.s32 @!p1 $0x2  }
0x7c: {  	_ =	swait.ge @!p1 [sflag:s11], $0x80  }
0x7d: {  	[sflag:s11] =	ssyncset.done @!p1 $0x0  }
0x7e: {  	[sflag:s11] =	ssyncadd.s32 @!p1 $0xFFFFFF80  }
0x7f: {  	_ =	swait.ge @!p1 [sflag:s11], $0x2800  }
0x80: {  	s13 =	simm.s32 @!p1 $0x2A00;
	[sflag:s11] =	ssyncset.done @!p1 $0x0  }
0x81: {  	s12 =	simm.s32 @!p1 $0x80;
	[sflag:s11] =	ssyncadd.s32 @!p1 $0xFFFFD800;
	s11 =	simm.s32 @!p1 $0x50  }
0x82: {  	[spmem:s1] =	stream.indirect.scatter.add.f32 @!p1 [tilespmem:s13], [sflag:$0x6], $0x80, s12, s11, $0xb8;
	[tilespmem:$0x1E280] =	vst v63  }
0x83: {  	s11 =	sadd.s32 @!p1 $0xFFFFFFFC, s31  }
0x84: {  	p3 =	sgt.u32 @!p1 s11, $0x7C  }
0x85: {  	p4 =	por p1, !p3  }
0x86: {  	p3 =	sgt.u32 @p4 s31, $0x7C  }
0x87: {  	p5 =	por !p4, !p3  }
.Ltmp6:
0x88: {  	_ = 	snop;
	(pc) =	sbr.rel @!p5 .LBB2_8-.Ltmp6, $4  }
0x89: {  	s11 =	simm.s32 @p4 $0x8  }
0x8a: {  	_ =	swait.ge @p4 [sflag:s11], $0x2800  }
0x8b: {  	[sflag:s11] =	ssyncset.done @p4 $0x0  }
0x8c: {  	p3 =	por @p4 $0x0, $0x0;
	[sflag:s11] =	ssyncadd.s32 @p4 $0xFFFFD800  }
0x8d: {  	s11 =	smov.u32 s31  }
0x8e: {  	s11 =	simm.s32 @!p4 $0x3  }
0x8f: {  	s12 =	sshll.u32 s11, $0x7  }
0x90: {  	s13 =	sand.u32 $0x3C00, s30;
	s12 =	sand.u32 $0x380, s12  }
0x91: {  	s11 =	smul.u32 $0x50, s11;
	s12 =	sor.u32 s12, s13  }
0x92: {  	s12 =	sor.u32 s9, s12  }
.Ltmp7:
0x93: {  	s11 =	sadd.s32 s6, s11;
	s12 =	sshrl.u32 s12, $0x3;
	(pc) =	sbr.rel .LBB2_8-.Ltmp7, $4  }
0x94: {  	s11 =	sshll.u32 s11, $0x4;
	s12 =	sadd.s32 s5, s12  }
0x95: {  	[tilespmem:s25], [sflag:$0x4] =	stream.linear.gather [hbm4b:s12+s2], $0x80, $0x38;
	[tilespmem:$0x1E280] =	vst v63  }
0x96: {  	p3 =	por $0x1, $0x1;
	s11 =	sadd.s32 s4, s11  }
0x97: {  	[tilespmem:s26], [sflag:$0x4] =	stream.linear.gather [hbm4b:s11+s2], $0x2800, $0x38;
	[tilespmem:$0x1E280] =	vst v63  }
.LBB2_10:
0x98: {  	_ =	sfence.sel $0x180000  }
0x99: {  	[bflag:$0x0] =	sbarrier.arrive $0xFFFF  }
0x9a: {  	_ =	strace $0x9000004A  }
0x9b: {  	s0 =	stileid.u32;
	[bflag:$0x2] =	sbarrier.arrive $0xFFFF  }
0x9c: {  	p0 =	sne.s32 s0, $0x0;
	s0 =	rddreg [dreg:$0x2]  }
0x9d: {  	s0 =	sadd.s32 @!p0 $0x100000, s0  }
0x9e: {  	[sflag:s0] =	ssyncadd.tile.s32 @!p0 $0x1;
	_ =	shalt  }
.Lfunc_end2:
_tile_overlayer_lowered:
.L_overlay_start_2:
0x9f: {  	(tag) =	ssettag $0x2  }
0xa0: {  	s0 =	rddreg [dreg:$0x0];
	s2 =	stileid.u32  }
0xa1: {  	s1 =	rddreg [dreg:$0x1];
	p0 =	sne.s32 s2, $0x0  }
0xa2: {  	s3 =	rddreg [dreg:$0x2];
	[bflag:$0x3] =	sbarrier.arrive $0xFFFF;
	s2 =	simm.s32 @!p0 $0x1C09  }
0xa3: {  	[timem:s3], [sflag:s2] =	dma.local @!p0 [hbm:s0], s1  }
0xa4: {  	s0 =	simm.s32 @!p0 $0x9  }
0xa5: {  	_ =	swait.ge @!p0 [sflag:s0], s1  }
0xa6: {  	s1 =	ssub.s32 @!p0 $0x0, s1;
	[sflag:s0] =	ssyncset.done @!p0 $0x0  }
0xa7: {  	[sflag:s0] =	ssyncadd.s32 @!p0 s1  }
0xa8: {  	[bflag:$0x3] =	sbarrier.arrive $0xFFFF  }
0xa9: {  	_ =	shalt  }

// kernel: kernel.7.cloned.1.call-start
scs
__scs_entry_jumppad:
0x0: {  	(pc) =	sbr.rel $0x88, $3  }
0x1: {  	(tag) =	ssettag $0x0;
	lr =	simm.s32 $0x1  }
0x2: {  	[smem:$0x3F96] =	sst lr;
	_ =	strace $0xD0000000  }
0x3: {  	_ = 	snop  }
0x4: {  	_ = 	snop  }
0x5: {  	_ = 	snop  }
0x6: {  	_ = 	snop  }
0x7: {  	_ = 	snop  }
__scs_overlays_trampoline_lowered:
0x8: {  	[smem:$0x3FA5] =	sst s0  }
0x9: {  	[smem:$0x3FA6] =	sst s1  }
0xa: {  	[smem:$0x3FA7] =	sst s2  }
0xb: {  	[smem:$0x3FA8] =	sst s3  }
0xc: {  	[smem:$0x3FA9] =	sst s4  }
0xd: {  	[smem:$0x3FAA] =	sst s5  }
0xe: {  	[smem:$0x3FAB] =	sst s6  }
0xf: {  	[smem:$0x3FAC] =	sst s7  }
0x10: {  	[smem:$0x3FAD] =	sst s8  }
0x11: {  	[smem:$0x3FAE] =	sst s9;
	s0 =	simm.s32 @!p0 $0x0  }
0x12: {  	s1 =	sld [smem:$0x3F94];
	s0 =	simm.s32 @p0 $0x1  }
0x13: {  	[smem:$0x3FAF] =	sst s0;
	s0 =	simm.s32 @!p1 $0x0  }
0x14: {  	s2 =	sld [smem:$0x3F93];
	s0 =	simm.s32 @p1 $0x1  }
0x15: {  	[smem:$0x3FB0] =	sst s0;
	s0 =	simm.s32 @!p2 $0x0  }
0x16: {  	s3 =	sld [smem:$0x3FDB];
	s0 =	simm.s32 @p2 $0x1  }
0x17: {  	s4 =	simm.s32 $0x1BF5;
	[smem:$0x3FB2] =	sst s0  }
0x18: {  	s0 =	sld [smem:$0x3F95];
	_ =	swait.ge [sflag:s4], $0x0  }
0x19: {  	s7 =	sld [smem:$0x3F96]  }
0x1a: {  	s8 =	sadd.s32 $0xFFFFE003, lr  }
0x1b: {  	s9 =	sadd.s32 $0xFFFFFEF7, lr;
	s5 =	simm.s32 $0xFFFFFFFF;
	p2 =	slt.u32 s8, $0xFFFFF086  }
0x1c: {  	p1 =	slt.u32 s9, $0xF7A;
	s5 =	simm.s32 @!p2 $0x0  }
0x1d: {  	s5 =	simm.s32 @p1 $0x1;
	p0 =	seq.s32 s7, s2  }
0x1e: {  	s7 =	smul.u32 @!p0 $0xF7A, s2;
	p2 =	seq.s32 @!p0 s5, $0x0  }
0x1f: {  	s9 =	smul.u32 $0xF7A, s1;
	s8 =	simm.s32 @!p0 $0x1BF5;
	p2 =	por !p2, p0  }
0x20: {  	[sflag:s8] =	ssyncset.s32 @!p0 $0xFFFFF086;
	s6 =	sadd.s32 @!p0 s3, s7;
	s7 =	simm.s32 @!p0 $0x108  }
0x21: {  	s3 =	sadd.s32 s3, s9;
	s6 =	sadd.s32 @!p0 $0x88, s6;
	s7 =	simm.s32 @p2 $0x1082  }
0x22: {  	[simem:s7], [sflag:s8] =	dma.local @!p0 [hbm:s6], $0xF7A  }
0x23: {  	s9 =	sor.u32 $0xD0000000, s2;
	s6 =	simm.s32 $0x108;
	_ =	swait.ge @!p0 [sflag:s8], $0x0  }
0x24: {  	s3 =	sadd.s32 $0x88, s3;
	s6 =	simm.s32 @!p1 $0x1082;
	[sflag:s4] =	ssyncset.s32 $0xFFFFF086  }
0x25: {  	[simem:s6], [sflag:s4] =	dma.local [hbm:s3], $0xF7A  }
0x26: {  	[smem:$0x3F96] =	sst s1;
	(tag) =	ssettag s2;
	_ =	strace s9  }
0x27: {  	s1 =	sld [smem:$0x3FA6]  }
0x28: {  	s2 =	sld [smem:$0x3FA7]  }
0x29: {  	s4 =	sld [smem:$0x3FA9]  }
0x2a: {  	p0 =	seq.s32 s5, $0x0;
	s5 =	sld [smem:$0x3FAA]  }
0x2b: {  	s6 =	sld [smem:$0x3FAB]  }
0x2c: {  	s7 =	sld [smem:$0x3FAC]  }
0x2d: {  	s3 =	simm.s32 $0x108;
	s8 =	sld [smem:$0x3FAD]  }
0x2e: {  	s3 =	simm.s32 @!p0 $0x1082;
	s9 =	sld [smem:$0x3FAE]  }
0x2f: {  	lr =	sadd.s32 s0, s3;
	s0 =	sld [smem:$0x3FA5]  }
0x30: {  	s3 =	sld [smem:$0x3FA8]  }
0x31: {  	[smem:$0x3FB1] =	sst s10  }
0x32: {  	s10 =	sld [smem:$0x3FAF];
	_ =	sdelay $0x3  }
0x33: {  	p0 =	seq.s32 s10, $0x1;
	s10 =	sld [smem:$0x3FB1];
	_ =	sdelay $0x3  }
0x34: {  	[smem:$0x3FB1] =	sst s10  }
0x35: {  	s10 =	sld [smem:$0x3FB0];
	_ =	sdelay $0x3  }
0x36: {  	p1 =	seq.s32 s10, $0x1;
	s10 =	sld [smem:$0x3FB1];
	_ =	sdelay $0x3  }
0x37: {  	[smem:$0x3FB1] =	sst s10  }
0x38: {  	s10 =	sld [smem:$0x3FB2]  }
0x39: {  	_ = 	snop;
	(pc) =	sbr.ind lr, $3  }
0x3a: {  	_ = 	snop  }
0x3b: {  	_ = 	snop  }
0x3c: {  	p2 =	seq.s32 s10, $0x1;
	s10 =	sld [smem:$0x3FB1]  }
0x3d: {  	_ =	shalt  }
0x3e: {  	_ =	shalt  }
0x3f: {  	_ =	shalt  }
0x40: {  	_ =	shalt  }
0x41: {  	_ =	shalt  }
0x42: {  	_ =	shalt  }
0x43: {  	_ =	shalt  }
0x44: {  	_ =	shalt  }
0x45: {  	_ =	shalt  }
0x46: {  	_ =	shalt  }
0x47: {  	_ =	shalt  }
0x48: {  	_ =	shalt  }
0x49: {  	_ =	shalt  }
0x4a: {  	_ =	shalt  }
0x4b: {  	_ =	shalt  }
0x4c: {  	_ =	shalt  }
0x4d: {  	_ =	shalt  }
0x4e: {  	_ =	shalt  }
0x4f: {  	_ =	shalt  }
0x50: {  	_ =	shalt  }
0x51: {  	_ =	shalt  }
0x52: {  	_ =	shalt  }
0x53: {  	_ =	shalt  }
0x54: {  	_ =	shalt  }
0x55: {  	_ =	shalt  }
0x56: {  	_ =	shalt  }
0x57: {  	_ =	shalt  }
0x58: {  	_ =	shalt  }
0x59: {  	_ =	shalt  }
0x5a: {  	_ =	shalt  }
0x5b: {  	_ =	shalt  }
0x5c: {  	_ =	shalt  }
0x5d: {  	_ =	shalt  }
0x5e: {  	_ =	shalt  }
0x5f: {  	_ =	shalt  }
0x60: {  	_ =	shalt  }
0x61: {  	_ =	shalt  }
0x62: {  	_ =	shalt  }
0x63: {  	_ =	shalt  }
0x64: {  	_ =	shalt  }
0x65: {  	_ =	shalt  }
0x66: {  	_ =	shalt  }
0x67: {  	_ =	shalt  }
0x68: {  	_ =	shalt  }
0x69: {  	_ =	shalt  }
0x6a: {  	_ =	shalt  }
0x6b: {  	_ =	shalt  }
0x6c: {  	_ =	shalt  }
0x6d: {  	_ =	shalt  }
0x6e: {  	_ =	shalt  }
0x6f: {  	_ =	shalt  }
0x70: {  	_ =	shalt  }
0x71: {  	_ =	shalt  }
0x72: {  	_ =	shalt  }
0x73: {  	_ =	shalt  }
0x74: {  	_ =	shalt  }
0x75: {  	_ =	shalt  }
0x76: {  	_ =	shalt  }
0x77: {  	_ =	shalt  }
0x78: {  	_ =	shalt  }
0x79: {  	_ =	shalt  }
0x7a: {  	_ =	shalt  }
0x7b: {  	_ =	shalt  }
0x7c: {  	_ =	shalt  }
0x7d: {  	_ =	shalt  }
0x7e: {  	_ =	shalt  }
0x7f: {  	_ =	shalt  }
0x80: {  	_ =	shalt  }
0x81: {  	_ =	shalt  }
0x82: {  	_ =	shalt  }
0x83: {  	_ =	shalt  }
0x84: {  	_ =	shalt  }
0x85: {  	_ =	shalt  }
0x86: {  	_ =	shalt  }
0x87: {  	_ =	shalt  }
.Lfunc_end0:
.L_simem_size_0:
called_computation_lowered:
.L_overlay_start_0:
0x88: {  	s2 =	sld [smem:$0x3FD9]  }
0x89: {  	s3 =	sld [smem:$0x3FFE];
	_ =	sdelay $0x1  }
0x8a: {  	s1 =	srdreg.scid  }
0x8b: {  	s0 =	sand.u32 $0x1, s1  }
0x8c: {  	s17 =	sshll.u32 s0, $0xA;
	s2 =	sadd.s32 s3, s2  }
0x8d: {  	s2 =	sadd.s32 s2, s17  }
0x8e: {  	[smem:$0x3FBD] =	sst s2  }
0x8f: {  	_ = 	snop  }
0x90: {  	s2 =	sld [smem:$0x3FD0];
	(tm) =	ssettm $0x1  }
0x91: {  	s18 =	sld [smem:$0x3FFB];
	_ =	sdelay $0x3  }
0x92: {  	_ =	strace s18  }
0x93: {  	s3 =	sld [smem:$0x3FFC];
	_ =	sdelay $0x3  }
0x94: {  	_ =	strace s3  }
0x95: {  	s3 =	sld [smem:$0x3FFD];
	_ =	sdelay $0x3  }
0x96: {  	_ =	strace s3  }
0x97: {  	_ =	strace $0x8FFFFFFF  }
0x98: {  	s19 =	sld [smem:$0x3FDB];
	_ =	sdelay $0x1  }
0x99: {  	s4 =	simm.s32 $_scs_section_size  }
0x9a: {  	s5 =	simm.s32 $_size__tile_overlayer_lowered;
	s6 =	simm.s32 $_tile_overlayer_lowered  }
0x9b: {  	s22 =	simm.s32 $0x1BFF;
	s21 =	sshll.u32 s6, $0x1;
	s3 =	sadd.s32 s4, s19  }
0x9c: {  	s7 =	simm.s32 $0x0;
	s20 =	sshll.u32 s5, $0x1;
	s5 =	sadd.s32 s21, s3  }
0x9d: {  	[timem:s7], [sflag:s22] =	dma.local [hbm:s5], s20  }
0x9e: {  	_ =	swait.ge [sflag:s22], s20  }
0x9f: {  	s4 =	ssub.s32 $0x0, s20;
	[sflag:s22] =	ssyncset.done $0x0  }
0xa0: {  	[sflag:s22] =	ssyncadd.s32 s4;
	_ =	sdelay $0x1  }
0xa1: {  	s23 =	simm.s32 $0x1B8B  }
0xa2: {  	_ =	swait.ge [sflag:s23], $0x1  }
0xa3: {  	[sflag:s23] =	ssyncset.done $0x0  }
0xa4: {  	s25 =	simm.s32 $0x1B8E;
	s24 =	sld [smem:$0x3FFE];
	[sflag:s23] =	ssyncadd.s32 $0xFFFFFFFF  }
0xa5: {  	s26 =	simm.s32 $execute0_lowered;
	[smem:$0x3FD2] =	sst s25  }
0xa6: {  	s5 =	sshll.u32 s26, $0x1;
	_ =	strace $0x80000046;
	[dreg:$0x1] =	wrdreg $0xFFFFFFFF  }
0xa7: {  	s28 =	simm.s32 $_size_execute0_lowered;
	s3 =	sadd.s32 s3, s5;
	[dreg:$0x0] =	wrdreg $0x0  }
0xa8: {  	s5 =	sshll.u32 s28, $0x1;
	[dreg:$0x2] =	wrdreg s3  }
0xa9: {  	[dreg:$0x3] =	wrdreg s5  }
0xaa: {  	[dreg:$0x4] =	wrdreg $0xC0  }
0xab: {  	_ =	task [dreg:s7], $0x5FFFF  }
0xac: {  	[dreg:$0x1] =	wrdreg $0xFFFFFFFF  }
0xad: {  	[dreg:$0x0] =	wrdreg $0x60  }
0xae: {  	[dreg:$0x2] =	wrdreg s2  }
0xaf: {  	[dreg:$0x3] =	wrdreg s24  }
0xb0: {  	[dreg:$0x4] =	wrdreg $0x9  }
0xb1: {  	_ =	task.clear_ibuf [dreg:s7], $0x5FFFF;
	_ =	strace $0x90000046  }
0xb2: {  	s29 =	simm.s32 $0x9;
	_ =	strace $0x80000048  }
0xb3: {  	_ =	swait.ge [sflag:s29], $0x1  }
0xb4: {  	[sflag:s29] =	ssyncadd.s32 $0xFFFFFFFF  }
0xb5: {  	_ =	strace $0x90000048  }
0xb6: {  	_ =	sfence  }
0xb7: {  	s30 =	sld [smem:$0x0];
	_ =	sdelay $0x2  }
0xb8: {  	s31 =	sshll.u32 s1, $0xD;
	s1 =	sshrl.u32 s1, $0x2  }
0xb9: {  	s3 =	sand.u32 $0x4000, s31;
	s1 =	sadd.s32 s1, s30  }
0xba: {  	s0 =	sor.u32 s3, s0;
	s1 =	sshll.u32 s1, $0x11  }
0xbb: {  	s0 =	sor.u32 s1, s0  }
0xbc: {  	s0 =	sadd.s32 $0x8F2B, s0  }
0xbd: {  	[sflag:s0] =	ssyncadd.remote.s32 $0x1  }
0xbe: {  	_ =	sfence.sel $0xFFFF  }
0xbf: {  	[dreg:$0x0] =	wrdreg $0xFFFFFFFF;
	(pc) =	sbr.abs _section_cstart, $3  }
0xc0: {  	[dreg:$0x1] =	wrdreg $0xFFFFFFFF  }
0xc1: {  	_ =	task.clear_ibuf [dreg:s7], $0x2FFFF;
	_ =	strace $0x9FFFFFFF  }
0xc2: {  	(tm) =	ssettm $0x7FFFFFFF  }
0xc3: {  	_ =	shalt  }
tec
execute0_lowered:
.L_overlay_start_1:
0x0: {  	(tag) =	ssettag $0x1  }
0x1: {  	s1 =	rddreg [dreg:$0x0]  }
0x2: {  	s0 =	rddreg [dreg:$0x1];
	s3 =	simm.s32 $0x0  }
0x3: {  	s2 =	srdreg.scid;
	s4 =	stileid.u32;
	s12 =	simm.s32 $0x7  }
0x4: {  	s14 =	simm.s32 $0x50;
	s15 =	simm.s32 $0x8000;
	s16 =	simm.s32 $0xD000  }
0x5: {  	s18 =	simm.s32 $0xA800;
	s20 =	simm.s32 $0xF800;
	s21 =	simm.s32 $0x1  }
0x6: {  	s22 =	simm.s32 $0x3;
	s23 =	simm.s32 $0x12000;
	s28 =	simm.s32 $0x5  }
0x7: {  	s29 =	simm.s32 $0x6;
	s30 =	simm.s32 $0x0;
	[smem:$0x7FF] =	sst s3  }
0x8: {  	s2 =	sand.u32 $0x1, s2;
	s5 =	sshll.u32 s4, $0x1;
	s4 =	sadd.s32 $0x21E00, s0  }
0x9: {  	_ =	strace $0x80000047;
	s6 =	sor.u32 s2, s5;
	s2 =	ssub.s32 $0x2, s2  }
0xa: {  	s5 =	sshll.u32 s6, $0xB;
	s7 =	smul.u32 $0x138800, s6;
	s24 =	sshrl.u32 s2, $0x1  }
0xb: {  	s6 =	smul.u32 $0x2710, s6;
	s8 =	sadd.s32 s5, s0;
	s5 =	sadd.s32 $0x49000, s0  }
0xc: {  	s0 =	ssub.s32 s2, s24;
	s24 =	simm.s32 $0x2;
	s26 =	sadd.s32 $0x11E00, s8  }
0xd: {  	s25 =	sshrl.u32 s7, $0x3;
	s31 =	sadd.s32 $0x1E00, s8;
	[dreg:$0x3] =	wrdreg s26  }
0xe: {  	s0 =	smax.u32 s0, $0x1;
	[dreg:$0x4] =	wrdreg s31;
	s2 =	sadd.s32 s5, s25  }
0xf: {  	s9 =	sadd.s32 $0x50, s6;
	[dreg:$0x6] =	wrdreg s0;
	s2 =	sadd.s32 $0x26C00, s2  }
0x10: {  	s25 =	simm.s32 $0x4;
	s26 =	simm.s32 $0x14800;
	[dreg:$0x5] =	wrdreg s2  }
.LBB2_1:
0x11: {  	s0 =	rddreg [dreg:$0x3]  }
0x12: {  	[tilespmem:s3], [sflag:$0x7] =	stream.linear.gather [hbm4b:s0+s3], $0x3E80, $0x38;
	[tilespmem:$0x17000] =	vst v63  }
0x13: {  	_ =	swait.ge [sflag:s12], $0x3E80  }
0x14: {  	[sflag:s12] =	ssyncset.done $0x0  }
0x15: {  	s2 =	simm.s32 $0x4000;
	s13 =	rddreg [dreg:$0x4];
	[sflag:s12] =	ssyncadd.s32 $0xFFFFC180  }
0x16: {  	[tilespmem:s2], [sflag:$0x7] =	stream.linear.gather [hbm4b:s13+s3], $0x3E80, $0x38;
	[tilespmem:$0x17000] =	vst v63  }
0x17: {  	_ =	swait.ge [sflag:s12], $0x3E80  }
0x18: {  	[sflag:s12] =	ssyncset.done $0x0  }
0x19: {  	[sflag:s12] =	ssyncadd.s32 $0xFFFFC180  }
0x1a: {  	[tilespmem:s15], [sflag:$0x1] =	stream.indirect.gather [hbm4b:s1+s14], $0x80, s3, s14, $0xb8;
	[tilespmem:$0x17000] =	vst v63  }
0x1b: {  	_ = 	snop  }
0x1c: {  	[tilespmem:s16], [sflag:$0x3] =	stream.indirect.gather [hbm4b:s4+s14], $0x80, s2, s14, $0xb8;
	[tilespmem:$0x17000] =	vst v63  }
0x1d: {  	s17 =	simm.s32 $0x80  }
0x1e: {  	[tilespmem:s18], [sflag:$0x2] =	stream.indirect.gather [hbm4b:s1+s14], $0x80, s17, s14, $0xb8;
	[tilespmem:$0x17000] =	vst v63  }
0x1f: {  	s19 =	simm.s32 $0x4080;
	s31 =	simm.s32 $0x0  }
0x20: {  	[tilespmem:s20], [sflag:$0x4] =	stream.indirect.gather [hbm4b:s4+s14], $0x80, s19, s14, $0xb8;
	[tilespmem:$0x17000] =	vst v63  }
.LBB2_2:
0x21: {  	_ =	swait.ge [sflag:s21], $0x2800  }
0x22: {  	[sflag:s21] =	ssyncset.done $0x0  }
0x23: {  	[sflag:s21] =	ssyncadd.s32 $0xFFFFD800  }
0x24: {  	_ =	swait.ge [sflag:s22], $0x2800  }
0x25: {  	p0 =	seq.s32 s31, $0x0;
	[sflag:s22] =	ssyncset.done $0x0  }
0x26: {  	s0 =	simm.s32 @!p0 $0x5;
	[sflag:s22] =	ssyncadd.s32 $0xFFFFD800  }
0x27: {  	_ =	swait.ge @!p0 [sflag:s0], $0x2800  }
0x28: {  	[sflag:s0] =	ssyncset.done @!p0 $0x0  }
0x29: {  	s2 =	simm.s32 $0x8080;
	[sflag:s0] =	ssyncadd.s32 @!p0 $0xFFFFD800  }
0x2a: {  	s17 =	simm.s32 $0xD080;
	v0 =	vld [tilespmem:s2+$0xFFFFFF80]  }
0x2b: {  	v1 =	vld [tilespmem:s17+$0xFFFFFF80];
	_ =	sdelay $0x4  }
0x2c: {  	v0 =	vadd.f32 v1, v0  }
0x2d: {  	s13 =	simm.s32 $0x12080  }
0x2e: {  	[tilespmem:s13+$0xFFFFFF80] =	vst v0  }
0x2f: {  	v0 =	vld [tilespmem:s17+$0xFFFFFF90]  }
0x30: {  	v1 =	vld [tilespmem:s2+$0xFFFFFF90];
	_ =	sdelay $0x4  }
0x31: {  	v0 =	vadd.f32 v0, v1;
	_ =	sdelay $0x1  }
0x32: {  	[tilespmem:s13+$0xFFFFFF90] =	vst v0  }
0x33: {  	v0 =	vld [tilespmem:s2+$0xFFFFFFA0]  }
0x34: {  	v1 =	vld [tilespmem:s17+$0xFFFFFFA0];
	_ =	sdelay $0x4  }
0x35: {  	v0 =	vadd.f32 v1, v0;
	_ =	sdelay $0x1  }
0x36: {  	[tilespmem:s13+$0xFFFFFFA0] =	vst v0  }
0x37: {  	v0 =	vld [tilespmem:s2+$0xFFFFFFB0]  }
0x38: {  	v1 =	vld [tilespmem:s17+$0xFFFFFFB0];
	_ =	sdelay $0x4  }
0x39: {  	v0 =	vadd.f32 v1, v0;
	_ =	sdelay $0x1  }
0x3a: {  	[tilespmem:s13+$0xFFFFFFB0] =	vst v0  }
0x3b: {  	v0 =	vld [tilespmem:s2+$0xFFFFFFC0]  }
0x3c: {  	v1 =	vld [tilespmem:s17+$0xFFFFFFC0];
	_ =	sdelay $0x4  }
0x3d: {  	v0 =	vadd.f32 v1, v0;
	_ =	sdelay $0x1  }
0x3e: {  	[tilespmem:s13+$0xFFFFFFC0] =	vst v0  }
0x3f: {  	v0 =	vld [tilespmem:s2+$0xFFFFFFD0]  }
0x40: {  	v1 =	vld [tilespmem:s17+$0xFFFFFFD0];
	_ =	sdelay $0x4  }
0x41: {  	v0 =	vadd.f32 v1, v0;
	_ =	sdelay $0x1  }
0x42: {  	[tilespmem:s13+$0xFFFFFFD0] =	vst v0  }
0x43: {  	v0 =	vld [tilespmem:s2+$0xFFFFFFE0]  }
0x44: {  	v1 =	vld [tilespmem:s17+$0xFFFFFFE0];
	_ =	sdelay $0x4  }
0x45: {  	v0 =	vadd.f32 v1, v0;
	_ =	sdelay $0x1  }
0x46: {  	[tilespmem:s13+$0xFFFFFFE0] =	vst v0  }
0x47: {  	v0 =	vld [tilespmem:s2+$0xFFFFFFF0]  }
0x48: {  	v1 =	vld [tilespmem:s17+$0xFFFFFFF0];
	_ =	sdelay $0x4  }
0x49: {  	v0 =	vadd.f32 v1, v0;
	_ =	sdelay $0x1  }
0x4a: {  	[tilespmem:s13+$0xFFFFFFF0] =	vst v0  }
0x4b: {  	v0 =	vld [tilespmem:s2+$0x0]  }
0x4c: {  	v1 =	vld [tilespmem:s17+$0x0];
	_ =	sdelay $0x4  }
0x4d: {  	v0 =	vadd.f32 v1, v0;
	_ =	sdelay $0x1  }
0x4e: {  	[tilespmem:s13+$0x0] =	vst v0  }
0x4f: {  	v0 =	vld [tilespmem:s2+$0x10]  }
0x50: {  	v1 =	vld [tilespmem:s17+$0x10];
	_ =	sdelay $0x4  }
0x51: {  	v0 =	vadd.f32 v1, v0;
	_ =	sdelay $0x1  }
0x52: {  	[tilespmem:s13+$0x10] =	vst v0  }
0x53: {  	v0 =	vld [tilespmem:s2+$0x20]  }
0x54: {  	v1 =	vld [tilespmem:s17+$0x20];
	_ =	sdelay $0x4  }
0x55: {  	v0 =	vadd.f32 v1, v0;
	_ =	sdelay $0x1  }
0x56: {  	[tilespmem:s13+$0x20] =	vst v0  }
0x57: {  	v0 =	vld [tilespmem:s2+$0x30]  }
0x58: {  	v1 =	vld [tilespmem:s17+$0x30];
	_ =	sdelay $0x4  }
0x59: {  	v0 =	vadd.f32 v1, v0;
	_ =	sdelay $0x1  }
0x5a: {  	[tilespmem:s13+$0x30] =	vst v0  }
0x5b: {  	v0 =	vld [tilespmem:s2+$0x40]  }
0x5c: {  	v1 =	vld [tilespmem:s17+$0x40];
	_ =	sdelay $0x4  }
0x5d: {  	v0 =	vadd.f32 v1, v0;
	_ =	sdelay $0x1  }
0x5e: {  	[tilespmem:s13+$0x40] =	vst v0  }
0x5f: {  	v0 =	vld [tilespmem:s2+$0x50]  }
0x60: {  	v1 =	vld [tilespmem:s17+$0x50];
	_ =	sdelay $0x4  }
0x61: {  	v0 =	vadd.f32 v1, v0;
	_ =	sdelay $0x1  }
0x62: {  	[tilespmem:s13+$0x50] =	vst v0  }
0x63: {  	s7 =	simm.s32 $0x0;
	s10 =	simm.s32 $0x8180;
	v0 =	vld [tilespmem:s2+$0x60]  }
0x64: {  	s19 =	simm.s32 $0x12080;
	s8 =	simm.s32 $0xD080;
	s0 =	sshll.u32 s31, $0x8;
	v1 =	vld [tilespmem:s17+$0x60]  }
.LBB2_3:
0x65: {  	s7 =	sadd.s32 $0x2, s7;
	s13 =	sadd.s32 $0x100, s13;
	s17 =	sadd.s32 $0x100, s17  }
0x66: {  	p1 =	slt.u32 s7, $0x4E;
	_ =	sdelay $0x2  }
0x67: {  	v0 =	vadd.f32 v1, v0;
	_ =	sdelay $0x1  }
0x68: {  	[tilespmem:s19+$0x60] =	vst v0  }
0x69: {  	v0 =	vld [tilespmem:s2+$0x70];
	s2 =	smov.u32 s10  }
0x6a: {  	v1 =	vld [tilespmem:s8+$0x70];
	s8 =	smov.u32 s17;
	_ =	sdelay $0x4  }
0x6b: {  	v0 =	vadd.f32 v1, v0;
	_ =	sdelay $0x1  }
0x6c: {  	[tilespmem:s19+$0x70] =	vst v0;
	s19 =	smov.u32 s13  }
0x6d: {  	v0 =	vld [tilespmem:s10+$0xFFFFFF80]  }
0x6e: {  	v1 =	vld [tilespmem:s17+$0xFFFFFF80];
	_ =	sdelay $0x4  }
0x6f: {  	v0 =	vadd.f32 v1, v0;
	_ =	sdelay $0x1  }
0x70: {  	[tilespmem:s13+$0xFFFFFF80] =	vst v0  }
0x71: {  	v0 =	vld [tilespmem:s17+$0xFFFFFF90]  }
0x72: {  	v1 =	vld [tilespmem:s10+$0xFFFFFF90];
	_ =	sdelay $0x4  }
0x73: {  	v0 =	vadd.f32 v0, v1;
	_ =	sdelay $0x1  }
0x74: {  	[tilespmem:s13+$0xFFFFFF90] =	vst v0  }
0x75: {  	v0 =	vld [tilespmem:s10+$0xFFFFFFA0]  }
0x76: {  	v1 =	vld [tilespmem:s17+$0xFFFFFFA0];
	_ =	sdelay $0x4  }
0x77: {  	v0 =	vadd.f32 v1, v0;
	_ =	sdelay $0x1  }
0x78: {  	[tilespmem:s13+$0xFFFFFFA0] =	vst v0  }
0x79: {  	v0 =	vld [tilespmem:s10+$0xFFFFFFB0]  }
0x7a: {  	v1 =	vld [tilespmem:s17+$0xFFFFFFB0];
	_ =	sdelay $0x4  }
0x7b: {  	v0 =	vadd.f32 v1, v0;
	_ =	sdelay $0x1  }
0x7c: {  	[tilespmem:s13+$0xFFFFFFB0] =	vst v0  }
0x7d: {  	v0 =	vld [tilespmem:s10+$0xFFFFFFC0]  }
0x7e: {  	v1 =	vld [tilespmem:s17+$0xFFFFFFC0];
	_ =	sdelay $0x4  }
0x7f: {  	v0 =	vadd.f32 v1, v0;
	_ =	sdelay $0x1  }
0x80: {  	[tilespmem:s13+$0xFFFFFFC0] =	vst v0  }
0x81: {  	v0 =	vld [tilespmem:s10+$0xFFFFFFD0]  }
0x82: {  	v1 =	vld [tilespmem:s17+$0xFFFFFFD0];
	_ =	sdelay $0x4  }
0x83: {  	v0 =	vadd.f32 v1, v0;
	_ =	sdelay $0x1  }
0x84: {  	[tilespmem:s13+$0xFFFFFFD0] =	vst v0  }
0x85: {  	v0 =	vld [tilespmem:s10+$0xFFFFFFE0]  }
0x86: {  	v1 =	vld [tilespmem:s17+$0xFFFFFFE0];
	_ =	sdelay $0x4  }
0x87: {  	v0 =	vadd.f32 v1, v0;
	_ =	sdelay $0x1  }
0x88: {  	[tilespmem:s13+$0xFFFFFFE0] =	vst v0  }
0x89: {  	v0 =	vld [tilespmem:s10+$0xFFFFFFF0]  }
0x8a: {  	v1 =	vld [tilespmem:s17+$0xFFFFFFF0];
	_ =	sdelay $0x4  }
0x8b: {  	v0 =	vadd.f32 v1, v0;
	_ =	sdelay $0x1  }
0x8c: {  	[tilespmem:s13+$0xFFFFFFF0] =	vst v0  }
0x8d: {  	v0 =	vld [tilespmem:s10+$0x0]  }
0x8e: {  	v1 =	vld [tilespmem:s17+$0x0];
	_ =	sdelay $0x4  }
0x8f: {  	v0 =	vadd.f32 v1, v0;
	_ =	sdelay $0x1  }
0x90: {  	[tilespmem:s13+$0x0] =	vst v0  }
0x91: {  	v0 =	vld [tilespmem:s10+$0x10]  }
0x92: {  	v1 =	vld [tilespmem:s17+$0x10];
	_ =	sdelay $0x4  }
0x93: {  	v0 =	vadd.f32 v1, v0;
	_ =	sdelay $0x1  }
0x94: {  	[tilespmem:s13+$0x10] =	vst v0  }
0x95: {  	v0 =	vld [tilespmem:s10+$0x20]  }
0x96: {  	v1 =	vld [tilespmem:s17+$0x20];
	_ =	sdelay $0x4  }
0x97: {  	v0 =	vadd.f32 v1, v0;
	_ =	sdelay $0x1  }
0x98: {  	[tilespmem:s13+$0x20] =	vst v0  }
0x99: {  	v0 =	vld [tilespmem:s10+$0x30]  }
0x9a: {  	v1 =	vld [tilespmem:s17+$0x30];
	_ =	sdelay $0x4  }
0x9b: {  	v0 =	vadd.f32 v1, v0;
	_ =	sdelay $0x1  }
0x9c: {  	[tilespmem:s13+$0x30] =	vst v0  }
0x9d: {  	v0 =	vld [tilespmem:s10+$0x40]  }
0x9e: {  	v1 =	vld [tilespmem:s17+$0x40];
	_ =	sdelay $0x4  }
0x9f: {  	v0 =	vadd.f32 v1, v0;
	_ =	sdelay $0x1  }
0xa0: {  	[tilespmem:s13+$0x40] =	vst v0  }
0xa1: {  	v0 =	vld [tilespmem:s10+$0x50]  }
0xa2: {  	v1 =	vld [tilespmem:s17+$0x50];
	_ =	sdelay $0x4  }
.Ltmp0:
0xa3: {  	v0 =	vadd.f32 v1, v0;
	(pc) =	sbr.rel @p1 .LBB2_3-.Ltmp0, $4  }
0xa4: {  	_ = 	snop  }
0xa5: {  	[tilespmem:s13+$0x50] =	vst v0  }
0xa6: {  	v0 =	vld [tilespmem:s10+$0x60]  }
0xa7: {  	s10 =	sadd.s32 $0x100, s10;
	v1 =	vld [tilespmem:s17+$0x60]  }
0xa8: {  	_ =	sdelay $0x3  }
0xa9: {  	v0 =	vadd.f32 v1, v0;
	_ =	sdelay $0x1  }
0xaa: {  	[tilespmem:s19+$0x60] =	vst v0  }
0xab: {  	v0 =	vld [tilespmem:s2+$0x70]  }
0xac: {  	v1 =	vld [tilespmem:s8+$0x70];
	_ =	sdelay $0x2  }
0xad: {  	s2 =	smul.u32 $0xA0, s31;
	_ =	sdelay $0x1  }
0xae: {  	s7 =	sadd.s32 s6, s2;
	v0 =	vadd.f32 v1, v0  }
0xaf: {  	s7 =	sshll.u32 s7, $0x4  }
0xb0: {  	s7 =	sadd.s32 s5, s7;
	[tilespmem:s19+$0x70] =	vst v0  }
0xb1: {  	[hbm4b:s7+s3] =	stream.linear.scatter [tilespmem:s23], [sflag:$0x5], $0x2800, $0x38;
	[tilespmem:$0x17000] =	vst v63  }
0xb2: {  	s17 =	sadd.s32 $0x100, s0  }
0xb3: {  	[tilespmem:s15], [sflag:$0x1] =	stream.indirect.gather [hbm4b:s1+s14], $0x80, s17, s14, $0xb8;
	[tilespmem:$0x17000] =	vst v63  }
0xb4: {  	s19 =	sadd.s32 $0x4100, s0  }
0xb5: {  	[tilespmem:s16], [sflag:$0x3] =	stream.indirect.gather [hbm4b:s4+s14], $0x80, s19, s14, $0xb8;
	[tilespmem:$0x17000] =	vst v63  }
0xb6: {  	_ =	swait.ge [sflag:s24], $0x2800  }
0xb7: {  	[sflag:s24] =	ssyncset.done $0x0  }
0xb8: {  	[sflag:s24] =	ssyncadd.s32 $0xFFFFD800  }
0xb9: {  	_ =	swait.ge [sflag:s25], $0x2800  }
0xba: {  	[sflag:s25] =	ssyncset.done $0x0  }
0xbb: {  	s7 =	simm.s32 @!p0 $0x6;
	[sflag:s25] =	ssyncadd.s32 $0xFFFFD800  }
0xbc: {  	_ =	swait.ge @!p0 [sflag:s7], $0x2800  }
0xbd: {  	[sflag:s7] =	ssyncset.done @!p0 $0x0  }
0xbe: {  	s19 =	simm.s32 $0xA8F0;
	[sflag:s7] =	ssyncadd.s32 @!p0 $0xFFFFD800  }
0xbf: {  	s13 =	simm.s32 $0xF8F0;
	v0 =	vld [tilespmem:s19+$0xFFFFFF10]  }
0xc0: {  	v1 =	vld [tilespmem:s13+$0xFFFFFF10];
	_ =	sdelay $0x4  }
0xc1: {  	v0 =	vadd.f32 v1, v0  }
0xc2: {  	s17 =	simm.s32 $0x148F0  }
0xc3: {  	[tilespmem:s17+$0xFFFFFF10] =	vst v0  }
0xc4: {  	v0 =	vld [tilespmem:s13+$0xFFFFFF20]  }
0xc5: {  	v1 =	vld [tilespmem:s19+$0xFFFFFF20];
	_ =	sdelay $0x4  }
0xc6: {  	v0 =	vadd.f32 v0, v1;
	_ =	sdelay $0x1  }
0xc7: {  	[tilespmem:s17+$0xFFFFFF20] =	vst v0  }
0xc8: {  	v0 =	vld [tilespmem:s19+$0xFFFFFF30]  }
0xc9: {  	v1 =	vld [tilespmem:s13+$0xFFFFFF30];
	_ =	sdelay $0x4  }
0xca: {  	v0 =	vadd.f32 v1, v0;
	_ =	sdelay $0x1  }
0xcb: {  	[tilespmem:s17+$0xFFFFFF30] =	vst v0  }
0xcc: {  	v0 =	vld [tilespmem:s19+$0xFFFFFF40]  }
0xcd: {  	v1 =	vld [tilespmem:s13+$0xFFFFFF40];
	_ =	sdelay $0x4  }
0xce: {  	v0 =	vadd.f32 v1, v0;
	_ =	sdelay $0x1  }
0xcf: {  	[tilespmem:s17+$0xFFFFFF40] =	vst v0  }
0xd0: {  	v0 =	vld [tilespmem:s19+$0xFFFFFF50]  }
0xd1: {  	v1 =	vld [tilespmem:s13+$0xFFFFFF50];
	_ =	sdelay $0x4  }
0xd2: {  	v0 =	vadd.f32 v1, v0;
	_ =	sdelay $0x1  }
0xd3: {  	[tilespmem:s17+$0xFFFFFF50] =	vst v0  }
0xd4: {  	v0 =	vld [tilespmem:s19+$0xFFFFFF60]  }
0xd5: {  	v1 =	vld [tilespmem:s13+$0xFFFFFF60];
	_ =	sdelay $0x4  }
0xd6: {  	v0 =	vadd.f32 v1, v0;
	_ =	sdelay $0x1  }
0xd7: {  	[tilespmem:s17+$0xFFFFFF60] =	vst v0  }
0xd8: {  	v0 =	vld [tilespmem:s19+$0xFFFFFF70]  }
0xd9: {  	v1 =	vld [tilespmem:s13+$0xFFFFFF70];
	_ =	sdelay $0x4  }
0xda: {  	v0 =	vadd.f32 v1, v0;
	_ =	sdelay $0x1  }
0xdb: {  	[tilespmem:s17+$0xFFFFFF70] =	vst v0  }
0xdc: {  	v0 =	vld [tilespmem:s19+$0xFFFFFF80]  }
0xdd: {  	v1 =	vld [tilespmem:s13+$0xFFFFFF80];
	_ =	sdelay $0x4  }
0xde: {  	v0 =	vadd.f32 v1, v0;
	_ =	sdelay $0x1  }
0xdf: {  	[tilespmem:s17+$0xFFFFFF80] =	vst v0  }
0xe0: {  	v0 =	vld [tilespmem:s19+$0xFFFFFF90]  }
0xe1: {  	v1 =	vld [tilespmem:s13+$0xFFFFFF90];
	_ =	sdelay $0x4  }
0xe2: {  	v0 =	vadd.f32 v1, v0;
	_ =	sdelay $0x1  }
0xe3: {  	[tilespmem:s17+$0xFFFFFF90] =	vst v0  }
0xe4: {  	v0 =	vld [tilespmem:s19+$0xFFFFFFA0]  }
0xe5: {  	v1 =	vld [tilespmem:s13+$0xFFFFFFA0];
	_ =	sdelay $0x4  }
0xe6: {  	v0 =	vadd.f32 v1, v0;
	_ =	sdelay $0x1  }
0xe7: {  	[tilespmem:s17+$0xFFFFFFA0] =	vst v0  }
0xe8: {  	v0 =	vld [tilespmem:s19+$0xFFFFFFB0]  }
0xe9: {  	v1 =	vld [tilespmem:s13+$0xFFFFFFB0];
	_ =	sdelay $0x4  }
0xea: {  	v0 =	vadd.f32 v1, v0;
	_ =	sdelay $0x1  }
0xeb: {  	[tilespmem:s17+$0xFFFFFFB0] =	vst v0  }
0xec: {  	v0 =	vld [tilespmem:s19+$0xFFFFFFC0]  }
0xed: {  	v1 =	vld [tilespmem:s13+$0xFFFFFFC0];
	_ =	sdelay $0x4  }
0xee: {  	v0 =	vadd.f32 v1, v0;
	_ =	sdelay $0x1  }
0xef: {  	[tilespmem:s17+$0xFFFFFFC0] =	vst v0  }
0xf0: {  	v0 =	vld [tilespmem:s19+$0xFFFFFFD0]  }
0xf1: {  	v1 =	vld [tilespmem:s13+$0xFFFFFFD0];
	_ =	sdelay $0x4  }
0xf2: {  	v0 =	vadd.f32 v1, v0;
	_ =	sdelay $0x1  }
0xf3: {  	[tilespmem:s17+$0xFFFFFFD0] =	vst v0  }
0xf4: {  	v0 =	vld [tilespmem:s19+$0xFFFFFFE0]  }
0xf5: {  	v1 =	vld [tilespmem:s13+$0xFFFFFFE0];
	_ =	sdelay $0x4  }
0xf6: {  	v0 =	vadd.f32 v1, v0;
	_ =	sdelay $0x1  }
0xf7: {  	[tilespmem:s17+$0xFFFFFFE0] =	vst v0  }
0xf8: {  	s11 =	simm.s32 $0x149F0;
	v0 =	vld [tilespmem:s19+$0xFFFFFFF0]  }
0xf9: {  	s10 =	simm.s32 $0xF8F0;
	s8 =	simm.s32 $0xA8F0;
	s7 =	simm.s32 $0x0;
	v1 =	vld [tilespmem:s13+$0xFFFFFFF0]  }
.LBB2_5:
0xfa: {  	s7 =	sadd.s32 $0x2, s7;
	s19 =	sadd.s32 $0x100, s19;
	s13 =	sadd.s32 $0x100, s13  }
0xfb: {  	p0 =	slt.u32 s7, $0x4E;
	_ =	sdelay $0x2  }
0xfc: {  	v0 =	vadd.f32 v1, v0;
	_ =	sdelay $0x1  }
0xfd: {  	[tilespmem:s17+$0xFFFFFFF0] =	vst v0  }
0xfe: {  	v0 =	vld [tilespmem:s8+$0x0];
	s8 =	smov.u32 s19  }
0xff: {  	v1 =	vld [tilespmem:s10+$0x0];
	s10 =	smov.u32 s13;
	_ =	sdelay $0x4  }
0x100: {  	v0 =	vadd.f32 v1, v0;
	_ =	sdelay $0x1  }
0x101: {  	[tilespmem:s17+$0x0] =	vst v0;
	s17 =	smov.u32 s11  }
0x102: {  	v0 =	vld [tilespmem:s19+$0xFFFFFF10]  }
0x103: {  	v1 =	vld [tilespmem:s13+$0xFFFFFF10];
	_ =	sdelay $0x4  }
0x104: {  	v0 =	vadd.f32 v1, v0;
	_ =	sdelay $0x1  }
0x105: {  	[tilespmem:s11+$0xFFFFFF10] =	vst v0  }
0x106: {  	v0 =	vld [tilespmem:s13+$0xFFFFFF20]  }
0x107: {  	v1 =	vld [tilespmem:s19+$0xFFFFFF20];
	_ =	sdelay $0x4  }
0x108: {  	v0 =	vadd.f32 v0, v1;
	_ =	sdelay $0x1  }
0x109: {  	[tilespmem:s11+$0xFFFFFF20] =	vst v0  }
0x10a: {  	v0 =	vld [tilespmem:s19+$0xFFFFFF30]  }
0x10b: {  	v1 =	vld [tilespmem:s13+$0xFFFFFF30];
	_ =	sdelay $0x4  }
0x10c: {  	v0 =	vadd.f32 v1, v0;
	_ =	sdelay $0x1  }
0x10d: {  	[tilespmem:s11+$0xFFFFFF30] =	vst v0  }
0x10e: {  	v0 =	vld [tilespmem:s19+$0xFFFFFF40]  }
0x10f: {  	v1 =	vld [tilespmem:s13+$0xFFFFFF40];
	_ =	sdelay $0x4  }
0x110: {  	v0 =	vadd.f32 v1, v0;
	_ =	sdelay $0x1  }
0x111: {  	[tilespmem:s11+$0xFFFFFF40] =	vst v0  }
0x112: {  	v0 =	vld [tilespmem:s19+$0xFFFFFF50]  }
0x113: {  	v1 =	vld [tilespmem:s13+$0xFFFFFF50];
	_ =	sdelay $0x4  }
0x114: {  	v0 =	vadd.f32 v1, v0;
	_ =	sdelay $0x1  }
0x115: {  	[tilespmem:s11+$0xFFFFFF50] =	vst v0  }
0x116: {  	v0 =	vld [tilespmem:s19+$0xFFFFFF60]  }
0x117: {  	v1 =	vld [tilespmem:s13+$0xFFFFFF60];
	_ =	sdelay $0x4  }
0x118: {  	v0 =	vadd.f32 v1, v0;
	_ =	sdelay $0x1  }
0x119: {  	[tilespmem:s11+$0xFFFFFF60] =	vst v0  }
0x11a: {  	v0 =	vld [tilespmem:s19+$0xFFFFFF70]  }
0x11b: {  	v1 =	vld [tilespmem:s13+$0xFFFFFF70];
	_ =	sdelay $0x4  }
0x11c: {  	v0 =	vadd.f32 v1, v0;
	_ =	sdelay $0x1  }
0x11d: {  	[tilespmem:s11+$0xFFFFFF70] =	vst v0  }
0x11e: {  	v0 =	vld [tilespmem:s19+$0xFFFFFF80]  }
0x11f: {  	v1 =	vld [tilespmem:s13+$0xFFFFFF80];
	_ =	sdelay $0x4  }
0x120: {  	v0 =	vadd.f32 v1, v0;
	_ =	sdelay $0x1  }
0x121: {  	[tilespmem:s11+$0xFFFFFF80] =	vst v0  }
0x122: {  	v0 =	vld [tilespmem:s19+$0xFFFFFF90]  }
0x123: {  	v1 =	vld [tilespmem:s13+$0xFFFFFF90];
	_ =	sdelay $0x4  }
0x124: {  	v0 =	vadd.f32 v1, v0;
	_ =	sdelay $0x1  }
0x125: {  	[tilespmem:s11+$0xFFFFFF90] =	vst v0  }
0x126: {  	v0 =	vld [tilespmem:s19+$0xFFFFFFA0]  }
0x127: {  	v1 =	vld [tilespmem:s13+$0xFFFFFFA0];
	_ =	sdelay $0x4  }
0x128: {  	v0 =	vadd.f32 v1, v0;
	_ =	sdelay $0x1  }
0x129: {  	[tilespmem:s11+$0xFFFFFFA0] =	vst v0  }
0x12a: {  	v0 =	vld [tilespmem:s19+$0xFFFFFFB0]  }
0x12b: {  	v1 =	vld [tilespmem:s13+$0xFFFFFFB0];
	_ =	sdelay $0x4  }
0x12c: {  	v0 =	vadd.f32 v1, v0;
	_ =	sdelay $0x1  }
0x12d: {  	[tilespmem:s11+$0xFFFFFFB0] =	vst v0  }
0x12e: {  	v0 =	vld [tilespmem:s19+$0xFFFFFFC0]  }
0x12f: {  	v1 =	vld [tilespmem:s13+$0xFFFFFFC0];
	_ =	sdelay $0x4  }
0x130: {  	v0 =	vadd.f32 v1, v0;
	_ =	sdelay $0x1  }
0x131: {  	[tilespmem:s11+$0xFFFFFFC0] =	vst v0  }
0x132: {  	v0 =	vld [tilespmem:s19+$0xFFFFFFD0]  }
0x133: {  	v1 =	vld [tilespmem:s13+$0xFFFFFFD0];
	_ =	sdelay $0x4  }
0x134: {  	v0 =	vadd.f32 v1, v0;
	_ =	sdelay $0x1  }
0x135: {  	[tilespmem:s11+$0xFFFFFFD0] =	vst v0  }
0x136: {  	v0 =	vld [tilespmem:s19+$0xFFFFFFE0]  }
0x137: {  	v1 =	vld [tilespmem:s13+$0xFFFFFFE0];
	_ =	sdelay $0x4  }
.Ltmp1:
0x138: {  	v0 =	vadd.f32 v1, v0;
	(pc) =	sbr.rel @p0 .LBB2_5-.Ltmp1, $4  }
0x139: {  	_ = 	snop  }
0x13a: {  	[tilespmem:s11+$0xFFFFFFE0] =	vst v0  }
0x13b: {  	v0 =	vld [tilespmem:s19+$0xFFFFFFF0]  }
0x13c: {  	s11 =	sadd.s32 $0x100, s11;
	v1 =	vld [tilespmem:s13+$0xFFFFFFF0]  }
0x13d: {  	_ =	sdelay $0x3  }
0x13e: {  	v0 =	vadd.f32 v1, v0;
	_ =	sdelay $0x1  }
0x13f: {  	[tilespmem:s17+$0xFFFFFFF0] =	vst v0  }
0x140: {  	v0 =	vld [tilespmem:s8+$0x0]  }
0x141: {  	v63 =	vld [tilespmem:s10+$0x0];
	_ =	sdelay $0x2  }
0x142: {  	p0 =	seq.s32 s31, $0x3D  }
.Ltmp2:
0x143: {  	_ = 	snop;
	(pc) =	sbr.rel @p0 .LBB2_8-.Ltmp2, $4  }
0x144: {  	s2 =	sadd.s32 s2, s9;
	v0 =	vadd.f32 v63, v0  }
0x145: {  	s2 =	sshll.u32 s2, $0x4  }
0x146: {  	s2 =	sadd.s32 s5, s2;
	[tilespmem:s17+$0x0] =	vst v0  }
0x147: {  	[hbm4b:s2+s3] =	stream.linear.scatter [tilespmem:s26], [sflag:$0x6], $0x2800, $0x38;
	[tilespmem:$0x17000] =	vst v63  }
.Ltmp3:
0x148: {  	(pc) =	sbr.rel .LBB2_2-.Ltmp3, $4  }
0x149: {  	s2 =	sadd.s32 $0x180, s0  }
0x14a: {  	[tilespmem:s18], [sflag:$0x2] =	stream.indirect.gather [hbm4b:s1+s14], $0x80, s2, s14, $0xb8;
	[tilespmem:$0x17000] =	vst v63  }
0x14b: {  	s19 =	sadd.s32 $0x4180, s0;
	s31 =	sadd.s32 $0x1, s31  }
0x14c: {  	[tilespmem:s20], [sflag:$0x4] =	stream.indirect.gather [hbm4b:s4+s14], $0x80, s19, s14, $0xb8;
	[tilespmem:$0x17000] =	vst v63  }
.LBB2_8:
0x14d: {  	_ =	swait.ge [sflag:s21], $0x2800  }
0x14e: {  	[sflag:s21] =	ssyncset.done $0x0  }
0x14f: {  	[sflag:s21] =	ssyncadd.s32 $0xFFFFD800  }
0x150: {  	_ =	swait.ge [sflag:s22], $0x2800  }
0x151: {  	[sflag:s22] =	ssyncset.done $0x0  }
0x152: {  	[sflag:s22] =	ssyncadd.s32 $0xFFFFD800  }
0x153: {  	_ =	swait.ge [sflag:s28], $0x2800  }
0x154: {  	[sflag:s28] =	ssyncset.done $0x0  }
0x155: {  	s0 =	simm.s32 $0x8080;
	[sflag:s28] =	ssyncadd.s32 $0xFFFFD800  }
0x156: {  	s2 =	simm.s32 $0xD080;
	v0 =	vld [tilespmem:s0+$0xFFFFFF80]  }
0x157: {  	v1 =	vld [tilespmem:s2+$0xFFFFFF80];
	_ =	sdelay $0x4  }
0x158: {  	v0 =	vadd.f32 v1, v0  }
0x159: {  	s13 =	simm.s32 $0x12080  }
0x15a: {  	[tilespmem:s13+$0xFFFFFF80] =	vst v0  }
0x15b: {  	v0 =	vld [tilespmem:s2+$0xFFFFFF90]  }
0x15c: {  	v1 =	vld [tilespmem:s0+$0xFFFFFF90];
	_ =	sdelay $0x4  }
0x15d: {  	v0 =	vadd.f32 v0, v1;
	_ =	sdelay $0x1  }
0x15e: {  	[tilespmem:s13+$0xFFFFFF90] =	vst v0  }
0x15f: {  	v0 =	vld [tilespmem:s0+$0xFFFFFFA0]  }
0x160: {  	v1 =	vld [tilespmem:s2+$0xFFFFFFA0];
	_ =	sdelay $0x4  }
0x161: {  	v0 =	vadd.f32 v1, v0;
	_ =	sdelay $0x1  }
0x162: {  	[tilespmem:s13+$0xFFFFFFA0] =	vst v0  }
0x163: {  	v0 =	vld [tilespmem:s0+$0xFFFFFFB0]  }
0x164: {  	v1 =	vld [tilespmem:s2+$0xFFFFFFB0];
	_ =	sdelay $0x4  }
0x165: {  	v0 =	vadd.f32 v1, v0;
	_ =	sdelay $0x1  }
0x166: {  	[tilespmem:s13+$0xFFFFFFB0] =	vst v0  }
0x167: {  	v0 =	vld [tilespmem:s0+$0xFFFFFFC0]  }
0x168: {  	v1 =	vld [tilespmem:s2+$0xFFFFFFC0];
	_ =	sdelay $0x4  }
0x169: {  	v0 =	vadd.f32 v1, v0;
	_ =	sdelay $0x1  }
0x16a: {  	[tilespmem:s13+$0xFFFFFFC0] =	vst v0  }
0x16b: {  	v0 =	vld [tilespmem:s0+$0xFFFFFFD0]  }
0x16c: {  	v1 =	vld [tilespmem:s2+$0xFFFFFFD0];
	_ =	sdelay $0x4  }
0x16d: {  	v0 =	vadd.f32 v1, v0;
	_ =	sdelay $0x1  }
0x16e: {  	[tilespmem:s13+$0xFFFFFFD0] =	vst v0  }
0x16f: {  	v0 =	vld [tilespmem:s0+$0xFFFFFFE0]  }
0x170: {  	v1 =	vld [tilespmem:s2+$0xFFFFFFE0];
	_ =	sdelay $0x4  }
0x171: {  	v0 =	vadd.f32 v1, v0;
	_ =	sdelay $0x1  }
0x172: {  	[tilespmem:s13+$0xFFFFFFE0] =	vst v0  }
0x173: {  	v0 =	vld [tilespmem:s0+$0xFFFFFFF0]  }
0x174: {  	v1 =	vld [tilespmem:s2+$0xFFFFFFF0];
	_ =	sdelay $0x4  }
0x175: {  	v0 =	vadd.f32 v1, v0;
	_ =	sdelay $0x1  }
0x176: {  	[tilespmem:s13+$0xFFFFFFF0] =	vst v0  }
0x177: {  	v0 =	vld [tilespmem:s0+$0x0]  }
0x178: {  	v1 =	vld [tilespmem:s2+$0x0];
	_ =	sdelay $0x4  }
0x179: {  	v0 =	vadd.f32 v1, v0;
	_ =	sdelay $0x1  }
0x17a: {  	[tilespmem:s13+$0x0] =	vst v0  }
0x17b: {  	v0 =	vld [tilespmem:s0+$0x10]  }
0x17c: {  	v1 =	vld [tilespmem:s2+$0x10];
	_ =	sdelay $0x4  }
0x17d: {  	v0 =	vadd.f32 v1, v0;
	_ =	sdelay $0x1  }
0x17e: {  	[tilespmem:s13+$0x10] =	vst v0  }
0x17f: {  	v0 =	vld [tilespmem:s0+$0x20]  }
0x180: {  	v1 =	vld [tilespmem:s2+$0x20];
	_ =	sdelay $0x4  }
0x181: {  	v0 =	vadd.f32 v1, v0;
	_ =	sdelay $0x1  }
0x182: {  	[tilespmem:s13+$0x20] =	vst v0  }
0x183: {  	v0 =	vld [tilespmem:s0+$0x30]  }
0x184: {  	v1 =	vld [tilespmem:s2+$0x30];
	_ =	sdelay $0x4  }
0x185: {  	v0 =	vadd.f32 v1, v0;
	_ =	sdelay $0x1  }
0x186: {  	[tilespmem:s13+$0x30] =	vst v0  }
0x187: {  	v0 =	vld [tilespmem:s0+$0x40]  }
0x188: {  	v1 =	vld [tilespmem:s2+$0x40];
	_ =	sdelay $0x4  }
0x189: {  	v0 =	vadd.f32 v1, v0;
	_ =	sdelay $0x1  }
0x18a: {  	[tilespmem:s13+$0x40] =	vst v0  }
0x18b: {  	v0 =	vld [tilespmem:s0+$0x50]  }
0x18c: {  	v1 =	vld [tilespmem:s2+$0x50];
	_ =	sdelay $0x4  }
0x18d: {  	v0 =	vadd.f32 v1, v0;
	_ =	sdelay $0x1  }
0x18e: {  	[tilespmem:s13+$0x50] =	vst v0  }
0x18f: {  	s7 =	simm.s32 $0x0;
	v0 =	vld [tilespmem:s0+$0x60]  }
0x190: {  	s10 =	simm.s32 $0x8180;
	s17 =	simm.s32 $0x12080;
	s8 =	simm.s32 $0xD080;
	v1 =	vld [tilespmem:s2+$0x60]  }
.LBB2_9:
0x191: {  	s7 =	sadd.s32 $0x2, s7;
	s13 =	sadd.s32 $0x100, s13;
	s2 =	sadd.s32 $0x100, s2  }
0x192: {  	p0 =	slt.u32 s7, $0x4E;
	_ =	sdelay $0x2  }
0x193: {  	v0 =	vadd.f32 v1, v0;
	_ =	sdelay $0x1  }
0x194: {  	[tilespmem:s17+$0x60] =	vst v0  }
0x195: {  	v0 =	vld [tilespmem:s0+$0x70];
	s0 =	smov.u32 s10  }
0x196: {  	v1 =	vld [tilespmem:s8+$0x70];
	s8 =	smov.u32 s2;
	_ =	sdelay $0x4  }
0x197: {  	v0 =	vadd.f32 v1, v0;
	_ =	sdelay $0x1  }
0x198: {  	[tilespmem:s17+$0x70] =	vst v0;
	s17 =	smov.u32 s13  }
0x199: {  	v0 =	vld [tilespmem:s10+$0xFFFFFF80]  }
0x19a: {  	v1 =	vld [tilespmem:s2+$0xFFFFFF80];
	_ =	sdelay $0x4  }
0x19b: {  	v0 =	vadd.f32 v1, v0;
	_ =	sdelay $0x1  }
0x19c: {  	[tilespmem:s13+$0xFFFFFF80] =	vst v0  }
0x19d: {  	v0 =	vld [tilespmem:s2+$0xFFFFFF90]  }
0x19e: {  	v1 =	vld [tilespmem:s10+$0xFFFFFF90];
	_ =	sdelay $0x4  }
0x19f: {  	v0 =	vadd.f32 v0, v1;
	_ =	sdelay $0x1  }
0x1a0: {  	[tilespmem:s13+$0xFFFFFF90] =	vst v0  }
0x1a1: {  	v0 =	vld [tilespmem:s10+$0xFFFFFFA0]  }
0x1a2: {  	v1 =	vld [tilespmem:s2+$0xFFFFFFA0];
	_ =	sdelay $0x4  }
0x1a3: {  	v0 =	vadd.f32 v1, v0;
	_ =	sdelay $0x1  }
0x1a4: {  	[tilespmem:s13+$0xFFFFFFA0] =	vst v0  }
0x1a5: {  	v0 =	vld [tilespmem:s10+$0xFFFFFFB0]  }
0x1a6: {  	v1 =	vld [tilespmem:s2+$0xFFFFFFB0];
	_ =	sdelay $0x4  }
0x1a7: {  	v0 =	vadd.f32 v1, v0;
	_ =	sdelay $0x1  }
0x1a8: {  	[tilespmem:s13+$0xFFFFFFB0] =	vst v0  }
0x1a9: {  	v0 =	vld [tilespmem:s10+$0xFFFFFFC0]  }
0x1aa: {  	v1 =	vld [tilespmem:s2+$0xFFFFFFC0];
	_ =	sdelay $0x4  }
0x1ab: {  	v0 =	vadd.f32 v1, v0;
	_ =	sdelay $0x1  }
0x1ac: {  	[tilespmem:s13+$0xFFFFFFC0] =	vst v0  }
0x1ad: {  	v0 =	vld [tilespmem:s10+$0xFFFFFFD0]  }
0x1ae: {  	v1 =	vld [tilespmem:s2+$0xFFFFFFD0];
	_ =	sdelay $0x4  }
0x1af: {  	v0 =	vadd.f32 v1, v0;
	_ =	sdelay $0x1  }
0x1b0: {  	[tilespmem:s13+$0xFFFFFFD0] =	vst v0  }
0x1b1: {  	v0 =	vld [tilespmem:s10+$0xFFFFFFE0]  }
0x1b2: {  	v1 =	vld [tilespmem:s2+$0xFFFFFFE0];
	_ =	sdelay $0x4  }
0x1b3: {  	v0 =	vadd.f32 v1, v0;
	_ =	sdelay $0x1  }
0x1b4: {  	[tilespmem:s13+$0xFFFFFFE0] =	vst v0  }
0x1b5: {  	v0 =	vld [tilespmem:s10+$0xFFFFFFF0]  }
0x1b6: {  	v1 =	vld [tilespmem:s2+$0xFFFFFFF0];
	_ =	sdelay $0x4  }
0x1b7: {  	v0 =	vadd.f32 v1, v0;
	_ =	sdelay $0x1  }
0x1b8: {  	[tilespmem:s13+$0xFFFFFFF0] =	vst v0  }
0x1b9: {  	v0 =	vld [tilespmem:s10+$0x0]  }
0x1ba: {  	v1 =	vld [tilespmem:s2+$0x0];
	_ =	sdelay $0x4  }
0x1bb: {  	v0 =	vadd.f32 v1, v0;
	_ =	sdelay $0x1  }
0x1bc: {  	[tilespmem:s13+$0x0] =	vst v0  }
0x1bd: {  	v0 =	vld [tilespmem:s10+$0x10]  }
0x1be: {  	v1 =	vld [tilespmem:s2+$0x10];
	_ =	sdelay $0x4  }
0x1bf: {  	v0 =	vadd.f32 v1, v0;
	_ =	sdelay $0x1  }
0x1c0: {  	[tilespmem:s13+$0x10] =	vst v0  }
0x1c1: {  	v0 =	vld [tilespmem:s10+$0x20]  }
0x1c2: {  	v1 =	vld [tilespmem:s2+$0x20];
	_ =	sdelay $0x4  }
0x1c3: {  	v0 =	vadd.f32 v1, v0;
	_ =	sdelay $0x1  }
0x1c4: {  	[tilespmem:s13+$0x20] =	vst v0  }
0x1c5: {  	v0 =	vld [tilespmem:s10+$0x30]  }
0x1c6: {  	v1 =	vld [tilespmem:s2+$0x30];
	_ =	sdelay $0x4  }
0x1c7: {  	v0 =	vadd.f32 v1, v0;
	_ =	sdelay $0x1  }
0x1c8: {  	[tilespmem:s13+$0x30] =	vst v0  }
0x1c9: {  	v0 =	vld [tilespmem:s10+$0x40]  }
0x1ca: {  	v1 =	vld [tilespmem:s2+$0x40];
	_ =	sdelay $0x4  }
0x1cb: {  	v0 =	vadd.f32 v1, v0;
	_ =	sdelay $0x1  }
0x1cc: {  	[tilespmem:s13+$0x40] =	vst v0  }
0x1cd: {  	v0 =	vld [tilespmem:s10+$0x50]  }
0x1ce: {  	v1 =	vld [tilespmem:s2+$0x50];
	_ =	sdelay $0x4  }
.Ltmp4:
0x1cf: {  	v0 =	vadd.f32 v1, v0;
	(pc) =	sbr.rel @p0 .LBB2_9-.Ltmp4, $4  }
0x1d0: {  	_ = 	snop  }
0x1d1: {  	[tilespmem:s13+$0x50] =	vst v0  }
0x1d2: {  	v0 =	vld [tilespmem:s10+$0x60]  }
0x1d3: {  	s10 =	sadd.s32 $0x100, s10;
	v1 =	vld [tilespmem:s2+$0x60]  }
0x1d4: {  	_ =	sdelay $0x3  }
0x1d5: {  	v0 =	vadd.f32 v1, v0;
	_ =	sdelay $0x1  }
0x1d6: {  	[tilespmem:s17+$0x60] =	vst v0  }
0x1d7: {  	v0 =	vld [tilespmem:s0+$0x70]  }
0x1d8: {  	v63 =	vld [tilespmem:s8+$0x70];
	_ =	sdelay $0x4  }
0x1d9: {  	v0 =	vadd.f32 v63, v0;
	_ =	sdelay $0x1  }
0x1da: {  	s19 =	rddreg [dreg:$0x5];
	[tilespmem:s17+$0x70] =	vst v0  }
0x1db: {  	[hbm4b:s19+s3] =	stream.linear.scatter [tilespmem:s23], [sflag:$0x5], $0x2800, $0x38;
	[tilespmem:$0x17000] =	vst v63  }
0x1dc: {  	_ =	swait.ge [sflag:s28], $0x2800  }
0x1dd: {  	[sflag:s28] =	ssyncset.done $0x0  }
0x1de: {  	[sflag:s28] =	ssyncadd.s32 $0xFFFFD800  }
0x1df: {  	_ =	swait.ge [sflag:s29], $0x2800  }
0x1e0: {  	s30 =	sadd.s32 $0x1, s30;
	s31 =	rddreg [dreg:$0x6]  }
0x1e1: {  	p0 =	sne.s32 s30, s31  }
.Ltmp5:
0x1e2: {  	_ = 	snop;
	(pc) =	sbr.rel @p0 .LBB2_1-.Ltmp5, $3  }
0x1e3: {  	_ =	sdelay $0x1  }
0x1e4: {  	[sflag:s29] =	ssyncset.done $0x0  }
0x1e5: {  	[sflag:s29] =	ssyncadd.s32 $0xFFFFD800  }
0x1e6: {  	_ =	sfence.sel $0x180000  }
0x1e7: {  	[bflag:$0x0] =	sbarrier.arrive $0xFFFF  }
0x1e8: {  	_ =	strace $0x90000047  }
0x1e9: {  	s0 =	stileid.u32;
	[bflag:$0x2] =	sbarrier.arrive $0xFFFF  }
0x1ea: {  	p0 =	sne.s32 s0, $0x0;
	s0 =	rddreg [dreg:$0x2]  }
0x1eb: {  	s0 =	sadd.s32 @!p0 $0x100000, s0  }
0x1ec: {  	[sflag:s0] =	ssyncadd.tile.s32 @!p0 $0x1;
	_ =	shalt  }
.Lfunc_end2:
_tile_overlayer_lowered:
.L_overlay_start_2:
0x1ed: {  	(tag) =	ssettag $0x2  }
0x1ee: {  	s0 =	rddreg [dreg:$0x0];
	s2 =	stileid.u32  }
0x1ef: {  	s1 =	rddreg [dreg:$0x1];
	p0 =	sne.s32 s2, $0x0  }
0x1f0: {  	s3 =	rddreg [dreg:$0x2];
	[bflag:$0x3] =	sbarrier.arrive $0xFFFF;
	s2 =	simm.s32 @!p0 $0x1C07  }
0x1f1: {  	[timem:s3], [sflag:s2] =	dma.local @!p0 [hbm:s0], s1  }
0x1f2: {  	s0 =	simm.s32 @!p0 $0x7  }
0x1f3: {  	_ =	swait.ge @!p0 [sflag:s0], s1  }
0x1f4: {  	s1 =	ssub.s32 @!p0 $0x0, s1;
	[sflag:s0] =	ssyncset.done @!p0 $0x0  }
0x1f5: {  	[sflag:s0] =	ssyncadd.s32 @!p0 s1  }
0x1f6: {  	[bflag:$0x3] =	sbarrier.arrive $0xFFFF  }
0x1f7: {  	_ =	shalt  }

</sc_bundles>
